<compile_context>
chip_gen: v7x
topology: tpu7x:2x2x1
jax: 0.10.2.dev20260603
libtpu: 0.0.44.dev20260713+nightly
codegen_flags: <defaults>
</compile_context>

<pallas_src>
import functools
import math

import jax
import jax.numpy as jnp
from jax import lax
from jax.experimental import pallas as pl
from jax.experimental.pallas import tpu as pltpu
from jax.experimental.pallas import tpu_sc as plsc

_HEAD_DIM = 128
_HALF = _HEAD_DIM // 2
_ROPE_THETA = 1000000.0
_MAX_POS = 131072
_S_BLK = 512

_SC_CORES = 2
_SC_SUBCORES = 16
_SC_WORKERS = _SC_CORES * _SC_SUBCORES
_SC_CHUNK = 128


def _sincos_from_pos(pos_row):
    pos_row = jnp.clip(pos_row, 0, _MAX_POS - 1).astype(jnp.float32)
    pos_col = jnp.reshape(pos_row, (pos_row.shape[1], 1))
    lane = lax.broadcasted_iota(jnp.int32, (1, _HEAD_DIM), 1)
    fidx = lax.rem(lane, _HALF).astype(jnp.float32)
    inv_freq = jnp.exp(fidx * (-math.log(_ROPE_THETA) / _HALF))
    angle = pos_col * inv_freq
    cos_v = jnp.cos(angle)
    sign = jnp.where(lane < _HALF, -1.0, 1.0).astype(jnp.float32)
    sin_s = jnp.sin(angle) * sign
    return cos_v, sin_s


def _sincos_block(pos_ref, cos_ref, sin_ref):
    b = pl.program_id(0)
    s = pl.program_id(1)
    pos_row = pos_ref[pl.ds(b, 1), pl.ds(s * _S_BLK, _S_BLK)]
    cos_v, sin_s = _sincos_from_pos(pos_row)
    cos_ref[0] = cos_v
    sin_ref[0] = sin_s


def _make_sincos(position_ids):
    B, S = position_ids.shape
    return pl.pallas_call(
        _sincos_block,
        grid=(B, S // _S_BLK),
        in_specs=[pl.BlockSpec((B, S), lambda b, s: (0, 0))],
        out_specs=[
            pl.BlockSpec((1, _S_BLK, _HEAD_DIM), lambda b, s: (b, s, 0)),
            pl.BlockSpec((1, _S_BLK, _HEAD_DIM), lambda b, s: (b, s, 0)),
        ],
        out_shape=[
            jax.ShapeDtypeStruct((B, S, _HEAD_DIM), jnp.float32),
            jax.ShapeDtypeStruct((B, S, _HEAD_DIM), jnp.float32),
        ],
        compiler_params=pltpu.CompilerParams(
            dimension_semantics=("parallel", "parallel"),
        ),
    )(position_ids)


def _query_block(pos_ref, q_ref, qo_ref):
    b = pl.program_id(0)
    s = pl.program_id(1)
    pos_row = pos_ref[pl.ds(b, 1), pl.ds(s * _S_BLK, _S_BLK)]
    cos_v, sin_s = _sincos_from_pos(pos_row)
    x = q_ref[0]
    rot = pltpu.roll(x, _HALF, axis=2)
    qo_ref[0] = x * cos_v[None] + rot * sin_s[None]


def _rot_query(query, position_ids):
    B, Hq, S, D = query.shape
    return pl.pallas_call(
        _query_block,
        grid=(B, S // _S_BLK),
        in_specs=[
            pl.BlockSpec((B, S), lambda b, s: (0, 0)),
            pl.BlockSpec((1, Hq, _S_BLK, D), lambda b, s: (b, 0, s, 0)),
        ],
        out_specs=pl.BlockSpec((1, Hq, _S_BLK, D), lambda b, s: (b, 0, s, 0)),
        out_shape=jax.ShapeDtypeStruct(query.shape, query.dtype),
        compiler_params=pltpu.CompilerParams(
            dimension_semantics=("parallel", "parallel"),
        ),
    )(position_ids, query)


def _sc_key_body(key_hbm, cos_hbm, sin_hbm, out_hbm, cos_v, sin_v, k_v, o_v):
    B, Hkv, S, D = key_hbm.shape
    rows_per_worker = (B * S) // _SC_WORKERS
    n_chunks = rows_per_worker // _SC_CHUNK
    workers_per_batch = _SC_WORKERS // B

    wid = lax.axis_index("s") * _SC_CORES + lax.axis_index("c")
    b = wid // workers_per_batch
    s_base = (wid % workers_per_batch) * rows_per_worker

    for chunk in range(n_chunks):
        s0 = s_base + chunk * _SC_CHUNK
        pltpu.sync_copy(cos_hbm.at[b, pl.ds(s0, _SC_CHUNK)], cos_v)
        pltpu.sync_copy(sin_hbm.at[b, pl.ds(s0, _SC_CHUNK)], sin_v)
        for h in range(Hkv):
            pltpu.sync_copy(key_hbm.at[b, h, pl.ds(s0, _SC_CHUNK)], k_v)

            def row(r, carry):
                ks = [k_v[r, pl.ds(16 * j, 16)] for j in range(8)]
                for j in range(8):
                    o_v[r, pl.ds(16 * j, 16)] = (
                        ks[j] * cos_v[r, pl.ds(16 * j, 16)]
                        + ks[(j + 4) % 8] * sin_v[r, pl.ds(16 * j, 16)]
                    )
                return carry

            lax.fori_loop(0, _SC_CHUNK, row, 0)
            pltpu.sync_copy(o_v, out_hbm.at[b, h, pl.ds(s0, _SC_CHUNK)])


def _rot_key_sc(key, cos_t, sin_t):
    mesh = plsc.VectorSubcoreMesh(core_axis_name="c", subcore_axis_name="s")
    f = pl.kernel(
        _sc_key_body,
        out_type=jax.ShapeDtypeStruct(key.shape, key.dtype),
        mesh=mesh,
        scratch_types=[
            pltpu.VMEM((_SC_CHUNK, _HEAD_DIM), jnp.float32),
            pltpu.VMEM((_SC_CHUNK, _HEAD_DIM), jnp.float32),
            pltpu.VMEM((_SC_CHUNK, _HEAD_DIM), jnp.float32),
            pltpu.VMEM((_SC_CHUNK, _HEAD_DIM), jnp.float32),
        ],
    )
    return f(key, cos_t, sin_t)


def kernel(key, query, position_ids):
    cos_t, sin_t = _make_sincos(position_ids)
    key_rotated = _rot_key_sc(key, cos_t, sin_t)
    query_rotated = _rot_query(query, position_ids)
    return (key_rotated, query_rotated)

# --- scband reference (transcript-rebuilt; emitter-appended) ---
"""Pipeline reference for scband-flax-qwen25-rotary-embedding-20495583936666 (READ-ONLY COPY).

The authoritative reference and input builder live on the scoring server;
editing this copy changes nothing except your own understanding.
"""

import jax, jax.numpy as jnp
import numpy as np

HEAD_DIM = 3584 // 28  # 128
ROPE_THETA = 1000000.0
MAX_POS = 131072


def create_sinusoidal_positions(num_pos, dim, base=10000):
    if dim % 2 != 0:
        raise ValueError(f'Embedding dimension {dim} should be even')
    positions = jnp.arange(0, num_pos, dtype=jnp.float32)
    half_dim = dim // 2
    freq_indices = jnp.arange(0, half_dim, dtype=jnp.float32)
    inv_freq = 1.0 / base ** (freq_indices / half_dim)
    pos_emb = jnp.outer(positions, inv_freq)
    sin = jnp.sin(pos_emb)
    cos = jnp.cos(pos_emb)
    sincos = jnp.stack([sin, cos], axis=1)
    return sincos


def rotate_half(x):
    x1, x2 = jnp.split(x, 2, axis=-1)
    return jnp.concatenate([-x2, x1], axis=-1)


def apply_rotary_pos_emb(tensor, sin, cos):
    if sin.shape[1] == 1 and tensor.shape[1] > 1:
        sin = jnp.broadcast_to(sin, tensor.shape)
        cos = jnp.broadcast_to(cos, tensor.shape)
    return tensor * cos + rotate_half(tensor) * sin


def setup_inputs() -> dict:
    rk = jax.random.key(0)
    k1, k2 = jax.random.split(rk)
    B, Hq, Hkv, S = 2, 28, 4, 4096
    key = jax.random.normal(k1, (B, Hkv, S, HEAD_DIM), dtype=jnp.float32)
    query = jax.random.normal(k2, (B, Hq, S, HEAD_DIM), dtype=jnp.float32)
    position_ids = jnp.arange(B * S, dtype=jnp.int32).reshape(B, S)
    return {"key": key, "query": query, "position_ids": position_ids}


def reference(key, query, position_ids):
    head_dim = query.shape[-1]
    half_head_dim = head_dim // 2
    sin_cos = create_sinusoidal_positions(MAX_POS, head_dim, ROPE_THETA)
    seq_length = position_ids.shape[-1]
    batch_size = position_ids.shape[0]
    position_ids_flat = position_ids.reshape(-1)
    safe_position_ids = jnp.clip(position_ids_flat, 0, sin_cos.shape[0] - 1)
    sin_cos_pos = jnp.take(sin_cos, safe_position_ids, axis=0)
    sin = sin_cos_pos[:, 0]
    cos = sin_cos_pos[:, 1]
    sin = sin.reshape(batch_size, seq_length, half_head_dim)
    cos = cos.reshape(batch_size, seq_length, half_head_dim)
    sin = sin[:, None, :, :]
    cos = cos[:, None, :, :]
    sin = jnp.concatenate([sin, sin], axis=-1)
    cos = jnp.concatenate([cos, cos], axis=-1)
    key_rotated = apply_rotary_pos_emb(key, sin, cos)
    query_rotated = apply_rotary_pos_emb(query, sin, cos)
    return (key_rotated, query_rotated)

if __name__ == "__main__":
    import jax
    _d = setup_inputs()
    print(jax.jit(kernel)(*tuple(_d.values())))

</pallas_src>

<mosaic_0001>
#map = affine_map<(d0, d1) -> (0, 0, 0, 0)>
#map1 = affine_map<(d0, d1) -> (0, 0, 0)>
module attributes {stable_mosaic.version = 14 : i64} {
  func.func @_sc_key_body(%arg0: i32, %arg1: i32, %arg2: memref<2x4x4096x128xf32, #tpu.memory_space<hbm>>, %arg3: memref<2x4096x128xf32, #tpu.memory_space<hbm>>, %arg4: memref<2x4096x128xf32, #tpu.memory_space<hbm>>, %arg5: memref<2x4x4096x128xf32, #tpu.memory_space<hbm>>, %arg6: memref<128x128xf32, #tpu.memory_space<vmem>>, %arg7: memref<128x128xf32, #tpu.memory_space<vmem>>, %arg8: memref<128x128xf32, #tpu.memory_space<vmem>>, %arg9: memref<128x128xf32, #tpu.memory_space<vmem>>) attributes {dimension_semantics = [#tpu.dimension_semantics<core_parallel>, #tpu.dimension_semantics<subcore_parallel>], iteration_bounds = array<i64: 2, 16>, scalar_prefetch = 0 : i64, scratch_operands = 4 : i64, tpu.core_type = #tpu.core_type<sc_vector_subcore>, window_params = [{transform_indices = #map}, {transform_indices = #map1}, {transform_indices = #map1}, {transform_indices = #map}]} {
    %mul3A = arith.constant 2 : i32
    %mul3A_0 = arith.muli %arg1, %mul3A : i32
    %add3A = arith.addi %mul3A_0, %arg0 : i32
    %jit3A = arith.constant 16 : i32
    %div3A = arith.divsi %add3A, %jit3A : i32
    %sign3A = arith.constant 0 : i32
    %sign3A_1 = arith.cmpi sgt, %add3A, %sign3A : i32
    %sign3A_2 = arith.extui %sign3A_1 : i1 to i32
    %sign3A_3 = arith.constant 0 : i32
    %sign3A_4 = arith.cmpi slt, %add3A, %sign3A_3 : i32
    %sign3A_5 = arith.extui %sign3A_4 : i1 to i32
    %sign3A_6 = arith.subi %sign3A_2, %sign3A_5 : i32
    %sign3A_7 = arith.constant 0 : i32
    %sign3A_8 = arith.cmpi sgt, %jit3A, %sign3A_7 : i32
    %sign3A_9 = arith.extui %sign3A_8 : i1 to i32
    %sign3A_10 = arith.constant 0 : i32
    %sign3A_11 = arith.cmpi slt, %jit3A, %sign3A_10 : i32
    %sign3A_12 = arith.extui %sign3A_11 : i1 to i32
    %sign3A_13 = arith.subi %sign3A_9, %sign3A_12 : i32
    %ne3A = arith.cmpi ne, %sign3A_6, %sign3A_13 : i32
    %rem3A = arith.remsi %add3A, %jit3A : i32
    %ne3A_14 = arith.constant 0 : i32
    %ne3A_15 = arith.cmpi ne, %rem3A, %ne3A_14 : i32
    %and3A = arith.andi %ne3A, %ne3A_15 : i1
    %sub3A = arith.constant 1 : i32
    %sub3A_16 = arith.subi %div3A, %sub3A : i32
    %select_n3A = arith.select %and3A, %sub3A_16, %div3A : i32
    %jit3A_17 = arith.constant 16 : i32
    %eq3A = arith.constant 0 : i32
    %eq3A_18 = arith.cmpi eq, %jit3A_17, %eq3A : i32
    %jit3A_19 = arith.constant 1 : i32
    %select_n3A_20 = arith.select %eq3A_18, %jit3A_19, %jit3A_17 : i32
    %rem3A_21 = arith.remsi %add3A, %select_n3A_20 : i32
    %ne3A_22 = arith.constant 0 : i32
    %ne3A_23 = arith.cmpi ne, %rem3A_21, %ne3A_22 : i32
    %lt3A = arith.constant 0 : i32
    %lt3A_24 = arith.cmpi slt, %rem3A_21, %lt3A : i32
    %lt3A_25 = arith.constant 0 : i32
    %lt3A_26 = arith.cmpi slt, %select_n3A_20, %lt3A_25 : i32
    %ne3A_27 = arith.xori %lt3A_24, %lt3A_26 : i1
    %and3A_28 = arith.andi %ne3A_27, %ne3A_23 : i1
    %add3A_29 = arith.addi %rem3A_21, %select_n3A_20 : i32
    %select_n3A_30 = arith.select %and3A_28, %add3A_29, %rem3A_21 : i32
    %mul3A_31 = arith.constant 256 : i32
    %mul3A_32 = arith.muli %select_n3A_30, %mul3A_31 : i32
    %add3A_33 = arith.constant 0 : i32
    %add3A_34 = arith.addi %mul3A_32, %add3A_33 : i32
    "tpu.region"() ({
      %run_scoped3A_99 = tpu.sem_alloc : memref<!tpu.dma_semaphore, #tpu.memory_space<semaphore_mem>>
      %dma_start3A = arith.constant 0 : i32
      %dma_start3A_100 = tpu.memref_slice %arg3[%select_n3A, %add3A_34, %dma_start3A] : memref<2x4096x128xf32, #tpu.memory_space<hbm>> -> memref<1x128x128xf32, #tpu.memory_space<hbm>>
      %dma_start3A_101 = tpu.memref_squeeze %dma_start3A_100 : memref<1x128x128xf32, #tpu.memory_space<hbm>> -> memref<128x128xf32, #tpu.memory_space<hbm>>
      %dma_start3A_102 = arith.constant 0 : i32
      %dma_start3A_103 = tpu.memref_slice %arg3[%select_n3A, %add3A_34, %dma_start3A_102] : memref<2x4096x128xf32, #tpu.memory_space<hbm>> -> memref<1x128x128xf32, #tpu.memory_space<hbm>>
      %dma_start3A_104 = tpu.memref_squeeze %dma_start3A_103 : memref<1x128x128xf32, #tpu.memory_space<hbm>> -> memref<128x128xf32, #tpu.memory_space<hbm>>
      tpu.enqueue_dma source(%dma_start3A_104 : memref<128x128xf32, #tpu.memory_space<hbm>>) target(%arg6 : memref<128x128xf32, #tpu.memory_space<vmem>>) target_semaphore(%run_scoped3A_99 : memref<!tpu.dma_semaphore, #tpu.memory_space<semaphore_mem>>)
      %dma_wait3A = arith.constant 0 : i32
      %dma_wait3A_105 = tpu.memref_slice %arg3[%select_n3A, %add3A_34, %dma_wait3A] : memref<2x4096x128xf32, #tpu.memory_space<hbm>> -> memref<1x128x128xf32, #tpu.memory_space<hbm>>
      %dma_wait3A_106 = tpu.memref_squeeze %dma_wait3A_105 : memref<1x128x128xf32, #tpu.memory_space<hbm>> -> memref<128x128xf32, #tpu.memory_space<hbm>>
      %dma_wait3A_107 = arith.constant 0 : i32
      %dma_wait3A_108 = tpu.memref_slice %arg3[%select_n3A, %add3A_34, %dma_wait3A_107] : memref<2x4096x128xf32, #tpu.memory_space<hbm>> -> memref<1x128x128xf32, #tpu.memory_space<hbm>>
      %dma_wait3A_109 = tpu.memref_squeeze %dma_wait3A_108 : memref<1x128x128xf32, #tpu.memory_space<hbm>> -> memref<128x128xf32, #tpu.memory_space<hbm>>
      tpu.wait_dma2 semaphore(%run_scoped3A_99 : memref<!tpu.dma_semaphore, #tpu.memory_space<semaphore_mem>>) src(%dma_wait3A_109 : memref<128x128xf32, #tpu.memory_space<hbm>>) dst(%arg6 : memref<128x128xf32, #tpu.memory_space<vmem>>)
      tpu.yield
    }) : () -> ()
    "tpu.region"() ({
      %run_scoped3A_99 = tpu.sem_alloc : memref<!tpu.dma_semaphore, #tpu.memory_space<semaphore_mem>>
      %dma_start3A = arith.constant 0 : i32
      %dma_start3A_100 = tpu.memref_slice %arg4[%select_n3A, %add3A_34, %dma_start3A] : memref<2x4096x128xf32, #tpu.memory_space<hbm>> -> memref<1x128x128xf32, #tpu.memory_space<hbm>>
      %dma_start3A_101 = tpu.memref_squeeze %dma_start3A_100 : memref<1x128x128xf32, #tpu.memory_space<hbm>> -> memref<128x128xf32, #tpu.memory_space<hbm>>
      %dma_start3A_102 = arith.constant 0 : i32
      %dma_start3A_103 = tpu.memref_slice %arg4[%select_n3A, %add3A_34, %dma_start3A_102] : memref<2x4096x128xf32, #tpu.memory_space<hbm>> -> memref<1x128x128xf32, #tpu.memory_space<hbm>>
      %dma_start3A_104 = tpu.memref_squeeze %dma_start3A_103 : memref<1x128x128xf32, #tpu.memory_space<hbm>> -> memref<128x128xf32, #tpu.memory_space<hbm>>
      tpu.enqueue_dma source(%dma_start3A_104 : memref<128x128xf32, #tpu.memory_space<hbm>>) target(%arg7 : memref<128x128xf32, #tpu.memory_space<vmem>>) target_semaphore(%run_scoped3A_99 : memref<!tpu.dma_semaphore, #tpu.memory_space<semaphore_mem>>)
      %dma_wait3A = arith.constant 0 : i32
      %dma_wait3A_105 = tpu.memref_slice %arg4[%select_n3A, %add3A_34, %dma_wait3A] : memref<2x4096x128xf32, #tpu.memory_space<hbm>> -> memref<1x128x128xf32, #tpu.memory_space<hbm>>
      %dma_wait3A_106 = tpu.memref_squeeze %dma_wait3A_105 : memref<1x128x128xf32, #tpu.memory_space<hbm>> -> memref<128x128xf32, #tpu.memory_space<hbm>>
      %dma_wait3A_107 = arith.constant 0 : i32
      %dma_wait3A_108 = tpu.memref_slice %arg4[%select_n3A, %add3A_34, %dma_wait3A_107] : memref<2x4096x128xf32, #tpu.memory_space<hbm>> -> memref<1x128x128xf32, #tpu.memory_space<hbm>>
      %dma_wait3A_109 = tpu.memref_squeeze %dma_wait3A_108 : memref<1x128x128xf32, #tpu.memory_space<hbm>> -> memref<128x128xf32, #tpu.memory_space<hbm>>
      tpu.wait_dma2 semaphore(%run_scoped3A_99 : memref<!tpu.dma_semaphore, #tpu.memory_space<semaphore_mem>>) src(%dma_wait3A_109 : memref<128x128xf32, #tpu.memory_space<hbm>>) dst(%arg7 : memref<128x128xf32, #tpu.memory_space<vmem>>)
      tpu.yield
    }) : () -> ()
    %run_scoped3A = arith.constant 0 : i32
    "tpu.region"() ({
      %run_scoped3A_99 = tpu.sem_alloc : memref<!tpu.dma_semaphore, #tpu.memory_space<semaphore_mem>>
      %dma_start3A = arith.constant 0 : i32
      %dma_start3A_100 = tpu.memref_slice %arg2[%select_n3A, %run_scoped3A, %add3A_34, %dma_start3A] : memref<2x4x4096x128xf32, #tpu.memory_space<hbm>> -> memref<1x1x128x128xf32, #tpu.memory_space<hbm>>
      %dma_start3A_101 = tpu.memref_squeeze %dma_start3A_100 : memref<1x1x128x128xf32, #tpu.memory_space<hbm>> -> memref<128x128xf32, #tpu.memory_space<hbm>>
      %dma_start3A_102 = arith.constant 0 : i32
      %dma_start3A_103 = tpu.memref_slice %arg2[%select_n3A, %run_scoped3A, %add3A_34, %dma_start3A_102] : memref<2x4x4096x128xf32, #tpu.memory_space<hbm>> -> memref<1x1x128x128xf32, #tpu.memory_space<hbm>>
      %dma_start3A_104 = tpu.memref_squeeze %dma_start3A_103 : memref<1x1x128x128xf32, #tpu.memory_space<hbm>> -> memref<128x128xf32, #tpu.memory_space<hbm>>
      tpu.enqueue_dma source(%dma_start3A_104 : memref<128x128xf32, #tpu.memory_space<hbm>>) target(%arg8 : memref<128x128xf32, #tpu.memory_space<vmem>>) target_semaphore(%run_scoped3A_99 : memref<!tpu.dma_semaphore, #tpu.memory_space<semaphore_mem>>)
      %dma_wait3A = arith.constant 0 : i32
      %dma_wait3A_105 = tpu.memref_slice %arg2[%select_n3A, %run_scoped3A, %add3A_34, %dma_wait3A] : memref<2x4x4096x128xf32, #tpu.memory_space<hbm>> -> memref<1x1x128x128xf32, #tpu.memory_space<hbm>>
      %dma_wait3A_106 = tpu.memref_squeeze %dma_wait3A_105 : memref<1x1x128x128xf32, #tpu.memory_space<hbm>> -> memref<128x128xf32, #tpu.memory_space<hbm>>
      %dma_wait3A_107 = arith.constant 0 : i32
      %dma_wait3A_108 = tpu.memref_slice %arg2[%select_n3A, %run_scoped3A, %add3A_34, %dma_wait3A_107] : memref<2x4x4096x128xf32, #tpu.memory_space<hbm>> -> memref<1x1x128x128xf32, #tpu.memory_space<hbm>>
      %dma_wait3A_109 = tpu.memref_squeeze %dma_wait3A_108 : memref<1x1x128x128xf32, #tpu.memory_space<hbm>> -> memref<128x128xf32, #tpu.memory_space<hbm>>
      tpu.wait_dma2 semaphore(%run_scoped3A_99 : memref<!tpu.dma_semaphore, #tpu.memory_space<semaphore_mem>>) src(%dma_wait3A_109 : memref<128x128xf32, #tpu.memory_space<hbm>>) dst(%arg8 : memref<128x128xf32, #tpu.memory_space<vmem>>)
      tpu.yield
    }) : () -> ()
    %scan3A = arith.constant 0 : i32
    %scan3A_35 = arith.constant 0 : i32
    %scan3A_36 = arith.constant 128 : i32
    %scan3A_37 = arith.addi %scan3A_35, %scan3A_36 : i32
    %scan3A_38 = arith.constant 1 : i32
    scf.for %scan3A_99 = %scan3A_35 to %scan3A_37 step %scan3A_38  : i32 {
      %get3A = arith.index_cast %scan3A_99 : i32 to index
      %get3A_100 = arith.constant 0 : index
      %get3A_101 = tpu.vector_load %arg8[%get3A, %get3A_100] {strides = array<i32>} : memref<128x128xf32, #tpu.memory_space<vmem>>, vector<1x16xf32>,
      %get3A_102 = vector.shape_cast %get3A_101 : vector<1x16xf32> to vector<16xf32>
      %get3A_103 = arith.index_cast %scan3A_99 : i32 to index
      %get3A_104 = arith.constant 16 : index
      %get3A_105 = tpu.vector_load %arg8[%get3A_103, %get3A_104] {strides = array<i32>} : memref<128x128xf32, #tpu.memory_space<vmem>>, vector<1x16xf32>,
      %get3A_106 = vector.shape_cast %get3A_105 : vector<1x16xf32> to vector<16xf32>
      %get3A_107 = arith.index_cast %scan3A_99 : i32 to index
      %get3A_108 = arith.constant 32 : index
      %get3A_109 = tpu.vector_load %arg8[%get3A_107, %get3A_108] {strides = array<i32>} : memref<128x128xf32, #tpu.memory_space<vmem>>, vector<1x16xf32>,
      %get3A_110 = vector.shape_cast %get3A_109 : vector<1x16xf32> to vector<16xf32>
      %get3A_111 = arith.index_cast %scan3A_99 : i32 to index
      %get3A_112 = arith.constant 48 : index
      %get3A_113 = tpu.vector_load %arg8[%get3A_111, %get3A_112] {strides = array<i32>} : memref<128x128xf32, #tpu.memory_space<vmem>>, vector<1x16xf32>,
      %get3A_114 = vector.shape_cast %get3A_113 : vector<1x16xf32> to vector<16xf32>
      %get3A_115 = arith.index_cast %scan3A_99 : i32 to index
      %get3A_116 = arith.constant 64 : index
      %get3A_117 = tpu.vector_load %arg8[%get3A_115, %get3A_116] {strides = array<i32>} : memref<128x128xf32, #tpu.memory_space<vmem>>, vector<1x16xf32>,
      %get3A_118 = vector.shape_cast %get3A_117 : vector<1x16xf32> to vector<16xf32>
      %get3A_119 = arith.index_cast %scan3A_99 : i32 to index
      %get3A_120 = arith.constant 80 : index
      %get3A_121 = tpu.vector_load %arg8[%get3A_119, %get3A_120] {strides = array<i32>} : memref<128x128xf32, #tpu.memory_space<vmem>>, vector<1x16xf32>,
      %get3A_122 = vector.shape_cast %get3A_121 : vector<1x16xf32> to vector<16xf32>
      %get3A_123 = arith.index_cast %scan3A_99 : i32 to index
      %get3A_124 = arith.constant 96 : index
      %get3A_125 = tpu.vector_load %arg8[%get3A_123, %get3A_124] {strides = array<i32>} : memref<128x128xf32, #tpu.memory_space<vmem>>, vector<1x16xf32>,
      %get3A_126 = vector.shape_cast %get3A_125 : vector<1x16xf32> to vector<16xf32>
      %get3A_127 = arith.index_cast %scan3A_99 : i32 to index
      %get3A_128 = arith.constant 112 : index
      %get3A_129 = tpu.vector_load %arg8[%get3A_127, %get3A_128] {strides = array<i32>} : memref<128x128xf32, #tpu.memory_space<vmem>>, vector<1x16xf32>,
      %get3A_130 = vector.shape_cast %get3A_129 : vector<1x16xf32> to vector<16xf32>
      %get3A_131 = arith.index_cast %scan3A_99 : i32 to index
      %get3A_132 = arith.constant 0 : index
      %get3A_133 = tpu.vector_load %arg6[%get3A_131, %get3A_132] {strides = array<i32>} : memref<128x128xf32, #tpu.memory_space<vmem>>, vector<1x16xf32>,
      %get3A_134 = vector.shape_cast %get3A_133 : vector<1x16xf32> to vector<16xf32>
      %mul3A_135 = arith.mulf %get3A_102, %get3A_134 : vector<16xf32>
      %get3A_136 = arith.index_cast %scan3A_99 : i32 to index
      %get3A_137 = arith.constant 0 : index
      %get3A_138 = tpu.vector_load %arg7[%get3A_136, %get3A_137] {strides = array<i32>} : memref<128x128xf32, #tpu.memory_space<vmem>>, vector<1x16xf32>,
      %get3A_139 = vector.shape_cast %get3A_138 : vector<1x16xf32> to vector<16xf32>
      %mul3A_140 = arith.mulf %get3A_118, %get3A_139 : vector<16xf32>
      %add3A_141 = arith.addf %mul3A_135, %mul3A_140 : vector<16xf32>
      %swap3A = arith.index_cast %scan3A_99 : i32 to index
      %swap3A_142 = arith.constant 0 : index
      %swap3A_143 = tpu.vector_load %arg9[%swap3A, %swap3A_142] {strides = array<i32>} : memref<128x128xf32, #tpu.memory_space<vmem>>, vector<1x16xf32>,
      %swap3A_144 = vector.shape_cast %swap3A_143 : vector<1x16xf32> to vector<16xf32>
      %swap3A_145 = vector.shape_cast %add3A_141 : vector<16xf32> to vector<1x16xf32>
      tpu.vector_store %arg9[%swap3A, %swap3A_142], %swap3A_145 {strides = array<i32>} : memref<128x128xf32, #tpu.memory_space<vmem>>, vector<1x16xf32>,
      %get3A_146 = arith.index_cast %scan3A_99 : i32 to index
      %get3A_147 = arith.constant 16 : index
      %get3A_148 = tpu.vector_load %arg6[%get3A_146, %get3A_147] {strides = array<i32>} : memref<128x128xf32, #tpu.memory_space<vmem>>, vector<1x16xf32>,
      %get3A_149 = vector.shape_cast %get3A_148 : vector<1x16xf32> to vector<16xf32>
      %mul3A_150 = arith.mulf %get3A_106, %get3A_149 : vector<16xf32>
      %get3A_151 = arith.index_cast %scan3A_99 : i32 to index
      %get3A_152 = arith.constant 16 : index
      %get3A_153 = tpu.vector_load %arg7[%get3A_151, %get3A_152] {strides = array<i32>} : memref<128x128xf32, #tpu.memory_space<vmem>>, vector<1x16xf32>,
      %get3A_154 = vector.shape_cast %get3A_153 : vector<1x16xf32> to vector<16xf32>
      %mul3A_155 = arith.mulf %get3A_122, %get3A_154 : vector<16xf32>
      %add3A_156 = arith.addf %mul3A_150, %mul3A_155 : vector<16xf32>
      %swap3A_157 = arith.index_cast %scan3A_99 : i32 to index
      %swap3A_158 = arith.constant 16 : index
      %swap3A_159 = tpu.vector_load %arg9[%swap3A_157, %swap3A_158] {strides = array<i32>} : memref<128x128xf32, #tpu.memory_space<vmem>>, vector<1x16xf32>,
      %swap3A_160 = vector.shape_cast %swap3A_159 : vector<1x16xf32> to vector<16xf32>
      %swap3A_161 = vector.shape_cast %add3A_156 : vector<16xf32> to vector<1x16xf32>
      tpu.vector_store %arg9[%swap3A_157, %swap3A_158], %swap3A_161 {strides = array<i32>} : memref<128x128xf32, #tpu.memory_space<vmem>>, vector<1x16xf32>,
      %get3A_162 = arith.index_cast %scan3A_99 : i32 to index
      %get3A_163 = arith.constant 32 : index
      %get3A_164 = tpu.vector_load %arg6[%get3A_162, %get3A_163] {strides = array<i32>} : memref<128x128xf32, #tpu.memory_space<vmem>>, vector<1x16xf32>,
      %get3A_165 = vector.shape_cast %get3A_164 : vector<1x16xf32> to vector<16xf32>
      %mul3A_166 = arith.mulf %get3A_110, %get3A_165 : vector<16xf32>
      %get3A_167 = arith.index_cast %scan3A_99 : i32 to index
      %get3A_168 = arith.constant 32 : index
      %get3A_169 = tpu.vector_load %arg7[%get3A_167, %get3A_168] {strides = array<i32>} : memref<128x128xf32, #tpu.memory_space<vmem>>, vector<1x16xf32>,
      %get3A_170 = vector.shape_cast %get3A_169 : vector<1x16xf32> to vector<16xf32>
      %mul3A_171 = arith.mulf %get3A_126, %get3A_170 : vector<16xf32>
      %add3A_172 = arith.addf %mul3A_166, %mul3A_171 : vector<16xf32>
      %swap3A_173 = arith.index_cast %scan3A_99 : i32 to index
      %swap3A_174 = arith.constant 32 : index
      %swap3A_175 = tpu.vector_load %arg9[%swap3A_173, %swap3A_174] {strides = array<i32>} : memref<128x128xf32, #tpu.memory_space<vmem>>, vector<1x16xf32>,
      %swap3A_176 = vector.shape_cast %swap3A_175 : vector<1x16xf32> to vector<16xf32>
      %swap3A_177 = vector.shape_cast %add3A_172 : vector<16xf32> to vector<1x16xf32>
      tpu.vector_store %arg9[%swap3A_173, %swap3A_174], %swap3A_177 {strides = array<i32>} : memref<128x128xf32, #tpu.memory_space<vmem>>, vector<1x16xf32>,
      %get3A_178 = arith.index_cast %scan3A_99 : i32 to index
      %get3A_179 = arith.constant 48 : index
      %get3A_180 = tpu.vector_load %arg6[%get3A_178, %get3A_179] {strides = array<i32>} : memref<128x128xf32, #tpu.memory_space<vmem>>, vector<1x16xf32>,
      %get3A_181 = vector.shape_cast %get3A_180 : vector<1x16xf32> to vector<16xf32>
      %mul3A_182 = arith.mulf %get3A_114, %get3A_181 : vector<16xf32>
      %get3A_183 = arith.index_cast %scan3A_99 : i32 to index
      %get3A_184 = arith.constant 48 : index
      %get3A_185 = tpu.vector_load %arg7[%get3A_183, %get3A_184] {strides = array<i32>} : memref<128x128xf32, #tpu.memory_space<vmem>>, vector<1x16xf32>,
      %get3A_186 = vector.shape_cast %get3A_185 : vector<1x16xf32> to vector<16xf32>
      %mul3A_187 = arith.mulf %get3A_130, %get3A_186 : vector<16xf32>
      %add3A_188 = arith.addf %mul3A_182, %mul3A_187 : vector<16xf32>
      %swap3A_189 = arith.index_cast %scan3A_99 : i32 to index
      %swap3A_190 = arith.constant 48 : index
      %swap3A_191 = tpu.vector_load %arg9[%swap3A_189, %swap3A_190] {strides = array<i32>} : memref<128x128xf32, #tpu.memory_space<vmem>>, vector<1x16xf32>,
      %swap3A_192 = vector.shape_cast %swap3A_191 : vector<1x16xf32> to vector<16xf32>
      %swap3A_193 = vector.shape_cast %add3A_188 : vector<16xf32> to vector<1x16xf32>
      tpu.vector_store %arg9[%swap3A_189, %swap3A_190], %swap3A_193 {strides = array<i32>} : memref<128x128xf32, #tpu.memory_space<vmem>>, vector<1x16xf32>,
      %get3A_194 = arith.index_cast %scan3A_99 : i32 to index
      %get3A_195 = arith.constant 64 : index
      %get3A_196 = tpu.vector_load %arg6[%get3A_194, %get3A_195] {strides = array<i32>} : memref<128x128xf32, #tpu.memory_space<vmem>>, vector<1x16xf32>,
      %get3A_197 = vector.shape_cast %get3A_196 : vector<1x16xf32> to vector<16xf32>
      %mul3A_198 = arith.mulf %get3A_118, %get3A_197 : vector<16xf32>
      %get3A_199 = arith.index_cast %scan3A_99 : i32 to index
      %get3A_200 = arith.constant 64 : index
      %get3A_201 = tpu.vector_load %arg7[%get3A_199, %get3A_200] {strides = array<i32>} : memref<128x128xf32, #tpu.memory_space<vmem>>, vector<1x16xf32>,
      %get3A_202 = vector.shape_cast %get3A_201 : vector<1x16xf32> to vector<16xf32>
      %mul3A_203 = arith.mulf %get3A_102, %get3A_202 : vector<16xf32>
      %add3A_204 = arith.addf %mul3A_198, %mul3A_203 : vector<16xf32>
      %swap3A_205 = arith.index_cast %scan3A_99 : i32 to index
      %swap3A_206 = arith.constant 64 : index
      %swap3A_207 = tpu.vector_load %arg9[%swap3A_205, %swap3A_206] {strides = array<i32>} : memref<128x128xf32, #tpu.memory_space<vmem>>, vector<1x16xf32>,
      %swap3A_208 = vector.shape_cast %swap3A_207 : vector<1x16xf32> to vector<16xf32>
      %swap3A_209 = vector.shape_cast %add3A_204 : vector<16xf32> to vector<1x16xf32>
      tpu.vector_store %arg9[%swap3A_205, %swap3A_206], %swap3A_209 {strides = array<i32>} : memref<128x128xf32, #tpu.memory_space<vmem>>, vector<1x16xf32>,
      %get3A_210 = arith.index_cast %scan3A_99 : i32 to index
      %get3A_211 = arith.constant 80 : index
      %get3A_212 = tpu.vector_load %arg6[%get3A_210, %get3A_211] {strides = array<i32>} : memref<128x128xf32, #tpu.memory_space<vmem>>, vector<1x16xf32>,
      %get3A_213 = vector.shape_cast %get3A_212 : vector<1x16xf32> to vector<16xf32>
      %mul3A_214 = arith.mulf %get3A_122, %get3A_213 : vector<16xf32>
      %get3A_215 = arith.index_cast %scan3A_99 : i32 to index
      %get3A_216 = arith.constant 80 : index
      %get3A_217 = tpu.vector_load %arg7[%get3A_215, %get3A_216] {strides = array<i32>} : memref<128x128xf32, #tpu.memory_space<vmem>>, vector<1x16xf32>,
      %get3A_218 = vector.shape_cast %get3A_217 : vector<1x16xf32> to vector<16xf32>
      %mul3A_219 = arith.mulf %get3A_106, %get3A_218 : vector<16xf32>
      %add3A_220 = arith.addf %mul3A_214, %mul3A_219 : vector<16xf32>
      %swap3A_221 = arith.index_cast %scan3A_99 : i32 to index
      %swap3A_222 = arith.constant 80 : index
      %swap3A_223 = tpu.vector_load %arg9[%swap3A_221, %swap3A_222] {strides = array<i32>} : memref<128x128xf32, #tpu.memory_space<vmem>>, vector<1x16xf32>,
      %swap3A_224 = vector.shape_cast %swap3A_223 : vector<1x16xf32> to vector<16xf32>
      %swap3A_225 = vector.shape_cast %add3A_220 : vector<16xf32> to vector<1x16xf32>
      tpu.vector_store %arg9[%swap3A_221, %swap3A_222], %swap3A_225 {strides = array<i32>} : memref<128x128xf32, #tpu.memory_space<vmem>>, vector<1x16xf32>,
      %get3A_226 = arith.index_cast %scan3A_99 : i32 to index
      %get3A_227 = arith.constant 96 : index
      %get3A_228 = tpu.vector_load %arg6[%get3A_226, %get3A_227] {strides = array<i32>} : memref<128x128xf32, #tpu.memory_space<vmem>>, vector<1x16xf32>,
      %get3A_229 = vector.shape_cast %get3A_228 : vector<1x16xf32> to vector<16xf32>
      %mul3A_230 = arith.mulf %get3A_126, %get3A_229 : vector<16xf32>
      %get3A_231 = arith.index_cast %scan3A_99 : i32 to index
      %get3A_232 = arith.constant 96 : index
      %get3A_233 = tpu.vector_load %arg7[%get3A_231, %get3A_232] {strides = array<i32>} : memref<128x128xf32, #tpu.memory_space<vmem>>, vector<1x16xf32>,
      %get3A_234 = vector.shape_cast %get3A_233 : vector<1x16xf32> to vector<16xf32>
      %mul3A_235 = arith.mulf %get3A_110, %get3A_234 : vector<16xf32>
      %add3A_236 = arith.addf %mul3A_230, %mul3A_235 : vector<16xf32>
      %swap3A_237 = arith.index_cast %scan3A_99 : i32 to index
      %swap3A_238 = arith.constant 96 : index
      %swap3A_239 = tpu.vector_load %arg9[%swap3A_237, %swap3A_238] {strides = array<i32>} : memref<128x128xf32, #tpu.memory_space<vmem>>, vector<1x16xf32>,
      %swap3A_240 = vector.shape_cast %swap3A_239 : vector<1x16xf32> to vector<16xf32>
      %swap3A_241 = vector.shape_cast %add3A_236 : vector<16xf32> to vector<1x16xf32>
      tpu.vector_store %arg9[%swap3A_237, %swap3A_238], %swap3A_241 {strides = array<i32>} : memref<128x128xf32, #tpu.memory_space<vmem>>, vector<1x16xf32>,
      %get3A_242 = arith.index_cast %scan3A_99 : i32 to index
      %get3A_243 = arith.constant 112 : index
      %get3A_244 = tpu.vector_load %arg6[%get3A_242, %get3A_243] {strides = array<i32>} : memref<128x128xf32, #tpu.memory_space<vmem>>, vector<1x16xf32>,
      %get3A_245 = vector.shape_cast %get3A_244 : vector<1x16xf32> to vector<16xf32>
      %mul3A_246 = arith.mulf %get3A_130, %get3A_245 : vector<16xf32>
      %get3A_247 = arith.index_cast %scan3A_99 : i32 to index
      %get3A_248 = arith.constant 112 : index
      %get3A_249 = tpu.vector_load %arg7[%get3A_247, %get3A_248] {strides = array<i32>} : memref<128x128xf32, #tpu.memory_space<vmem>>, vector<1x16xf32>,
      %get3A_250 = vector.shape_cast %get3A_249 : vector<1x16xf32> to vector<16xf32>
      %mul3A_251 = arith.mulf %get3A_114, %get3A_250 : vector<16xf32>
      %add3A_252 = arith.addf %mul3A_246, %mul3A_251 : vector<16xf32>
      %swap3A_253 = arith.index_cast %scan3A_99 : i32 to index
      %swap3A_254 = arith.constant 112 : index
      %swap3A_255 = tpu.vector_load %arg9[%swap3A_253, %swap3A_254] {strides = array<i32>} : memref<128x128xf32, #tpu.memory_space<vmem>>, vector<1x16xf32>,
      %swap3A_256 = vector.shape_cast %swap3A_255 : vector<1x16xf32> to vector<16xf32>
      %swap3A_257 = vector.shape_cast %add3A_252 : vector<16xf32> to vector<1x16xf32>
      tpu.vector_store %arg9[%swap3A_253, %swap3A_254], %swap3A_257 {strides = array<i32>} : memref<128x128xf32, #tpu.memory_space<vmem>>, vector<1x16xf32>,
    }
    %scan3A_39 = arith.constant 128 : i32
    %run_scoped3A_40 = arith.constant 0 : i32
    "tpu.region"() ({
      %run_scoped3A_99 = tpu.sem_alloc : memref<!tpu.dma_semaphore, #tpu.memory_space<semaphore_mem>>
      %dma_start3A = arith.constant 0 : i32
      %dma_start3A_100 = tpu.memref_slice %arg5[%select_n3A, %run_scoped3A_40, %add3A_34, %dma_start3A] : memref<2x4x4096x128xf32, #tpu.memory_space<hbm>> -> memref<1x1x128x128xf32, #tpu.memory_space<hbm>>
      %dma_start3A_101 = tpu.memref_squeeze %dma_start3A_100 : memref<1x1x128x128xf32, #tpu.memory_space<hbm>> -> memref<128x128xf32, #tpu.memory_space<hbm>>
      %dma_start3A_102 = arith.constant 0 : i32
      %dma_start3A_103 = tpu.memref_slice %arg5[%select_n3A, %run_scoped3A_40, %add3A_34, %dma_start3A_102] : memref<2x4x4096x128xf32, #tpu.memory_space<hbm>> -> memref<1x1x128x128xf32, #tpu.memory_space<hbm>>
      %dma_start3A_104 = tpu.memref_squeeze %dma_start3A_103 : memref<1x1x128x128xf32, #tpu.memory_space<hbm>> -> memref<128x128xf32, #tpu.memory_space<hbm>>
      tpu.enqueue_dma source(%arg9 : memref<128x128xf32, #tpu.memory_space<vmem>>) target(%dma_start3A_104 : memref<128x128xf32, #tpu.memory_space<hbm>>) target_semaphore(%run_scoped3A_99 : memref<!tpu.dma_semaphore, #tpu.memory_space<semaphore_mem>>)
      %dma_wait3A = arith.constant 0 : i32
      %dma_wait3A_105 = tpu.memref_slice %arg5[%select_n3A, %run_scoped3A_40, %add3A_34, %dma_wait3A] : memref<2x4x4096x128xf32, #tpu.memory_space<hbm>> -> memref<1x1x128x128xf32, #tpu.memory_space<hbm>>
      %dma_wait3A_106 = tpu.memref_squeeze %dma_wait3A_105 : memref<1x1x128x128xf32, #tpu.memory_space<hbm>> -> memref<128x128xf32, #tpu.memory_space<hbm>>
      %dma_wait3A_107 = arith.constant 0 : i32
      %dma_wait3A_108 = tpu.memref_slice %arg5[%select_n3A, %run_scoped3A_40, %add3A_34, %dma_wait3A_107] : memref<2x4x4096x128xf32, #tpu.memory_space<hbm>> -> memref<1x1x128x128xf32, #tpu.memory_space<hbm>>
      %dma_wait3A_109 = tpu.memref_squeeze %dma_wait3A_108 : memref<1x1x128x128xf32, #tpu.memory_space<hbm>> -> memref<128x128xf32, #tpu.memory_space<hbm>>
      tpu.wait_dma2 semaphore(%run_scoped3A_99 : memref<!tpu.dma_semaphore, #tpu.memory_space<semaphore_mem>>) src(%arg9 : memref<128x128xf32, #tpu.memory_space<vmem>>) dst(%dma_wait3A_109 : memref<128x128xf32, #tpu.memory_space<hbm>>)
      tpu.yield
    }) : () -> ()
    %run_scoped3A_41 = arith.constant 1 : i32
    "tpu.region"() ({
      %run_scoped3A_99 = tpu.sem_alloc : memref<!tpu.dma_semaphore, #tpu.memory_space<semaphore_mem>>
      %dma_start3A = arith.constant 0 : i32
      %dma_start3A_100 = tpu.memref_slice %arg2[%select_n3A, %run_scoped3A_41, %add3A_34, %dma_start3A] : memref<2x4x4096x128xf32, #tpu.memory_space<hbm>> -> memref<1x1x128x128xf32, #tpu.memory_space<hbm>>
      %dma_start3A_101 = tpu.memref_squeeze %dma_start3A_100 : memref<1x1x128x128xf32, #tpu.memory_space<hbm>> -> memref<128x128xf32, #tpu.memory_space<hbm>>
      %dma_start3A_102 = arith.constant 0 : i32
      %dma_start3A_103 = tpu.memref_slice %arg2[%select_n3A, %run_scoped3A_41, %add3A_34, %dma_start3A_102] : memref<2x4x4096x128xf32, #tpu.memory_space<hbm>> -> memref<1x1x128x128xf32, #tpu.memory_space<hbm>>
      %dma_start3A_104 = tpu.memref_squeeze %dma_start3A_103 : memref<1x1x128x128xf32, #tpu.memory_space<hbm>> -> memref<128x128xf32, #tpu.memory_space<hbm>>
      tpu.enqueue_dma source(%dma_start3A_104 : memref<128x128xf32, #tpu.memory_space<hbm>>) target(%arg8 : memref<128x128xf32, #tpu.memory_space<vmem>>) target_semaphore(%run_scoped3A_99 : memref<!tpu.dma_semaphore, #tpu.memory_space<semaphore_mem>>)
      %dma_wait3A = arith.constant 0 : i32
      %dma_wait3A_105 = tpu.memref_slice %arg2[%select_n3A, %run_scoped3A_41, %add3A_34, %dma_wait3A] : memref<2x4x4096x128xf32, #tpu.memory_space<hbm>> -> memref<1x1x128x128xf32, #tpu.memory_space<hbm>>
      %dma_wait3A_106 = tpu.memref_squeeze %dma_wait3A_105 : memref<1x1x128x128xf32, #tpu.memory_space<hbm>> -> memref<128x128xf32, #tpu.memory_space<hbm>>
      %dma_wait3A_107 = arith.constant 0 : i32
      %dma_wait3A_108 = tpu.memref_slice %arg2[%select_n3A, %run_scoped3A_41, %add3A_34, %dma_wait3A_107] : memref<2x4x4096x128xf32, #tpu.memory_space<hbm>> -> memref<1x1x128x128xf32, #tpu.memory_space<hbm>>
      %dma_wait3A_109 = tpu.memref_squeeze %dma_wait3A_108 : memref<1x1x128x128xf32, #tpu.memory_space<hbm>> -> memref<128x128xf32, #tpu.memory_space<hbm>>
      tpu.wait_dma2 semaphore(%run_scoped3A_99 : memref<!tpu.dma_semaphore, #tpu.memory_space<semaphore_mem>>) src(%dma_wait3A_109 : memref<128x128xf32, #tpu.memory_space<hbm>>) dst(%arg8 : memref<128x128xf32, #tpu.memory_space<vmem>>)
      tpu.yield
    }) : () -> ()
    %scan3A_42 = arith.constant 0 : i32
    %scan3A_43 = arith.constant 0 : i32
    %scan3A_44 = arith.constant 128 : i32
    %scan3A_45 = arith.addi %scan3A_43, %scan3A_44 : i32
    %scan3A_46 = arith.constant 1 : i32
    scf.for %scan3A_99 = %scan3A_43 to %scan3A_45 step %scan3A_46  : i32 {
      %get3A = arith.index_cast %scan3A_99 : i32 to index
      %get3A_100 = arith.constant 0 : index
      %get3A_101 = tpu.vector_load %arg8[%get3A, %get3A_100] {strides = array<i32>} : memref<128x128xf32, #tpu.memory_space<vmem>>, vector<1x16xf32>,
      %get3A_102 = vector.shape_cast %get3A_101 : vector<1x16xf32> to vector<16xf32>
      %get3A_103 = arith.index_cast %scan3A_99 : i32 to index
      %get3A_104 = arith.constant 16 : index
      %get3A_105 = tpu.vector_load %arg8[%get3A_103, %get3A_104] {strides = array<i32>} : memref<128x128xf32, #tpu.memory_space<vmem>>, vector<1x16xf32>,
      %get3A_106 = vector.shape_cast %get3A_105 : vector<1x16xf32> to vector<16xf32>
      %get3A_107 = arith.index_cast %scan3A_99 : i32 to index
      %get3A_108 = arith.constant 32 : index
      %get3A_109 = tpu.vector_load %arg8[%get3A_107, %get3A_108] {strides = array<i32>} : memref<128x128xf32, #tpu.memory_space<vmem>>, vector<1x16xf32>,
      %get3A_110 = vector.shape_cast %get3A_109 : vector<1x16xf32> to vector<16xf32>
      %get3A_111 = arith.index_cast %scan3A_99 : i32 to index
      %get3A_112 = arith.constant 48 : index
      %get3A_113 = tpu.vector_load %arg8[%get3A_111, %get3A_112] {strides = array<i32>} : memref<128x128xf32, #tpu.memory_space<vmem>>, vector<1x16xf32>,
      %get3A_114 = vector.shape_cast %get3A_113 : vector<1x16xf32> to vector<16xf32>
      %get3A_115 = arith.index_cast %scan3A_99 : i32 to index
      %get3A_116 = arith.constant 64 : index
      %get3A_117 = tpu.vector_load %arg8[%get3A_115, %get3A_116] {strides = array<i32>} : memref<128x128xf32, #tpu.memory_space<vmem>>, vector<1x16xf32>,
      %get3A_118 = vector.shape_cast %get3A_117 : vector<1x16xf32> to vector<16xf32>
      %get3A_119 = arith.index_cast %scan3A_99 : i32 to index
      %get3A_120 = arith.constant 80 : index
      %get3A_121 = tpu.vector_load %arg8[%get3A_119, %get3A_120] {strides = array<i32>} : memref<128x128xf32, #tpu.memory_space<vmem>>, vector<1x16xf32>,
      %get3A_122 = vector.shape_cast %get3A_121 : vector<1x16xf32> to vector<16xf32>
      %get3A_123 = arith.index_cast %scan3A_99 : i32 to index
      %get3A_124 = arith.constant 96 : index
      %get3A_125 = tpu.vector_load %arg8[%get3A_123, %get3A_124] {strides = array<i32>} : memref<128x128xf32, #tpu.memory_space<vmem>>, vector<1x16xf32>,
      %get3A_126 = vector.shape_cast %get3A_125 : vector<1x16xf32> to vector<16xf32>
      %get3A_127 = arith.index_cast %scan3A_99 : i32 to index
      %get3A_128 = arith.constant 112 : index
      %get3A_129 = tpu.vector_load %arg8[%get3A_127, %get3A_128] {strides = array<i32>} : memref<128x128xf32, #tpu.memory_space<vmem>>, vector<1x16xf32>,
      %get3A_130 = vector.shape_cast %get3A_129 : vector<1x16xf32> to vector<16xf32>
      %get3A_131 = arith.index_cast %scan3A_99 : i32 to index
      %get3A_132 = arith.constant 0 : index
      %get3A_133 = tpu.vector_load %arg6[%get3A_131, %get3A_132] {strides = array<i32>} : memref<128x128xf32, #tpu.memory_space<vmem>>, vector<1x16xf32>,
      %get3A_134 = vector.shape_cast %get3A_133 : vector<1x16xf32> to vector<16xf32>
      %mul3A_135 = arith.mulf %get3A_102, %get3A_134 : vector<16xf32>
      %get3A_136 = arith.index_cast %scan3A_99 : i32 to index
      %get3A_137 = arith.constant 0 : index
      %get3A_138 = tpu.vector_load %arg7[%get3A_136, %get3A_137] {strides = array<i32>} : memref<128x128xf32, #tpu.memory_space<vmem>>, vector<1x16xf32>,
      %get3A_139 = vector.shape_cast %get3A_138 : vector<1x16xf32> to vector<16xf32>
      %mul3A_140 = arith.mulf %get3A_118, %get3A_139 : vector<16xf32>
      %add3A_141 = arith.addf %mul3A_135, %mul3A_140 : vector<16xf32>
      %swap3A = arith.index_cast %scan3A_99 : i32 to index
      %swap3A_142 = arith.constant 0 : index
      %swap3A_143 = tpu.vector_load %arg9[%swap3A, %swap3A_142] {strides = array<i32>} : memref<128x128xf32, #tpu.memory_space<vmem>>, vector<1x16xf32>,
      %swap3A_144 = vector.shape_cast %swap3A_143 : vector<1x16xf32> to vector<16xf32>
      %swap3A_145 = vector.shape_cast %add3A_141 : vector<16xf32> to vector<1x16xf32>
      tpu.vector_store %arg9[%swap3A, %swap3A_142], %swap3A_145 {strides = array<i32>} : memref<128x128xf32, #tpu.memory_space<vmem>>, vector<1x16xf32>,
      %get3A_146 = arith.index_cast %scan3A_99 : i32 to index
      %get3A_147 = arith.constant 16 : index
      %get3A_148 = tpu.vector_load %arg6[%get3A_146, %get3A_147] {strides = array<i32>} : memref<128x128xf32, #tpu.memory_space<vmem>>, vector<1x16xf32>,
      %get3A_149 = vector.shape_cast %get3A_148 : vector<1x16xf32> to vector<16xf32>
      %mul3A_150 = arith.mulf %get3A_106, %get3A_149 : vector<16xf32>
      %get3A_151 = arith.index_cast %scan3A_99 : i32 to index
      %get3A_152 = arith.constant 16 : index
      %get3A_153 = tpu.vector_load %arg7[%get3A_151, %get3A_152] {strides = array<i32>} : memref<128x128xf32, #tpu.memory_space<vmem>>, vector<1x16xf32>,
      %get3A_154 = vector.shape_cast %get3A_153 : vector<1x16xf32> to vector<16xf32>
      %mul3A_155 = arith.mulf %get3A_122, %get3A_154 : vector<16xf32>
      %add3A_156 = arith.addf %mul3A_150, %mul3A_155 : vector<16xf32>
      %swap3A_157 = arith.index_cast %scan3A_99 : i32 to index
      %swap3A_158 = arith.constant 16 : index
      %swap3A_159 = tpu.vector_load %arg9[%swap3A_157, %swap3A_158] {strides = array<i32>} : memref<128x128xf32, #tpu.memory_space<vmem>>, vector<1x16xf32>,
      %swap3A_160 = vector.shape_cast %swap3A_159 : vector<1x16xf32> to vector<16xf32>
      %swap3A_161 = vector.shape_cast %add3A_156 : vector<16xf32> to vector<1x16xf32>
      tpu.vector_store %arg9[%swap3A_157, %swap3A_158], %swap3A_161 {strides = array<i32>} : memref<128x128xf32, #tpu.memory_space<vmem>>, vector<1x16xf32>,
      %get3A_162 = arith.index_cast %scan3A_99 : i32 to index
      %get3A_163 = arith.constant 32 : index
      %get3A_164 = tpu.vector_load %arg6[%get3A_162, %get3A_163] {strides = array<i32>} : memref<128x128xf32, #tpu.memory_space<vmem>>, vector<1x16xf32>,
      %get3A_165 = vector.shape_cast %get3A_164 : vector<1x16xf32> to vector<16xf32>
      %mul3A_166 = arith.mulf %get3A_110, %get3A_165 : vector<16xf32>
      %get3A_167 = arith.index_cast %scan3A_99 : i32 to index
      %get3A_168 = arith.constant 32 : index
      %get3A_169 = tpu.vector_load %arg7[%get3A_167, %get3A_168] {strides = array<i32>} : memref<128x128xf32, #tpu.memory_space<vmem>>, vector<1x16xf32>,
      %get3A_170 = vector.shape_cast %get3A_169 : vector<1x16xf32> to vector<16xf32>
      %mul3A_171 = arith.mulf %get3A_126, %get3A_170 : vector<16xf32>
      %add3A_172 = arith.addf %mul3A_166, %mul3A_171 : vector<16xf32>
      %swap3A_173 = arith.index_cast %scan3A_99 : i32 to index
      %swap3A_174 = arith.constant 32 : index
      %swap3A_175 = tpu.vector_load %arg9[%swap3A_173, %swap3A_174] {strides = array<i32>} : memref<128x128xf32, #tpu.memory_space<vmem>>, vector<1x16xf32>,
      %swap3A_176 = vector.shape_cast %swap3A_175 : vector<1x16xf32> to vector<16xf32>
      %swap3A_177 = vector.shape_cast %add3A_172 : vector<16xf32> to vector<1x16xf32>
      tpu.vector_store %arg9[%swap3A_173, %swap3A_174], %swap3A_177 {strides = array<i32>} : memref<128x128xf32, #tpu.memory_space<vmem>>, vector<1x16xf32>,
      %get3A_178 = arith.index_cast %scan3A_99 : i32 to index
      %get3A_179 = arith.constant 48 : index
      %get3A_180 = tpu.vector_load %arg6[%get3A_178, %get3A_179] {strides = array<i32>} : memref<128x128xf32, #tpu.memory_space<vmem>>, vector<1x16xf32>,
      %get3A_181 = vector.shape_cast %get3A_180 : vector<1x16xf32> to vector<16xf32>
      %mul3A_182 = arith.mulf %get3A_114, %get3A_181 : vector<16xf32>
      %get3A_183 = arith.index_cast %scan3A_99 : i32 to index
      %get3A_184 = arith.constant 48 : index
      %get3A_185 = tpu.vector_load %arg7[%get3A_183, %get3A_184] {strides = array<i32>} : memref<128x128xf32, #tpu.memory_space<vmem>>, vector<1x16xf32>,
      %get3A_186 = vector.shape_cast %get3A_185 : vector<1x16xf32> to vector<16xf32>
      %mul3A_187 = arith.mulf %get3A_130, %get3A_186 : vector<16xf32>
      %add3A_188 = arith.addf %mul3A_182, %mul3A_187 : vector<16xf32>
      %swap3A_189 = arith.index_cast %scan3A_99 : i32 to index
      %swap3A_190 = arith.constant 48 : index
      %swap3A_191 = tpu.vector_load %arg9[%swap3A_189, %swap3A_190] {strides = array<i32>} : memref<128x128xf32, #tpu.memory_space<vmem>>, vector<1x16xf32>,
      %swap3A_192 = vector.shape_cast %swap3A_191 : vector<1x16xf32> to vector<16xf32>
      %swap3A_193 = vector.shape_cast %add3A_188 : vector<16xf32> to vector<1x16xf32>
      tpu.vector_store %arg9[%swap3A_189, %swap3A_190], %swap3A_193 {strides = array<i32>} : memref<128x128xf32, #tpu.memory_space<vmem>>, vector<1x16xf32>,
      %get3A_194 = arith.index_cast %scan3A_99 : i32 to index
      %get3A_195 = arith.constant 64 : index
      %get3A_196 = tpu.vector_load %arg6[%get3A_194, %get3A_195] {strides = array<i32>} : memref<128x128xf32, #tpu.memory_space<vmem>>, vector<1x16xf32>,
      %get3A_197 = vector.shape_cast %get3A_196 : vector<1x16xf32> to vector<16xf32>
      %mul3A_198 = arith.mulf %get3A_118, %get3A_197 : vector<16xf32>
      %get3A_199 = arith.index_cast %scan3A_99 : i32 to index
      %get3A_200 = arith.constant 64 : index
      %get3A_201 = tpu.vector_load %arg7[%get3A_199, %get3A_200] {strides = array<i32>} : memref<128x128xf32, #tpu.memory_space<vmem>>, vector<1x16xf32>,
      %get3A_202 = vector.shape_cast %get3A_201 : vector<1x16xf32> to vector<16xf32>
      %mul3A_203 = arith.mulf %get3A_102, %get3A_202 : vector<16xf32>
      %add3A_204 = arith.addf %mul3A_198, %mul3A_203 : vector<16xf32>
      %swap3A_205 = arith.index_cast %scan3A_99 : i32 to index
      %swap3A_206 = arith.constant 64 : index
      %swap3A_207 = tpu.vector_load %arg9[%swap3A_205, %swap3A_206] {strides = array<i32>} : memref<128x128xf32, #tpu.memory_space<vmem>>, vector<1x16xf32>,
      %swap3A_208 = vector.shape_cast %swap3A_207 : vector<1x16xf32> to vector<16xf32>
      %swap3A_209 = vector.shape_cast %add3A_204 : vector<16xf32> to vector<1x16xf32>
      tpu.vector_store %arg9[%swap3A_205, %swap3A_206], %swap3A_209 {strides = array<i32>} : memref<128x128xf32, #tpu.memory_space<vmem>>, vector<1x16xf32>,
      %get3A_210 = arith.index_cast %scan3A_99 : i32 to index
      %get3A_211 = arith.constant 80 : index
      %get3A_212 = tpu.vector_load %arg6[%get3A_210, %get3A_211] {strides = array<i32>} : memref<128x128xf32, #tpu.memory_space<vmem>>, vector<1x16xf32>,
      %get3A_213 = vector.shape_cast %get3A_212 : vector<1x16xf32> to vector<16xf32>
      %mul3A_214 = arith.mulf %get3A_122, %get3A_213 : vector<16xf32>
      %get3A_215 = arith.index_cast %scan3A_99 : i32 to index
      %get3A_216 = arith.constant 80 : index
      %get3A_217 = tpu.vector_load %arg7[%get3A_215, %get3A_216] {strides = array<i32>} : memref<128x128xf32, #tpu.memory_space<vmem>>, vector<1x16xf32>,
      %get3A_218 = vector.shape_cast %get3A_217 : vector<1x16xf32> to vector<16xf32>
      %mul3A_219 = arith.mulf %get3A_106, %get3A_218 : vector<16xf32>
      %add3A_220 = arith.addf %mul3A_214, %mul3A_219 : vector<16xf32>
      %swap3A_221 = arith.index_cast %scan3A_99 : i32 to index
      %swap3A_222 = arith.constant 80 : index
      %swap3A_223 = tpu.vector_load %arg9[%swap3A_221, %swap3A_222] {strides = array<i32>} : memref<128x128xf32, #tpu.memory_space<vmem>>, vector<1x16xf32>,
      %swap3A_224 = vector.shape_cast %swap3A_223 : vector<1x16xf32> to vector<16xf32>
      %swap3A_225 = vector.shape_cast %add3A_220 : vector<16xf32> to vector<1x16xf32>
      tpu.vector_store %arg9[%swap3A_221, %swap3A_222], %swap3A_225 {strides = array<i32>} : memref<128x128xf32, #tpu.memory_space<vmem>>, vector<1x16xf32>,
      %get3A_226 = arith.index_cast %scan3A_99 : i32 to index
      %get3A_227 = arith.constant 96 : index
      %get3A_228 = tpu.vector_load %arg6[%get3A_226, %get3A_227] {strides = array<i32>} : memref<128x128xf32, #tpu.memory_space<vmem>>, vector<1x16xf32>,
      %get3A_229 = vector.shape_cast %get3A_228 : vector<1x16xf32> to vector<16xf32>
      %mul3A_230 = arith.mulf %get3A_126, %get3A_229 : vector<16xf32>
      %get3A_231 = arith.index_cast %scan3A_99 : i32 to index
      %get3A_232 = arith.constant 96 : index
      %get3A_233 = tpu.vector_load %arg7[%get3A_231, %get3A_232] {strides = array<i32>} : memref<128x128xf32, #tpu.memory_space<vmem>>, vector<1x16xf32>,
      %get3A_234 = vector.shape_cast %get3A_233 : vector<1x16xf32> to vector<16xf32>
      %mul3A_235 = arith.mulf %get3A_110, %get3A_234 : vector<16xf32>
      %add3A_236 = arith.addf %mul3A_230, %mul3A_235 : vector<16xf32>
      %swap3A_237 = arith.index_cast %scan3A_99 : i32 to index
      %swap3A_238 = arith.constant 96 : index
      %swap3A_239 = tpu.vector_load %arg9[%swap3A_237, %swap3A_238] {strides = array<i32>} : memref<128x128xf32, #tpu.memory_space<vmem>>, vector<1x16xf32>,
      %swap3A_240 = vector.shape_cast %swap3A_239 : vector<1x16xf32> to vector<16xf32>
      %swap3A_241 = vector.shape_cast %add3A_236 : vector<16xf32> to vector<1x16xf32>
      tpu.vector_store %arg9[%swap3A_237, %swap3A_238], %swap3A_241 {strides = array<i32>} : memref<128x128xf32, #tpu.memory_space<vmem>>, vector<1x16xf32>,
      %get3A_242 = arith.index_cast %scan3A_99 : i32 to index
      %get3A_243 = arith.constant 112 : index
      %get3A_244 = tpu.vector_load %arg6[%get3A_242, %get3A_243] {strides = array<i32>} : memref<128x128xf32, #tpu.memory_space<vmem>>, vector<1x16xf32>,
      %get3A_245 = vector.shape_cast %get3A_244 : vector<1x16xf32> to vector<16xf32>
      %mul3A_246 = arith.mulf %get3A_130, %get3A_245 : vector<16xf32>
      %get3A_247 = arith.index_cast %scan3A_99 : i32 to index
      %get3A_248 = arith.constant 112 : index
      %get3A_249 = tpu.vector_load %arg7[%get3A_247, %get3A_248] {strides = array<i32>} : memref<128x128xf32, #tpu.memory_space<vmem>>, vector<1x16xf32>,
      %get3A_250 = vector.shape_cast %get3A_249 : vector<1x16xf32> to vector<16xf32>
      %mul3A_251 = arith.mulf %get3A_114, %get3A_250 : vector<16xf32>
      %add3A_252 = arith.addf %mul3A_246, %mul3A_251 : vector<16xf32>
      %swap3A_253 = arith.index_cast %scan3A_99 : i32 to index
      %swap3A_254 = arith.constant 112 : index
      %swap3A_255 = tpu.vector_load %arg9[%swap3A_253, %swap3A_254] {strides = array<i32>} : memref<128x128xf32, #tpu.memory_space<vmem>>, vector<1x16xf32>,
      %swap3A_256 = vector.shape_cast %swap3A_255 : vector<1x16xf32> to vector<16xf32>
      %swap3A_257 = vector.shape_cast %add3A_252 : vector<16xf32> to vector<1x16xf32>
      tpu.vector_store %arg9[%swap3A_253, %swap3A_254], %swap3A_257 {strides = array<i32>} : memref<128x128xf32, #tpu.memory_space<vmem>>, vector<1x16xf32>,
    }
    %scan3A_47 = arith.constant 128 : i32
    %run_scoped3A_48 = arith.constant 1 : i32
    "tpu.region"() ({
      %run_scoped3A_99 = tpu.sem_alloc : memref<!tpu.dma_semaphore, #tpu.memory_space<semaphore_mem>>
      %dma_start3A = arith.constant 0 : i32
      %dma_start3A_100 = tpu.memref_slice %arg5[%select_n3A, %run_scoped3A_48, %add3A_34, %dma_start3A] : memref<2x4x4096x128xf32, #tpu.memory_space<hbm>> -> memref<1x1x128x128xf32, #tpu.memory_space<hbm>>
      %dma_start3A_101 = tpu.memref_squeeze %dma_start3A_100 : memref<1x1x128x128xf32, #tpu.memory_space<hbm>> -> memref<128x128xf32, #tpu.memory_space<hbm>>
      %dma_start3A_102 = arith.constant 0 : i32
      %dma_start3A_103 = tpu.memref_slice %arg5[%select_n3A, %run_scoped3A_48, %add3A_34, %dma_start3A_102] : memref<2x4x4096x128xf32, #tpu.memory_space<hbm>> -> memref<1x1x128x128xf32, #tpu.memory_space<hbm>>
      %dma_start3A_104 = tpu.memref_squeeze %dma_start3A_103 : memref<1x1x128x128xf32, #tpu.memory_space<hbm>> -> memref<128x128xf32, #tpu.memory_space<hbm>>
      tpu.enqueue_dma source(%arg9 : memref<128x128xf32, #tpu.memory_space<vmem>>) target(%dma_start3A_104 : memref<128x128xf32, #tpu.memory_space<hbm>>) target_semaphore(%run_scoped3A_99 : memref<!tpu.dma_semaphore, #tpu.memory_space<semaphore_mem>>)
      %dma_wait3A = arith.constant 0 : i32
      %dma_wait3A_105 = tpu.memref_slice %arg5[%select_n3A, %run_scoped3A_48, %add3A_34, %dma_wait3A] : memref<2x4x4096x128xf32, #tpu.memory_space<hbm>> -> memref<1x1x128x128xf32, #tpu.memory_space<hbm>>
      %dma_wait3A_106 = tpu.memref_squeeze %dma_wait3A_105 : memref<1x1x128x128xf32, #tpu.memory_space<hbm>> -> memref<128x128xf32, #tpu.memory_space<hbm>>
      %dma_wait3A_107 = arith.constant 0 : i32
      %dma_wait3A_108 = tpu.memref_slice %arg5[%select_n3A, %run_scoped3A_48, %add3A_34, %dma_wait3A_107] : memref<2x4x4096x128xf32, #tpu.memory_space<hbm>> -> memref<1x1x128x128xf32, #tpu.memory_space<hbm>>
      %dma_wait3A_109 = tpu.memref_squeeze %dma_wait3A_108 : memref<1x1x128x128xf32, #tpu.memory_space<hbm>> -> memref<128x128xf32, #tpu.memory_space<hbm>>
      tpu.wait_dma2 semaphore(%run_scoped3A_99 : memref<!tpu.dma_semaphore, #tpu.memory_space<semaphore_mem>>) src(%arg9 : memref<128x128xf32, #tpu.memory_space<vmem>>) dst(%dma_wait3A_109 : memref<128x128xf32, #tpu.memory_space<hbm>>)
      tpu.yield
    }) : () -> ()
    %run_scoped3A_49 = arith.constant 2 : i32
    "tpu.region"() ({
      %run_scoped3A_99 = tpu.sem_alloc : memref<!tpu.dma_semaphore, #tpu.memory_space<semaphore_mem>>
      %dma_start3A = arith.constant 0 : i32
      %dma_start3A_100 = tpu.memref_slice %arg2[%select_n3A, %run_scoped3A_49, %add3A_34, %dma_start3A] : memref<2x4x4096x128xf32, #tpu.memory_space<hbm>> -> memref<1x1x128x128xf32, #tpu.memory_space<hbm>>
      %dma_start3A_101 = tpu.memref_squeeze %dma_start3A_100 : memref<1x1x128x128xf32, #tpu.memory_space<hbm>> -> memref<128x128xf32, #tpu.memory_space<hbm>>
      %dma_start3A_102 = arith.constant 0 : i32
      %dma_start3A_103 = tpu.memref_slice %arg2[%select_n3A, %run_scoped3A_49, %add3A_34, %dma_start3A_102] : memref<2x4x4096x128xf32, #tpu.memory_space<hbm>> -> memref<1x1x128x128xf32, #tpu.memory_space<hbm>>
      %dma_start3A_104 = tpu.memref_squeeze %dma_start3A_103 : memref<1x1x128x128xf32, #tpu.memory_space<hbm>> -> memref<128x128xf32, #tpu.memory_space<hbm>>
      tpu.enqueue_dma source(%dma_start3A_104 : memref<128x128xf32, #tpu.memory_space<hbm>>) target(%arg8 : memref<128x128xf32, #tpu.memory_space<vmem>>) target_semaphore(%run_scoped3A_99 : memref<!tpu.dma_semaphore, #tpu.memory_space<semaphore_mem>>)
      %dma_wait3A = arith.constant 0 : i32
      %dma_wait3A_105 = tpu.memref_slice %arg2[%select_n3A, %run_scoped3A_49, %add3A_34, %dma_wait3A] : memref<2x4x4096x128xf32, #tpu.memory_space<hbm>> -> memref<1x1x128x128xf32, #tpu.memory_space<hbm>>
      %dma_wait3A_106 = tpu.memref_squeeze %dma_wait3A_105 : memref<1x1x128x128xf32, #tpu.memory_space<hbm>> -> memref<128x128xf32, #tpu.memory_space<hbm>>
      %dma_wait3A_107 = arith.constant 0 : i32
      %dma_wait3A_108 = tpu.memref_slice %arg2[%select_n3A, %run_scoped3A_49, %add3A_34, %dma_wait3A_107] : memref<2x4x4096x128xf32, #tpu.memory_space<hbm>> -> memref<1x1x128x128xf32, #tpu.memory_space<hbm>>
      %dma_wait3A_109 = tpu.memref_squeeze %dma_wait3A_108 : memref<1x1x128x128xf32, #tpu.memory_space<hbm>> -> memref<128x128xf32, #tpu.memory_space<hbm>>
      tpu.wait_dma2 semaphore(%run_scoped3A_99 : memref<!tpu.dma_semaphore, #tpu.memory_space<semaphore_mem>>) src(%dma_wait3A_109 : memref<128x128xf32, #tpu.memory_space<hbm>>) dst(%arg8 : memref<128x128xf32, #tpu.memory_space<vmem>>)
      tpu.yield
    }) : () -> ()
    %scan3A_50 = arith.constant 0 : i32
    %scan3A_51 = arith.constant 0 : i32
    %scan3A_52 = arith.constant 128 : i32
    %scan3A_53 = arith.addi %scan3A_51, %scan3A_52 : i32
    %scan3A_54 = arith.constant 1 : i32
    scf.for %scan3A_99 = %scan3A_51 to %scan3A_53 step %scan3A_54  : i32 {
      %get3A = arith.index_cast %scan3A_99 : i32 to index
      %get3A_100 = arith.constant 0 : index
      %get3A_101 = tpu.vector_load %arg8[%get3A, %get3A_100] {strides = array<i32>} : memref<128x128xf32, #tpu.memory_space<vmem>>, vector<1x16xf32>,
      %get3A_102 = vector.shape_cast %get3A_101 : vector<1x16xf32> to vector<16xf32>
      %get3A_103 = arith.index_cast %scan3A_99 : i32 to index
      %get3A_104 = arith.constant 16 : index
      %get3A_105 = tpu.vector_load %arg8[%get3A_103, %get3A_104] {strides = array<i32>} : memref<128x128xf32, #tpu.memory_space<vmem>>, vector<1x16xf32>,
      %get3A_106 = vector.shape_cast %get3A_105 : vector<1x16xf32> to vector<16xf32>
      %get3A_107 = arith.index_cast %scan3A_99 : i32 to index
      %get3A_108 = arith.constant 32 : index
      %get3A_109 = tpu.vector_load %arg8[%get3A_107, %get3A_108] {strides = array<i32>} : memref<128x128xf32, #tpu.memory_space<vmem>>, vector<1x16xf32>,
      %get3A_110 = vector.shape_cast %get3A_109 : vector<1x16xf32> to vector<16xf32>
      %get3A_111 = arith.index_cast %scan3A_99 : i32 to index
      %get3A_112 = arith.constant 48 : index
      %get3A_113 = tpu.vector_load %arg8[%get3A_111, %get3A_112] {strides = array<i32>} : memref<128x128xf32, #tpu.memory_space<vmem>>, vector<1x16xf32>,
      %get3A_114 = vector.shape_cast %get3A_113 : vector<1x16xf32> to vector<16xf32>
      %get3A_115 = arith.index_cast %scan3A_99 : i32 to index
      %get3A_116 = arith.constant 64 : index
      %get3A_117 = tpu.vector_load %arg8[%get3A_115, %get3A_116] {strides = array<i32>} : memref<128x128xf32, #tpu.memory_space<vmem>>, vector<1x16xf32>,
      %get3A_118 = vector.shape_cast %get3A_117 : vector<1x16xf32> to vector<16xf32>
      %get3A_119 = arith.index_cast %scan3A_99 : i32 to index
      %get3A_120 = arith.constant 80 : index
      %get3A_121 = tpu.vector_load %arg8[%get3A_119, %get3A_120] {strides = array<i32>} : memref<128x128xf32, #tpu.memory_space<vmem>>, vector<1x16xf32>,
      %get3A_122 = vector.shape_cast %get3A_121 : vector<1x16xf32> to vector<16xf32>
      %get3A_123 = arith.index_cast %scan3A_99 : i32 to index
      %get3A_124 = arith.constant 96 : index
      %get3A_125 = tpu.vector_load %arg8[%get3A_123, %get3A_124] {strides = array<i32>} : memref<128x128xf32, #tpu.memory_space<vmem>>, vector<1x16xf32>,
      %get3A_126 = vector.shape_cast %get3A_125 : vector<1x16xf32> to vector<16xf32>
      %get3A_127 = arith.index_cast %scan3A_99 : i32 to index
      %get3A_128 = arith.constant 112 : index
      %get3A_129 = tpu.vector_load %arg8[%get3A_127, %get3A_128] {strides = array<i32>} : memref<128x128xf32, #tpu.memory_space<vmem>>, vector<1x16xf32>,
      %get3A_130 = vector.shape_cast %get3A_129 : vector<1x16xf32> to vector<16xf32>
      %get3A_131 = arith.index_cast %scan3A_99 : i32 to index
      %get3A_132 = arith.constant 0 : index
      %get3A_133 = tpu.vector_load %arg6[%get3A_131, %get3A_132] {strides = array<i32>} : memref<128x128xf32, #tpu.memory_space<vmem>>, vector<1x16xf32>,
      %get3A_134 = vector.shape_cast %get3A_133 : vector<1x16xf32> to vector<16xf32>
      %mul3A_135 = arith.mulf %get3A_102, %get3A_134 : vector<16xf32>
      %get3A_136 = arith.index_cast %scan3A_99 : i32 to index
      %get3A_137 = arith.constant 0 : index
      %get3A_138 = tpu.vector_load %arg7[%get3A_136, %get3A_137] {strides = array<i32>} : memref<128x128xf32, #tpu.memory_space<vmem>>, vector<1x16xf32>,
      %get3A_139 = vector.shape_cast %get3A_138 : vector<1x16xf32> to vector<16xf32>
      %mul3A_140 = arith.mulf %get3A_118, %get3A_139 : vector<16xf32>
      %add3A_141 = arith.addf %mul3A_135, %mul3A_140 : vector<16xf32>
      %swap3A = arith.index_cast %scan3A_99 : i32 to index
      %swap3A_142 = arith.constant 0 : index
      %swap3A_143 = tpu.vector_load %arg9[%swap3A, %swap3A_142] {strides = array<i32>} : memref<128x128xf32, #tpu.memory_space<vmem>>, vector<1x16xf32>,
      %swap3A_144 = vector.shape_cast %swap3A_143 : vector<1x16xf32> to vector<16xf32>
      %swap3A_145 = vector.shape_cast %add3A_141 : vector<16xf32> to vector<1x16xf32>
      tpu.vector_store %arg9[%swap3A, %swap3A_142], %swap3A_145 {strides = array<i32>} : memref<128x128xf32, #tpu.memory_space<vmem>>, vector<1x16xf32>,
      %get3A_146 = arith.index_cast %scan3A_99 : i32 to index
      %get3A_147 = arith.constant 16 : index
      %get3A_148 = tpu.vector_load %arg6[%get3A_146, %get3A_147] {strides = array<i32>} : memref<128x128xf32, #tpu.memory_space<vmem>>, vector<1x16xf32>,
      %get3A_149 = vector.shape_cast %get3A_148 : vector<1x16xf32> to vector<16xf32>
      %mul3A_150 = arith.mulf %get3A_106, %get3A_149 : vector<16xf32>
      %get3A_151 = arith.index_cast %scan3A_99 : i32 to index
      %get3A_152 = arith.constant 16 : index
      %get3A_153 = tpu.vector_load %arg7[%get3A_151, %get3A_152] {strides = array<i32>} : memref<128x128xf32, #tpu.memory_space<vmem>>, vector<1x16xf32>,
      %get3A_154 = vector.shape_cast %get3A_153 : vector<1x16xf32> to vector<16xf32>
      %mul3A_155 = arith.mulf %get3A_122, %get3A_154 : vector<16xf32>
      %add3A_156 = arith.addf %mul3A_150, %mul3A_155 : vector<16xf32>
      %swap3A_157 = arith.index_cast %scan3A_99 : i32 to index
      %swap3A_158 = arith.constant 16 : index
      %swap3A_159 = tpu.vector_load %arg9[%swap3A_157, %swap3A_158] {strides = array<i32>} : memref<128x128xf32, #tpu.memory_space<vmem>>, vector<1x16xf32>,
      %swap3A_160 = vector.shape_cast %swap3A_159 : vector<1x16xf32> to vector<16xf32>
      %swap3A_161 = vector.shape_cast %add3A_156 : vector<16xf32> to vector<1x16xf32>
      tpu.vector_store %arg9[%swap3A_157, %swap3A_158], %swap3A_161 {strides = array<i32>} : memref<128x128xf32, #tpu.memory_space<vmem>>, vector<1x16xf32>,
      %get3A_162 = arith.index_cast %scan3A_99 : i32 to index
      %get3A_163 = arith.constant 32 : index
      %get3A_164 = tpu.vector_load %arg6[%get3A_162, %get3A_163] {strides = array<i32>} : memref<128x128xf32, #tpu.memory_space<vmem>>, vector<1x16xf32>,
      %get3A_165 = vector.shape_cast %get3A_164 : vector<1x16xf32> to vector<16xf32>
      %mul3A_166 = arith.mulf %get3A_110, %get3A_165 : vector<16xf32>
      %get3A_167 = arith.index_cast %scan3A_99 : i32 to index
      %get3A_168 = arith.constant 32 : index
      %get3A_169 = tpu.vector_load %arg7[%get3A_167, %get3A_168] {strides = array<i32>} : memref<128x128xf32, #tpu.memory_space<vmem>>, vector<1x16xf32>,
      %get3A_170 = vector.shape_cast %get3A_169 : vector<1x16xf32> to vector<16xf32>
      %mul3A_171 = arith.mulf %get3A_126, %get3A_170 : vector<16xf32>
      %add3A_172 = arith.addf %mul3A_166, %mul3A_171 : vector<16xf32>
      %swap3A_173 = arith.index_cast %scan3A_99 : i32 to index
      %swap3A_174 = arith.constant 32 : index
      %swap3A_175 = tpu.vector_load %arg9[%swap3A_173, %swap3A_174] {strides = array<i32>} : memref<128x128xf32, #tpu.memory_space<vmem>>, vector<1x16xf32>,
      %swap3A_176 = vector.shape_cast %swap3A_175 : vector<1x16xf32> to vector<16xf32>
      %swap3A_177 = vector.shape_cast %add3A_172 : vector<16xf32> to vector<1x16xf32>
      tpu.vector_store %arg9[%swap3A_173, %swap3A_174], %swap3A_177 {strides = array<i32>} : memref<128x128xf32, #tpu.memory_space<vmem>>, vector<1x16xf32>,
      %get3A_178 = arith.index_cast %scan3A_99 : i32 to index
      %get3A_179 = arith.constant 48 : index
      %get3A_180 = tpu.vector_load %arg6[%get3A_178, %get3A_179] {strides = array<i32>} : memref<128x128xf32, #tpu.memory_space<vmem>>, vector<1x16xf32>,
      %get3A_181 = vector.shape_cast %get3A_180 : vector<1x16xf32> to vector<16xf32>
      %mul3A_182 = arith.mulf %get3A_114, %get3A_181 : vector<16xf32>
      %get3A_183 = arith.index_cast %scan3A_99 : i32 to index
      %get3A_184 = arith.constant 48 : index
      %get3A_185 = tpu.vector_load %arg7[%get3A_183, %get3A_184] {strides = array<i32>} : memref<128x128xf32, #tpu.memory_space<vmem>>, vector<1x16xf32>,
      %get3A_186 = vector.shape_cast %get3A_185 : vector<1x16xf32> to vector<16xf32>
      %mul3A_187 = arith.mulf %get3A_130, %get3A_186 : vector<16xf32>
      %add3A_188 = arith.addf %mul3A_182, %mul3A_187 : vector<16xf32>
      %swap3A_189 = arith.index_cast %scan3A_99 : i32 to index
      %swap3A_190 = arith.constant 48 : index
      %swap3A_191 = tpu.vector_load %arg9[%swap3A_189, %swap3A_190] {strides = array<i32>} : memref<128x128xf32, #tpu.memory_space<vmem>>, vector<1x16xf32>,
      %swap3A_192 = vector.shape_cast %swap3A_191 : vector<1x16xf32> to vector<16xf32>
      %swap3A_193 = vector.shape_cast %add3A_188 : vector<16xf32> to vector<1x16xf32>
      tpu.vector_store %arg9[%swap3A_189, %swap3A_190], %swap3A_193 {strides = array<i32>} : memref<128x128xf32, #tpu.memory_space<vmem>>, vector<1x16xf32>,
      %get3A_194 = arith.index_cast %scan3A_99 : i32 to index
      %get3A_195 = arith.constant 64 : index
      %get3A_196 = tpu.vector_load %arg6[%get3A_194, %get3A_195] {strides = array<i32>} : memref<128x128xf32, #tpu.memory_space<vmem>>, vector<1x16xf32>,
      %get3A_197 = vector.shape_cast %get3A_196 : vector<1x16xf32> to vector<16xf32>
      %mul3A_198 = arith.mulf %get3A_118, %get3A_197 : vector<16xf32>
      %get3A_199 = arith.index_cast %scan3A_99 : i32 to index
      %get3A_200 = arith.constant 64 : index
      %get3A_201 = tpu.vector_load %arg7[%get3A_199, %get3A_200] {strides = array<i32>} : memref<128x128xf32, #tpu.memory_space<vmem>>, vector<1x16xf32>,
      %get3A_202 = vector.shape_cast %get3A_201 : vector<1x16xf32> to vector<16xf32>
      %mul3A_203 = arith.mulf %get3A_102, %get3A_202 : vector<16xf32>
      %add3A_204 = arith.addf %mul3A_198, %mul3A_203 : vector<16xf32>
      %swap3A_205 = arith.index_cast %scan3A_99 : i32 to index
      %swap3A_206 = arith.constant 64 : index
      %swap3A_207 = tpu.vector_load %arg9[%swap3A_205, %swap3A_206] {strides = array<i32>} : memref<128x128xf32, #tpu.memory_space<vmem>>, vector<1x16xf32>,
      %swap3A_208 = vector.shape_cast %swap3A_207 : vector<1x16xf32> to vector<16xf32>
      %swap3A_209 = vector.shape_cast %add3A_204 : vector<16xf32> to vector<1x16xf32>
      tpu.vector_store %arg9[%swap3A_205, %swap3A_206], %swap3A_209 {strides = array<i32>} : memref<128x128xf32, #tpu.memory_space<vmem>>, vector<1x16xf32>,
      %get3A_210 = arith.index_cast %scan3A_99 : i32 to index
      %get3A_211 = arith.constant 80 : index
      %get3A_212 = tpu.vector_load %arg6[%get3A_210, %get3A_211] {strides = array<i32>} : memref<128x128xf32, #tpu.memory_space<vmem>>, vector<1x16xf32>,
      %get3A_213 = vector.shape_cast %get3A_212 : vector<1x16xf32> to vector<16xf32>
      %mul3A_214 = arith.mulf %get3A_122, %get3A_213 : vector<16xf32>
      %get3A_215 = arith.index_cast %scan3A_99 : i32 to index
      %get3A_216 = arith.constant 80 : index
      %get3A_217 = tpu.vector_load %arg7[%get3A_215, %get3A_216] {strides = array<i32>} : memref<128x128xf32, #tpu.memory_space<vmem>>, vector<1x16xf32>,
      %get3A_218 = vector.shape_cast %get3A_217 : vector<1x16xf32> to vector<16xf32>
      %mul3A_219 = arith.mulf %get3A_106, %get3A_218 : vector<16xf32>
      %add3A_220 = arith.addf %mul3A_214, %mul3A_219 : vector<16xf32>
      %swap3A_221 = arith.index_cast %scan3A_99 : i32 to index
      %swap3A_222 = arith.constant 80 : index
      %swap3A_223 = tpu.vector_load %arg9[%swap3A_221, %swap3A_222] {strides = array<i32>} : memref<128x128xf32, #tpu.memory_space<vmem>>, vector<1x16xf32>,
      %swap3A_224 = vector.shape_cast %swap3A_223 : vector<1x16xf32> to vector<16xf32>
      %swap3A_225 = vector.shape_cast %add3A_220 : vector<16xf32> to vector<1x16xf32>
      tpu.vector_store %arg9[%swap3A_221, %swap3A_222], %swap3A_225 {strides = array<i32>} : memref<128x128xf32, #tpu.memory_space<vmem>>, vector<1x16xf32>,
      %get3A_226 = arith.index_cast %scan3A_99 : i32 to index
      %get3A_227 = arith.constant 96 : index
      %get3A_228 = tpu.vector_load %arg6[%get3A_226, %get3A_227] {strides = array<i32>} : memref<128x128xf32, #tpu.memory_space<vmem>>, vector<1x16xf32>,
      %get3A_229 = vector.shape_cast %get3A_228 : vector<1x16xf32> to vector<16xf32>
      %mul3A_230 = arith.mulf %get3A_126, %get3A_229 : vector<16xf32>
      %get3A_231 = arith.index_cast %scan3A_99 : i32 to index
      %get3A_232 = arith.constant 96 : index
      %get3A_233 = tpu.vector_load %arg7[%get3A_231, %get3A_232] {strides = array<i32>} : memref<128x128xf32, #tpu.memory_space<vmem>>, vector<1x16xf32>,
      %get3A_234 = vector.shape_cast %get3A_233 : vector<1x16xf32> to vector<16xf32>
      %mul3A_235 = arith.mulf %get3A_110, %get3A_234 : vector<16xf32>
      %add3A_236 = arith.addf %mul3A_230, %mul3A_235 : vector<16xf32>
      %swap3A_237 = arith.index_cast %scan3A_99 : i32 to index
      %swap3A_238 = arith.constant 96 : index
      %swap3A_239 = tpu.vector_load %arg9[%swap3A_237, %swap3A_238] {strides = array<i32>} : memref<128x128xf32, #tpu.memory_space<vmem>>, vector<1x16xf32>,
      %swap3A_240 = vector.shape_cast %swap3A_239 : vector<1x16xf32> to vector<16xf32>
      %swap3A_241 = vector.shape_cast %add3A_236 : vector<16xf32> to vector<1x16xf32>
      tpu.vector_store %arg9[%swap3A_237, %swap3A_238], %swap3A_241 {strides = array<i32>} : memref<128x128xf32, #tpu.memory_space<vmem>>, vector<1x16xf32>,
      %get3A_242 = arith.index_cast %scan3A_99 : i32 to index
      %get3A_243 = arith.constant 112 : index
      %get3A_244 = tpu.vector_load %arg6[%get3A_242, %get3A_243] {strides = array<i32>} : memref<128x128xf32, #tpu.memory_space<vmem>>, vector<1x16xf32>,
      %get3A_245 = vector.shape_cast %get3A_244 : vector<1x16xf32> to vector<16xf32>
      %mul3A_246 = arith.mulf %get3A_130, %get3A_245 : vector<16xf32>
      %get3A_247 = arith.index_cast %scan3A_99 : i32 to index
      %get3A_248 = arith.constant 112 : index
      %get3A_249 = tpu.vector_load %arg7[%get3A_247, %get3A_248] {strides = array<i32>} : memref<128x128xf32, #tpu.memory_space<vmem>>, vector<1x16xf32>,
      %get3A_250 = vector.shape_cast %get3A_249 : vector<1x16xf32> to vector<16xf32>
      %mul3A_251 = arith.mulf %get3A_114, %get3A_250 : vector<16xf32>
      %add3A_252 = arith.addf %mul3A_246, %mul3A_251 : vector<16xf32>
      %swap3A_253 = arith.index_cast %scan3A_99 : i32 to index
      %swap3A_254 = arith.constant 112 : index
      %swap3A_255 = tpu.vector_load %arg9[%swap3A_253, %swap3A_254] {strides = array<i32>} : memref<128x128xf32, #tpu.memory_space<vmem>>, vector<1x16xf32>,
      %swap3A_256 = vector.shape_cast %swap3A_255 : vector<1x16xf32> to vector<16xf32>
      %swap3A_257 = vector.shape_cast %add3A_252 : vector<16xf32> to vector<1x16xf32>
      tpu.vector_store %arg9[%swap3A_253, %swap3A_254], %swap3A_257 {strides = array<i32>} : memref<128x128xf32, #tpu.memory_space<vmem>>, vector<1x16xf32>,
    }
    %scan3A_55 = arith.constant 128 : i32
    %run_scoped3A_56 = arith.constant 2 : i32
    "tpu.region"() ({
      %run_scoped3A_99 = tpu.sem_alloc : memref<!tpu.dma_semaphore, #tpu.memory_space<semaphore_mem>>
      %dma_start3A = arith.constant 0 : i32
      %dma_start3A_100 = tpu.memref_slice %arg5[%select_n3A, %run_scoped3A_56, %add3A_34, %dma_start3A] : memref<2x4x4096x128xf32, #tpu.memory_space<hbm>> -> memref<1x1x128x128xf32, #tpu.memory_space<hbm>>
      %dma_start3A_101 = tpu.memref_squeeze %dma_start3A_100 : memref<1x1x128x128xf32, #tpu.memory_space<hbm>> -> memref<128x128xf32, #tpu.memory_space<hbm>>
      %dma_start3A_102 = arith.constant 0 : i32
      %dma_start3A_103 = tpu.memref_slice %arg5[%select_n3A, %run_scoped3A_56, %add3A_34, %dma_start3A_102] : memref<2x4x4096x128xf32, #tpu.memory_space<hbm>> -> memref<1x1x128x128xf32, #tpu.memory_space<hbm>>
      %dma_start3A_104 = tpu.memref_squeeze %dma_start3A_103 : memref<1x1x128x128xf32, #tpu.memory_space<hbm>> -> memref<128x128xf32, #tpu.memory_space<hbm>>
      tpu.enqueue_dma source(%arg9 : memref<128x128xf32, #tpu.memory_space<vmem>>) target(%dma_start3A_104 : memref<128x128xf32, #tpu.memory_space<hbm>>) target_semaphore(%run_scoped3A_99 : memref<!tpu.dma_semaphore, #tpu.memory_space<semaphore_mem>>)
      %dma_wait3A = arith.constant 0 : i32
      %dma_wait3A_105 = tpu.memref_slice %arg5[%select_n3A, %run_scoped3A_56, %add3A_34, %dma_wait3A] : memref<2x4x4096x128xf32, #tpu.memory_space<hbm>> -> memref<1x1x128x128xf32, #tpu.memory_space<hbm>>
      %dma_wait3A_106 = tpu.memref_squeeze %dma_wait3A_105 : memref<1x1x128x128xf32, #tpu.memory_space<hbm>> -> memref<128x128xf32, #tpu.memory_space<hbm>>
      %dma_wait3A_107 = arith.constant 0 : i32
      %dma_wait3A_108 = tpu.memref_slice %arg5[%select_n3A, %run_scoped3A_56, %add3A_34, %dma_wait3A_107] : memref<2x4x4096x128xf32, #tpu.memory_space<hbm>> -> memref<1x1x128x128xf32, #tpu.memory_space<hbm>>
      %dma_wait3A_109 = tpu.memref_squeeze %dma_wait3A_108 : memref<1x1x128x128xf32, #tpu.memory_space<hbm>> -> memref<128x128xf32, #tpu.memory_space<hbm>>
      tpu.wait_dma2 semaphore(%run_scoped3A_99 : memref<!tpu.dma_semaphore, #tpu.memory_space<semaphore_mem>>) src(%arg9 : memref<128x128xf32, #tpu.memory_space<vmem>>) dst(%dma_wait3A_109 : memref<128x128xf32, #tpu.memory_space<hbm>>)
      tpu.yield
    }) : () -> ()
    %run_scoped3A_57 = arith.constant 3 : i32
    "tpu.region"() ({
      %run_scoped3A_99 = tpu.sem_alloc : memref<!tpu.dma_semaphore, #tpu.memory_space<semaphore_mem>>
      %dma_start3A = arith.constant 0 : i32
      %dma_start3A_100 = tpu.memref_slice %arg2[%select_n3A, %run_scoped3A_57, %add3A_34, %dma_start3A] : memref<2x4x4096x128xf32, #tpu.memory_space<hbm>> -> memref<1x1x128x128xf32, #tpu.memory_space<hbm>>
      %dma_start3A_101 = tpu.memref_squeeze %dma_start3A_100 : memref<1x1x128x128xf32, #tpu.memory_space<hbm>> -> memref<128x128xf32, #tpu.memory_space<hbm>>
      %dma_start3A_102 = arith.constant 0 : i32
      %dma_start3A_103 = tpu.memref_slice %arg2[%select_n3A, %run_scoped3A_57, %add3A_34, %dma_start3A_102] : memref<2x4x4096x128xf32, #tpu.memory_space<hbm>> -> memref<1x1x128x128xf32, #tpu.memory_space<hbm>>
      %dma_start3A_104 = tpu.memref_squeeze %dma_start3A_103 : memref<1x1x128x128xf32, #tpu.memory_space<hbm>> -> memref<128x128xf32, #tpu.memory_space<hbm>>
      tpu.enqueue_dma source(%dma_start3A_104 : memref<128x128xf32, #tpu.memory_space<hbm>>) target(%arg8 : memref<128x128xf32, #tpu.memory_space<vmem>>) target_semaphore(%run_scoped3A_99 : memref<!tpu.dma_semaphore, #tpu.memory_space<semaphore_mem>>)
      %dma_wait3A = arith.constant 0 : i32
      %dma_wait3A_105 = tpu.memref_slice %arg2[%select_n3A, %run_scoped3A_57, %add3A_34, %dma_wait3A] : memref<2x4x4096x128xf32, #tpu.memory_space<hbm>> -> memref<1x1x128x128xf32, #tpu.memory_space<hbm>>
      %dma_wait3A_106 = tpu.memref_squeeze %dma_wait3A_105 : memref<1x1x128x128xf32, #tpu.memory_space<hbm>> -> memref<128x128xf32, #tpu.memory_space<hbm>>
      %dma_wait3A_107 = arith.constant 0 : i32
      %dma_wait3A_108 = tpu.memref_slice %arg2[%select_n3A, %run_scoped3A_57, %add3A_34, %dma_wait3A_107] : memref<2x4x4096x128xf32, #tpu.memory_space<hbm>> -> memref<1x1x128x128xf32, #tpu.memory_space<hbm>>
      %dma_wait3A_109 = tpu.memref_squeeze %dma_wait3A_108 : memref<1x1x128x128xf32, #tpu.memory_space<hbm>> -> memref<128x128xf32, #tpu.memory_space<hbm>>
      tpu.wait_dma2 semaphore(%run_scoped3A_99 : memref<!tpu.dma_semaphore, #tpu.memory_space<semaphore_mem>>) src(%dma_wait3A_109 : memref<128x128xf32, #tpu.memory_space<hbm>>) dst(%arg8 : memref<128x128xf32, #tpu.memory_space<vmem>>)
      tpu.yield
    }) : () -> ()
    %scan3A_58 = arith.constant 0 : i32
    %scan3A_59 = arith.constant 0 : i32
    %scan3A_60 = arith.constant 128 : i32
    %scan3A_61 = arith.addi %scan3A_59, %scan3A_60 : i32
    %scan3A_62 = arith.constant 1 : i32
    scf.for %scan3A_99 = %scan3A_59 to %scan3A_61 step %scan3A_62  : i32 {
      %get3A = arith.index_cast %scan3A_99 : i32 to index
      %get3A_100 = arith.constant 0 : index
      %get3A_101 = tpu.vector_load %arg8[%get3A, %get3A_100] {strides = array<i32>} : memref<128x128xf32, #tpu.memory_space<vmem>>, vector<1x16xf32>,
      %get3A_102 = vector.shape_cast %get3A_101 : vector<1x16xf32> to vector<16xf32>
      %get3A_103 = arith.index_cast %scan3A_99 : i32 to index
      %get3A_104 = arith.constant 16 : index
      %get3A_105 = tpu.vector_load %arg8[%get3A_103, %get3A_104] {strides = array<i32>} : memref<128x128xf32, #tpu.memory_space<vmem>>, vector<1x16xf32>,
      %get3A_106 = vector.shape_cast %get3A_105 : vector<1x16xf32> to vector<16xf32>
      %get3A_107 = arith.index_cast %scan3A_99 : i32 to index
      %get3A_108 = arith.constant 32 : index
      %get3A_109 = tpu.vector_load %arg8[%get3A_107, %get3A_108] {strides = array<i32>} : memref<128x128xf32, #tpu.memory_space<vmem>>, vector<1x16xf32>,
      %get3A_110 = vector.shape_cast %get3A_109 : vector<1x16xf32> to vector<16xf32>
      %get3A_111 = arith.index_cast %scan3A_99 : i32 to index
      %get3A_112 = arith.constant 48 : index
      %get3A_113 = tpu.vector_load %arg8[%get3A_111, %get3A_112] {strides = array<i32>} : memref<128x128xf32, #tpu.memory_space<vmem>>, vector<1x16xf32>,
      %get3A_114 = vector.shape_cast %get3A_113 : vector<1x16xf32> to vector<16xf32>
      %get3A_115 = arith.index_cast %scan3A_99 : i32 to index
      %get3A_116 = arith.constant 64 : index
      %get3A_117 = tpu.vector_load %arg8[%get3A_115, %get3A_116] {strides = array<i32>} : memref<128x128xf32, #tpu.memory_space<vmem>>, vector<1x16xf32>,
      %get3A_118 = vector.shape_cast %get3A_117 : vector<1x16xf32> to vector<16xf32>
      %get3A_119 = arith.index_cast %scan3A_99 : i32 to index
      %get3A_120 = arith.constant 80 : index
      %get3A_121 = tpu.vector_load %arg8[%get3A_119, %get3A_120] {strides = array<i32>} : memref<128x128xf32, #tpu.memory_space<vmem>>, vector<1x16xf32>,
      %get3A_122 = vector.shape_cast %get3A_121 : vector<1x16xf32> to vector<16xf32>
      %get3A_123 = arith.index_cast %scan3A_99 : i32 to index
      %get3A_124 = arith.constant 96 : index
      %get3A_125 = tpu.vector_load %arg8[%get3A_123, %get3A_124] {strides = array<i32>} : memref<128x128xf32, #tpu.memory_space<vmem>>, vector<1x16xf32>,
      %get3A_126 = vector.shape_cast %get3A_125 : vector<1x16xf32> to vector<16xf32>
      %get3A_127 = arith.index_cast %scan3A_99 : i32 to index
      %get3A_128 = arith.constant 112 : index
      %get3A_129 = tpu.vector_load %arg8[%get3A_127, %get3A_128] {strides = array<i32>} : memref<128x128xf32, #tpu.memory_space<vmem>>, vector<1x16xf32>,
      %get3A_130 = vector.shape_cast %get3A_129 : vector<1x16xf32> to vector<16xf32>
      %get3A_131 = arith.index_cast %scan3A_99 : i32 to index
      %get3A_132 = arith.constant 0 : index
      %get3A_133 = tpu.vector_load %arg6[%get3A_131, %get3A_132] {strides = array<i32>} : memref<128x128xf32, #tpu.memory_space<vmem>>, vector<1x16xf32>,
      %get3A_134 = vector.shape_cast %get3A_133 : vector<1x16xf32> to vector<16xf32>
      %mul3A_135 = arith.mulf %get3A_102, %get3A_134 : vector<16xf32>
      %get3A_136 = arith.index_cast %scan3A_99 : i32 to index
      %get3A_137 = arith.constant 0 : index
      %get3A_138 = tpu.vector_load %arg7[%get3A_136, %get3A_137] {strides = array<i32>} : memref<128x128xf32, #tpu.memory_space<vmem>>, vector<1x16xf32>,
      %get3A_139 = vector.shape_cast %get3A_138 : vector<1x16xf32> to vector<16xf32>
      %mul3A_140 = arith.mulf %get3A_118, %get3A_139 : vector<16xf32>
      %add3A_141 = arith.addf %mul3A_135, %mul3A_140 : vector<16xf32>
      %swap3A = arith.index_cast %scan3A_99 : i32 to index
      %swap3A_142 = arith.constant 0 : index
      %swap3A_143 = tpu.vector_load %arg9[%swap3A, %swap3A_142] {strides = array<i32>} : memref<128x128xf32, #tpu.memory_space<vmem>>, vector<1x16xf32>,
      %swap3A_144 = vector.shape_cast %swap3A_143 : vector<1x16xf32> to vector<16xf32>
      %swap3A_145 = vector.shape_cast %add3A_141 : vector<16xf32> to vector<1x16xf32>
      tpu.vector_store %arg9[%swap3A, %swap3A_142], %swap3A_145 {strides = array<i32>} : memref<128x128xf32, #tpu.memory_space<vmem>>, vector<1x16xf32>,
      %get3A_146 = arith.index_cast %scan3A_99 : i32 to index
      %get3A_147 = arith.constant 16 : index
      %get3A_148 = tpu.vector_load %arg6[%get3A_146, %get3A_147] {strides = array<i32>} : memref<128x128xf32, #tpu.memory_space<vmem>>, vector<1x16xf32>,
      %get3A_149 = vector.shape_cast %get3A_148 : vector<1x16xf32> to vector<16xf32>
      %mul3A_150 = arith.mulf %get3A_106, %get3A_149 : vector<16xf32>
      %get3A_151 = arith.index_cast %scan3A_99 : i32 to index
      %get3A_152 = arith.constant 16 : index
      %get3A_153 = tpu.vector_load %arg7[%get3A_151, %get3A_152] {strides = array<i32>} : memref<128x128xf32, #tpu.memory_space<vmem>>, vector<1x16xf32>,
      %get3A_154 = vector.shape_cast %get3A_153 : vector<1x16xf32> to vector<16xf32>
      %mul3A_155 = arith.mulf %get3A_122, %get3A_154 : vector<16xf32>
      %add3A_156 = arith.addf %mul3A_150, %mul3A_155 : vector<16xf32>
      %swap3A_157 = arith.index_cast %scan3A_99 : i32 to index
      %swap3A_158 = arith.constant 16 : index
      %swap3A_159 = tpu.vector_load %arg9[%swap3A_157, %swap3A_158] {strides = array<i32>} : memref<128x128xf32, #tpu.memory_space<vmem>>, vector<1x16xf32>,
      %swap3A_160 = vector.shape_cast %swap3A_159 : vector<1x16xf32> to vector<16xf32>
      %swap3A_161 = vector.shape_cast %add3A_156 : vector<16xf32> to vector<1x16xf32>
      tpu.vector_store %arg9[%swap3A_157, %swap3A_158], %swap3A_161 {strides = array<i32>} : memref<128x128xf32, #tpu.memory_space<vmem>>, vector<1x16xf32>,
      %get3A_162 = arith.index_cast %scan3A_99 : i32 to index
      %get3A_163 = arith.constant 32 : index
      %get3A_164 = tpu.vector_load %arg6[%get3A_162, %get3A_163] {strides = array<i32>} : memref<128x128xf32, #tpu.memory_space<vmem>>, vector<1x16xf32>,
      %get3A_165 = vector.shape_cast %get3A_164 : vector<1x16xf32> to vector<16xf32>
      %mul3A_166 = arith.mulf %get3A_110, %get3A_165 : vector<16xf32>
      %get3A_167 = arith.index_cast %scan3A_99 : i32 to index
      %get3A_168 = arith.constant 32 : index
      %get3A_169 = tpu.vector_load %arg7[%get3A_167, %get3A_168] {strides = array<i32>} : memref<128x128xf32, #tpu.memory_space<vmem>>, vector<1x16xf32>,
      %get3A_170 = vector.shape_cast %get3A_169 : vector<1x16xf32> to vector<16xf32>
      %mul3A_171 = arith.mulf %get3A_126, %get3A_170 : vector<16xf32>
      %add3A_172 = arith.addf %mul3A_166, %mul3A_171 : vector<16xf32>
      %swap3A_173 = arith.index_cast %scan3A_99 : i32 to index
      %swap3A_174 = arith.constant 32 : index
      %swap3A_175 = tpu.vector_load %arg9[%swap3A_173, %swap3A_174] {strides = array<i32>} : memref<128x128xf32, #tpu.memory_space<vmem>>, vector<1x16xf32>,
      %swap3A_176 = vector.shape_cast %swap3A_175 : vector<1x16xf32> to vector<16xf32>
      %swap3A_177 = vector.shape_cast %add3A_172 : vector<16xf32> to vector<1x16xf32>
      tpu.vector_store %arg9[%swap3A_173, %swap3A_174], %swap3A_177 {strides = array<i32>} : memref<128x128xf32, #tpu.memory_space<vmem>>, vector<1x16xf32>,
      %get3A_178 = arith.index_cast %scan3A_99 : i32 to index
      %get3A_179 = arith.constant 48 : index
      %get3A_180 = tpu.vector_load %arg6[%get3A_178, %get3A_179] {strides = array<i32>} : memref<128x128xf32, #tpu.memory_space<vmem>>, vector<1x16xf32>,
      %get3A_181 = vector.shape_cast %get3A_180 : vector<1x16xf32> to vector<16xf32>
      %mul3A_182 = arith.mulf %get3A_114, %get3A_181 : vector<16xf32>
      %get3A_183 = arith.index_cast %scan3A_99 : i32 to index
      %get3A_184 = arith.constant 48 : index
      %get3A_185 = tpu.vector_load %arg7[%get3A_183, %get3A_184] {strides = array<i32>} : memref<128x128xf32, #tpu.memory_space<vmem>>, vector<1x16xf32>,
      %get3A_186 = vector.shape_cast %get3A_185 : vector<1x16xf32> to vector<16xf32>
      %mul3A_187 = arith.mulf %get3A_130, %get3A_186 : vector<16xf32>
      %add3A_188 = arith.addf %mul3A_182, %mul3A_187 : vector<16xf32>
      %swap3A_189 = arith.index_cast %scan3A_99 : i32 to index
      %swap3A_190 = arith.constant 48 : index
      %swap3A_191 = tpu.vector_load %arg9[%swap3A_189, %swap3A_190] {strides = array<i32>} : memref<128x128xf32, #tpu.memory_space<vmem>>, vector<1x16xf32>,
      %swap3A_192 = vector.shape_cast %swap3A_191 : vector<1x16xf32> to vector<16xf32>
      %swap3A_193 = vector.shape_cast %add3A_188 : vector<16xf32> to vector<1x16xf32>
      tpu.vector_store %arg9[%swap3A_189, %swap3A_190], %swap3A_193 {strides = array<i32>} : memref<128x128xf32, #tpu.memory_space<vmem>>, vector<1x16xf32>,
      %get3A_194 = arith.index_cast %scan3A_99 : i32 to index
      %get3A_195 = arith.constant 64 : index
      %get3A_196 = tpu.vector_load %arg6[%get3A_194, %get3A_195] {strides = array<i32>} : memref<128x128xf32, #tpu.memory_space<vmem>>, vector<1x16xf32>,
      %get3A_197 = vector.shape_cast %get3A_196 : vector<1x16xf32> to vector<16xf32>
      %mul3A_198 = arith.mulf %get3A_118, %get3A_197 : vector<16xf32>
      %get3A_199 = arith.index_cast %scan3A_99 : i32 to index
      %get3A_200 = arith.constant 64 : index
      %get3A_201 = tpu.vector_load %arg7[%get3A_199, %get3A_200] {strides = array<i32>} : memref<128x128xf32, #tpu.memory_space<vmem>>, vector<1x16xf32>,
      %get3A_202 = vector.shape_cast %get3A_201 : vector<1x16xf32> to vector<16xf32>
      %mul3A_203 = arith.mulf %get3A_102, %get3A_202 : vector<16xf32>
      %add3A_204 = arith.addf %mul3A_198, %mul3A_203 : vector<16xf32>
      %swap3A_205 = arith.index_cast %scan3A_99 : i32 to index
      %swap3A_206 = arith.constant 64 : index
      %swap3A_207 = tpu.vector_load %arg9[%swap3A_205, %swap3A_206] {strides = array<i32>} : memref<128x128xf32, #tpu.memory_space<vmem>>, vector<1x16xf32>,
      %swap3A_208 = vector.shape_cast %swap3A_207 : vector<1x16xf32> to vector<16xf32>
      %swap3A_209 = vector.shape_cast %add3A_204 : vector<16xf32> to vector<1x16xf32>
      tpu.vector_store %arg9[%swap3A_205, %swap3A_206], %swap3A_209 {strides = array<i32>} : memref<128x128xf32, #tpu.memory_space<vmem>>, vector<1x16xf32>,
      %get3A_210 = arith.index_cast %scan3A_99 : i32 to index
      %get3A_211 = arith.constant 80 : index
      %get3A_212 = tpu.vector_load %arg6[%get3A_210, %get3A_211] {strides = array<i32>} : memref<128x128xf32, #tpu.memory_space<vmem>>, vector<1x16xf32>,
      %get3A_213 = vector.shape_cast %get3A_212 : vector<1x16xf32> to vector<16xf32>
      %mul3A_214 = arith.mulf %get3A_122, %get3A_213 : vector<16xf32>
      %get3A_215 = arith.index_cast %scan3A_99 : i32 to index
      %get3A_216 = arith.constant 80 : index
      %get3A_217 = tpu.vector_load %arg7[%get3A_215, %get3A_216] {strides = array<i32>} : memref<128x128xf32, #tpu.memory_space<vmem>>, vector<1x16xf32>,
      %get3A_218 = vector.shape_cast %get3A_217 : vector<1x16xf32> to vector<16xf32>
      %mul3A_219 = arith.mulf %get3A_106, %get3A_218 : vector<16xf32>
      %add3A_220 = arith.addf %mul3A_214, %mul3A_219 : vector<16xf32>
      %swap3A_221 = arith.index_cast %scan3A_99 : i32 to index
      %swap3A_222 = arith.constant 80 : index
      %swap3A_223 = tpu.vector_load %arg9[%swap3A_221, %swap3A_222] {strides = array<i32>} : memref<128x128xf32, #tpu.memory_space<vmem>>, vector<1x16xf32>,
      %swap3A_224 = vector.shape_cast %swap3A_223 : vector<1x16xf32> to vector<16xf32>
      %swap3A_225 = vector.shape_cast %add3A_220 : vector<16xf32> to vector<1x16xf32>
      tpu.vector_store %arg9[%swap3A_221, %swap3A_222], %swap3A_225 {strides = array<i32>} : memref<128x128xf32, #tpu.memory_space<vmem>>, vector<1x16xf32>,
      %get3A_226 = arith.index_cast %scan3A_99 : i32 to index
      %get3A_227 = arith.constant 96 : index
      %get3A_228 = tpu.vector_load %arg6[%get3A_226, %get3A_227] {strides = array<i32>} : memref<128x128xf32, #tpu.memory_space<vmem>>, vector<1x16xf32>,
      %get3A_229 = vector.shape_cast %get3A_228 : vector<1x16xf32> to vector<16xf32>
      %mul3A_230 = arith.mulf %get3A_126, %get3A_229 : vector<16xf32>
      %get3A_231 = arith.index_cast %scan3A_99 : i32 to index
      %get3A_232 = arith.constant 96 : index
      %get3A_233 = tpu.vector_load %arg7[%get3A_231, %get3A_232] {strides = array<i32>} : memref<128x128xf32, #tpu.memory_space<vmem>>, vector<1x16xf32>,
      %get3A_234 = vector.shape_cast %get3A_233 : vector<1x16xf32> to vector<16xf32>
      %mul3A_235 = arith.mulf %get3A_110, %get3A_234 : vector<16xf32>
      %add3A_236 = arith.addf %mul3A_230, %mul3A_235 : vector<16xf32>
      %swap3A_237 = arith.index_cast %scan3A_99 : i32 to index
      %swap3A_238 = arith.constant 96 : index
      %swap3A_239 = tpu.vector_load %arg9[%swap3A_237, %swap3A_238] {strides = array<i32>} : memref<128x128xf32, #tpu.memory_space<vmem>>, vector<1x16xf32>,
      %swap3A_240 = vector.shape_cast %swap3A_239 : vector<1x16xf32> to vector<16xf32>
      %swap3A_241 = vector.shape_cast %add3A_236 : vector<16xf32> to vector<1x16xf32>
      tpu.vector_store %arg9[%swap3A_237, %swap3A_238], %swap3A_241 {strides = array<i32>} : memref<128x128xf32, #tpu.memory_space<vmem>>, vector<1x16xf32>,
      %get3A_242 = arith.index_cast %scan3A_99 : i32 to index
      %get3A_243 = arith.constant 112 : index
      %get3A_244 = tpu.vector_load %arg6[%get3A_242, %get3A_243] {strides = array<i32>} : memref<128x128xf32, #tpu.memory_space<vmem>>, vector<1x16xf32>,
      %get3A_245 = vector.shape_cast %get3A_244 : vector<1x16xf32> to vector<16xf32>
      %mul3A_246 = arith.mulf %get3A_130, %get3A_245 : vector<16xf32>
      %get3A_247 = arith.index_cast %scan3A_99 : i32 to index
      %get3A_248 = arith.constant 112 : index
      %get3A_249 = tpu.vector_load %arg7[%get3A_247, %get3A_248] {strides = array<i32>} : memref<128x128xf32, #tpu.memory_space<vmem>>, vector<1x16xf32>,
      %get3A_250 = vector.shape_cast %get3A_249 : vector<1x16xf32> to vector<16xf32>
      %mul3A_251 = arith.mulf %get3A_114, %get3A_250 : vector<16xf32>
      %add3A_252 = arith.addf %mul3A_246, %mul3A_251 : vector<16xf32>
      %swap3A_253 = arith.index_cast %scan3A_99 : i32 to index
      %swap3A_254 = arith.constant 112 : index
      %swap3A_255 = tpu.vector_load %arg9[%swap3A_253, %swap3A_254] {strides = array<i32>} : memref<128x128xf32, #tpu.memory_space<vmem>>, vector<1x16xf32>,
      %swap3A_256 = vector.shape_cast %swap3A_255 : vector<1x16xf32> to vector<16xf32>
      %swap3A_257 = vector.shape_cast %add3A_252 : vector<16xf32> to vector<1x16xf32>
      tpu.vector_store %arg9[%swap3A_253, %swap3A_254], %swap3A_257 {strides = array<i32>} : memref<128x128xf32, #tpu.memory_space<vmem>>, vector<1x16xf32>,
    }
    %scan3A_63 = arith.constant 128 : i32
    %run_scoped3A_64 = arith.constant 3 : i32
    "tpu.region"() ({
      %run_scoped3A_99 = tpu.sem_alloc : memref<!tpu.dma_semaphore, #tpu.memory_space<semaphore_mem>>
      %dma_start3A = arith.constant 0 : i32
      %dma_start3A_100 = tpu.memref_slice %arg5[%select_n3A, %run_scoped3A_64, %add3A_34, %dma_start3A] : memref<2x4x4096x128xf32, #tpu.memory_space<hbm>> -> memref<1x1x128x128xf32, #tpu.memory_space<hbm>>
      %dma_start3A_101 = tpu.memref_squeeze %dma_start3A_100 : memref<1x1x128x128xf32, #tpu.memory_space<hbm>> -> memref<128x128xf32, #tpu.memory_space<hbm>>
      %dma_start3A_102 = arith.constant 0 : i32
      %dma_start3A_103 = tpu.memref_slice %arg5[%select_n3A, %run_scoped3A_64, %add3A_34, %dma_start3A_102] : memref<2x4x4096x128xf32, #tpu.memory_space<hbm>> -> memref<1x1x128x128xf32, #tpu.memory_space<hbm>>
      %dma_start3A_104 = tpu.memref_squeeze %dma_start3A_103 : memref<1x1x128x128xf32, #tpu.memory_space<hbm>> -> memref<128x128xf32, #tpu.memory_space<hbm>>
      tpu.enqueue_dma source(%arg9 : memref<128x128xf32, #tpu.memory_space<vmem>>) target(%dma_start3A_104 : memref<128x128xf32, #tpu.memory_space<hbm>>) target_semaphore(%run_scoped3A_99 : memref<!tpu.dma_semaphore, #tpu.memory_space<semaphore_mem>>)
      %dma_wait3A = arith.constant 0 : i32
      %dma_wait3A_105 = tpu.memref_slice %arg5[%select_n3A, %run_scoped3A_64, %add3A_34, %dma_wait3A] : memref<2x4x4096x128xf32, #tpu.memory_space<hbm>> -> memref<1x1x128x128xf32, #tpu.memory_space<hbm>>
      %dma_wait3A_106 = tpu.memref_squeeze %dma_wait3A_105 : memref<1x1x128x128xf32, #tpu.memory_space<hbm>> -> memref<128x128xf32, #tpu.memory_space<hbm>>
      %dma_wait3A_107 = arith.constant 0 : i32
      %dma_wait3A_108 = tpu.memref_slice %arg5[%select_n3A, %run_scoped3A_64, %add3A_34, %dma_wait3A_107] : memref<2x4x4096x128xf32, #tpu.memory_space<hbm>> -> memref<1x1x128x128xf32, #tpu.memory_space<hbm>>
      %dma_wait3A_109 = tpu.memref_squeeze %dma_wait3A_108 : memref<1x1x128x128xf32, #tpu.memory_space<hbm>> -> memref<128x128xf32, #tpu.memory_space<hbm>>
      tpu.wait_dma2 semaphore(%run_scoped3A_99 : memref<!tpu.dma_semaphore, #tpu.memory_space<semaphore_mem>>) src(%arg9 : memref<128x128xf32, #tpu.memory_space<vmem>>) dst(%dma_wait3A_109 : memref<128x128xf32, #tpu.memory_space<hbm>>)
      tpu.yield
    }) : () -> ()
    %add3A_65 = arith.constant 128 : i32
    %add3A_66 = arith.addi %mul3A_32, %add3A_65 : i32
    "tpu.region"() ({
      %run_scoped3A_99 = tpu.sem_alloc : memref<!tpu.dma_semaphore, #tpu.memory_space<semaphore_mem>>
      %dma_start3A = arith.constant 0 : i32
      %dma_start3A_100 = tpu.memref_slice %arg3[%select_n3A, %add3A_66, %dma_start3A] : memref<2x4096x128xf32, #tpu.memory_space<hbm>> -> memref<1x128x128xf32, #tpu.memory_space<hbm>>
      %dma_start3A_101 = tpu.memref_squeeze %dma_start3A_100 : memref<1x128x128xf32, #tpu.memory_space<hbm>> -> memref<128x128xf32, #tpu.memory_space<hbm>>
      %dma_start3A_102 = arith.constant 0 : i32
      %dma_start3A_103 = tpu.memref_slice %arg3[%select_n3A, %add3A_66, %dma_start3A_102] : memref<2x4096x128xf32, #tpu.memory_space<hbm>> -> memref<1x128x128xf32, #tpu.memory_space<hbm>>
      %dma_start3A_104 = tpu.memref_squeeze %dma_start3A_103 : memref<1x128x128xf32, #tpu.memory_space<hbm>> -> memref<128x128xf32, #tpu.memory_space<hbm>>
      tpu.enqueue_dma source(%dma_start3A_104 : memref<128x128xf32, #tpu.memory_space<hbm>>) target(%arg6 : memref<128x128xf32, #tpu.memory_space<vmem>>) target_semaphore(%run_scoped3A_99 : memref<!tpu.dma_semaphore, #tpu.memory_space<semaphore_mem>>)
      %dma_wait3A = arith.constant 0 : i32
      %dma_wait3A_105 = tpu.memref_slice %arg3[%select_n3A, %add3A_66, %dma_wait3A] : memref<2x4096x128xf32, #tpu.memory_space<hbm>> -> memref<1x128x128xf32, #tpu.memory_space<hbm>>
      %dma_wait3A_106 = tpu.memref_squeeze %dma_wait3A_105 : memref<1x128x128xf32, #tpu.memory_space<hbm>> -> memref<128x128xf32, #tpu.memory_space<hbm>>
      %dma_wait3A_107 = arith.constant 0 : i32
      %dma_wait3A_108 = tpu.memref_slice %arg3[%select_n3A, %add3A_66, %dma_wait3A_107] : memref<2x4096x128xf32, #tpu.memory_space<hbm>> -> memref<1x128x128xf32, #tpu.memory_space<hbm>>
      %dma_wait3A_109 = tpu.memref_squeeze %dma_wait3A_108 : memref<1x128x128xf32, #tpu.memory_space<hbm>> -> memref<128x128xf32, #tpu.memory_space<hbm>>
      tpu.wait_dma2 semaphore(%run_scoped3A_99 : memref<!tpu.dma_semaphore, #tpu.memory_space<semaphore_mem>>) src(%dma_wait3A_109 : memref<128x128xf32, #tpu.memory_space<hbm>>) dst(%arg6 : memref<128x128xf32, #tpu.memory_space<vmem>>)
      tpu.yield
    }) : () -> ()
    "tpu.region"() ({
      %run_scoped3A_99 = tpu.sem_alloc : memref<!tpu.dma_semaphore, #tpu.memory_space<semaphore_mem>>
      %dma_start3A = arith.constant 0 : i32
      %dma_start3A_100 = tpu.memref_slice %arg4[%select_n3A, %add3A_66, %dma_start3A] : memref<2x4096x128xf32, #tpu.memory_space<hbm>> -> memref<1x128x128xf32, #tpu.memory_space<hbm>>
      %dma_start3A_101 = tpu.memref_squeeze %dma_start3A_100 : memref<1x128x128xf32, #tpu.memory_space<hbm>> -> memref<128x128xf32, #tpu.memory_space<hbm>>
      %dma_start3A_102 = arith.constant 0 : i32
      %dma_start3A_103 = tpu.memref_slice %arg4[%select_n3A, %add3A_66, %dma_start3A_102] : memref<2x4096x128xf32, #tpu.memory_space<hbm>> -> memref<1x128x128xf32, #tpu.memory_space<hbm>>
      %dma_start3A_104 = tpu.memref_squeeze %dma_start3A_103 : memref<1x128x128xf32, #tpu.memory_space<hbm>> -> memref<128x128xf32, #tpu.memory_space<hbm>>
      tpu.enqueue_dma source(%dma_start3A_104 : memref<128x128xf32, #tpu.memory_space<hbm>>) target(%arg7 : memref<128x128xf32, #tpu.memory_space<vmem>>) target_semaphore(%run_scoped3A_99 : memref<!tpu.dma_semaphore, #tpu.memory_space<semaphore_mem>>)
      %dma_wait3A = arith.constant 0 : i32
      %dma_wait3A_105 = tpu.memref_slice %arg4[%select_n3A, %add3A_66, %dma_wait3A] : memref<2x4096x128xf32, #tpu.memory_space<hbm>> -> memref<1x128x128xf32, #tpu.memory_space<hbm>>
      %dma_wait3A_106 = tpu.memref_squeeze %dma_wait3A_105 : memref<1x128x128xf32, #tpu.memory_space<hbm>> -> memref<128x128xf32, #tpu.memory_space<hbm>>
      %dma_wait3A_107 = arith.constant 0 : i32
      %dma_wait3A_108 = tpu.memref_slice %arg4[%select_n3A, %add3A_66, %dma_wait3A_107] : memref<2x4096x128xf32, #tpu.memory_space<hbm>> -> memref<1x128x128xf32, #tpu.memory_space<hbm>>
      %dma_wait3A_109 = tpu.memref_squeeze %dma_wait3A_108 : memref<1x128x128xf32, #tpu.memory_space<hbm>> -> memref<128x128xf32, #tpu.memory_space<hbm>>
      tpu.wait_dma2 semaphore(%run_scoped3A_99 : memref<!tpu.dma_semaphore, #tpu.memory_space<semaphore_mem>>) src(%dma_wait3A_109 : memref<128x128xf32, #tpu.memory_space<hbm>>) dst(%arg7 : memref<128x128xf32, #tpu.memory_space<vmem>>)
      tpu.yield
    }) : () -> ()
    %run_scoped3A_67 = arith.constant 0 : i32
    "tpu.region"() ({
      %run_scoped3A_99 = tpu.sem_alloc : memref<!tpu.dma_semaphore, #tpu.memory_space<semaphore_mem>>
      %dma_start3A = arith.constant 0 : i32
      %dma_start3A_100 = tpu.memref_slice %arg2[%select_n3A, %run_scoped3A_67, %add3A_66, %dma_start3A] : memref<2x4x4096x128xf32, #tpu.memory_space<hbm>> -> memref<1x1x128x128xf32, #tpu.memory_space<hbm>>
      %dma_start3A_101 = tpu.memref_squeeze %dma_start3A_100 : memref<1x1x128x128xf32, #tpu.memory_space<hbm>> -> memref<128x128xf32, #tpu.memory_space<hbm>>
      %dma_start3A_102 = arith.constant 0 : i32
      %dma_start3A_103 = tpu.memref_slice %arg2[%select_n3A, %run_scoped3A_67, %add3A_66, %dma_start3A_102] : memref<2x4x4096x128xf32, #tpu.memory_space<hbm>> -> memref<1x1x128x128xf32, #tpu.memory_space<hbm>>
      %dma_start3A_104 = tpu.memref_squeeze %dma_start3A_103 : memref<1x1x128x128xf32, #tpu.memory_space<hbm>> -> memref<128x128xf32, #tpu.memory_space<hbm>>
      tpu.enqueue_dma source(%dma_start3A_104 : memref<128x128xf32, #tpu.memory_space<hbm>>) target(%arg8 : memref<128x128xf32, #tpu.memory_space<vmem>>) target_semaphore(%run_scoped3A_99 : memref<!tpu.dma_semaphore, #tpu.memory_space<semaphore_mem>>)
      %dma_wait3A = arith.constant 0 : i32
      %dma_wait3A_105 = tpu.memref_slice %arg2[%select_n3A, %run_scoped3A_67, %add3A_66, %dma_wait3A] : memref<2x4x4096x128xf32, #tpu.memory_space<hbm>> -> memref<1x1x128x128xf32, #tpu.memory_space<hbm>>
      %dma_wait3A_106 = tpu.memref_squeeze %dma_wait3A_105 : memref<1x1x128x128xf32, #tpu.memory_space<hbm>> -> memref<128x128xf32, #tpu.memory_space<hbm>>
      %dma_wait3A_107 = arith.constant 0 : i32
      %dma_wait3A_108 = tpu.memref_slice %arg2[%select_n3A, %run_scoped3A_67, %add3A_66, %dma_wait3A_107] : memref<2x4x4096x128xf32, #tpu.memory_space<hbm>> -> memref<1x1x128x128xf32, #tpu.memory_space<hbm>>
      %dma_wait3A_109 = tpu.memref_squeeze %dma_wait3A_108 : memref<1x1x128x128xf32, #tpu.memory_space<hbm>> -> memref<128x128xf32, #tpu.memory_space<hbm>>
      tpu.wait_dma2 semaphore(%run_scoped3A_99 : memref<!tpu.dma_semaphore, #tpu.memory_space<semaphore_mem>>) src(%dma_wait3A_109 : memref<128x128xf32, #tpu.memory_space<hbm>>) dst(%arg8 : memref<128x128xf32, #tpu.memory_space<vmem>>)
      tpu.yield
    }) : () -> ()
    %scan3A_68 = arith.constant 0 : i32
    %scan3A_69 = arith.constant 0 : i32
    %scan3A_70 = arith.constant 128 : i32
    %scan3A_71 = arith.addi %scan3A_69, %scan3A_70 : i32
    %scan3A_72 = arith.constant 1 : i32
    scf.for %scan3A_99 = %scan3A_69 to %scan3A_71 step %scan3A_72  : i32 {
      %get3A = arith.index_cast %scan3A_99 : i32 to index
      %get3A_100 = arith.constant 0 : index
      %get3A_101 = tpu.vector_load %arg8[%get3A, %get3A_100] {strides = array<i32>} : memref<128x128xf32, #tpu.memory_space<vmem>>, vector<1x16xf32>,
      %get3A_102 = vector.shape_cast %get3A_101 : vector<1x16xf32> to vector<16xf32>
      %get3A_103 = arith.index_cast %scan3A_99 : i32 to index
      %get3A_104 = arith.constant 16 : index
      %get3A_105 = tpu.vector_load %arg8[%get3A_103, %get3A_104] {strides = array<i32>} : memref<128x128xf32, #tpu.memory_space<vmem>>, vector<1x16xf32>,
      %get3A_106 = vector.shape_cast %get3A_105 : vector<1x16xf32> to vector<16xf32>
      %get3A_107 = arith.index_cast %scan3A_99 : i32 to index
      %get3A_108 = arith.constant 32 : index
      %get3A_109 = tpu.vector_load %arg8[%get3A_107, %get3A_108] {strides = array<i32>} : memref<128x128xf32, #tpu.memory_space<vmem>>, vector<1x16xf32>,
      %get3A_110 = vector.shape_cast %get3A_109 : vector<1x16xf32> to vector<16xf32>
      %get3A_111 = arith.index_cast %scan3A_99 : i32 to index
      %get3A_112 = arith.constant 48 : index
      %get3A_113 = tpu.vector_load %arg8[%get3A_111, %get3A_112] {strides = array<i32>} : memref<128x128xf32, #tpu.memory_space<vmem>>, vector<1x16xf32>,
      %get3A_114 = vector.shape_cast %get3A_113 : vector<1x16xf32> to vector<16xf32>
      %get3A_115 = arith.index_cast %scan3A_99 : i32 to index
      %get3A_116 = arith.constant 64 : index
      %get3A_117 = tpu.vector_load %arg8[%get3A_115, %get3A_116] {strides = array<i32>} : memref<128x128xf32, #tpu.memory_space<vmem>>, vector<1x16xf32>,
      %get3A_118 = vector.shape_cast %get3A_117 : vector<1x16xf32> to vector<16xf32>
      %get3A_119 = arith.index_cast %scan3A_99 : i32 to index
      %get3A_120 = arith.constant 80 : index
      %get3A_121 = tpu.vector_load %arg8[%get3A_119, %get3A_120] {strides = array<i32>} : memref<128x128xf32, #tpu.memory_space<vmem>>, vector<1x16xf32>,
      %get3A_122 = vector.shape_cast %get3A_121 : vector<1x16xf32> to vector<16xf32>
      %get3A_123 = arith.index_cast %scan3A_99 : i32 to index
      %get3A_124 = arith.constant 96 : index
      %get3A_125 = tpu.vector_load %arg8[%get3A_123, %get3A_124] {strides = array<i32>} : memref<128x128xf32, #tpu.memory_space<vmem>>, vector<1x16xf32>,
      %get3A_126 = vector.shape_cast %get3A_125 : vector<1x16xf32> to vector<16xf32>
      %get3A_127 = arith.index_cast %scan3A_99 : i32 to index
      %get3A_128 = arith.constant 112 : index
      %get3A_129 = tpu.vector_load %arg8[%get3A_127, %get3A_128] {strides = array<i32>} : memref<128x128xf32, #tpu.memory_space<vmem>>, vector<1x16xf32>,
      %get3A_130 = vector.shape_cast %get3A_129 : vector<1x16xf32> to vector<16xf32>
      %get3A_131 = arith.index_cast %scan3A_99 : i32 to index
      %get3A_132 = arith.constant 0 : index
      %get3A_133 = tpu.vector_load %arg6[%get3A_131, %get3A_132] {strides = array<i32>} : memref<128x128xf32, #tpu.memory_space<vmem>>, vector<1x16xf32>,
      %get3A_134 = vector.shape_cast %get3A_133 : vector<1x16xf32> to vector<16xf32>
      %mul3A_135 = arith.mulf %get3A_102, %get3A_134 : vector<16xf32>
      %get3A_136 = arith.index_cast %scan3A_99 : i32 to index
      %get3A_137 = arith.constant 0 : index
      %get3A_138 = tpu.vector_load %arg7[%get3A_136, %get3A_137] {strides = array<i32>} : memref<128x128xf32, #tpu.memory_space<vmem>>, vector<1x16xf32>,
      %get3A_139 = vector.shape_cast %get3A_138 : vector<1x16xf32> to vector<16xf32>
      %mul3A_140 = arith.mulf %get3A_118, %get3A_139 : vector<16xf32>
      %add3A_141 = arith.addf %mul3A_135, %mul3A_140 : vector<16xf32>
      %swap3A = arith.index_cast %scan3A_99 : i32 to index
      %swap3A_142 = arith.constant 0 : index
      %swap3A_143 = tpu.vector_load %arg9[%swap3A, %swap3A_142] {strides = array<i32>} : memref<128x128xf32, #tpu.memory_space<vmem>>, vector<1x16xf32>,
      %swap3A_144 = vector.shape_cast %swap3A_143 : vector<1x16xf32> to vector<16xf32>
      %swap3A_145 = vector.shape_cast %add3A_141 : vector<16xf32> to vector<1x16xf32>
      tpu.vector_store %arg9[%swap3A, %swap3A_142], %swap3A_145 {strides = array<i32>} : memref<128x128xf32, #tpu.memory_space<vmem>>, vector<1x16xf32>,
      %get3A_146 = arith.index_cast %scan3A_99 : i32 to index
      %get3A_147 = arith.constant 16 : index
      %get3A_148 = tpu.vector_load %arg6[%get3A_146, %get3A_147] {strides = array<i32>} : memref<128x128xf32, #tpu.memory_space<vmem>>, vector<1x16xf32>,
      %get3A_149 = vector.shape_cast %get3A_148 : vector<1x16xf32> to vector<16xf32>
      %mul3A_150 = arith.mulf %get3A_106, %get3A_149 : vector<16xf32>
      %get3A_151 = arith.index_cast %scan3A_99 : i32 to index
      %get3A_152 = arith.constant 16 : index
      %get3A_153 = tpu.vector_load %arg7[%get3A_151, %get3A_152] {strides = array<i32>} : memref<128x128xf32, #tpu.memory_space<vmem>>, vector<1x16xf32>,
      %get3A_154 = vector.shape_cast %get3A_153 : vector<1x16xf32> to vector<16xf32>
      %mul3A_155 = arith.mulf %get3A_122, %get3A_154 : vector<16xf32>
      %add3A_156 = arith.addf %mul3A_150, %mul3A_155 : vector<16xf32>
      %swap3A_157 = arith.index_cast %scan3A_99 : i32 to index
      %swap3A_158 = arith.constant 16 : index
      %swap3A_159 = tpu.vector_load %arg9[%swap3A_157, %swap3A_158] {strides = array<i32>} : memref<128x128xf32, #tpu.memory_space<vmem>>, vector<1x16xf32>,
      %swap3A_160 = vector.shape_cast %swap3A_159 : vector<1x16xf32> to vector<16xf32>
      %swap3A_161 = vector.shape_cast %add3A_156 : vector<16xf32> to vector<1x16xf32>
      tpu.vector_store %arg9[%swap3A_157, %swap3A_158], %swap3A_161 {strides = array<i32>} : memref<128x128xf32, #tpu.memory_space<vmem>>, vector<1x16xf32>,
      %get3A_162 = arith.index_cast %scan3A_99 : i32 to index
      %get3A_163 = arith.constant 32 : index
      %get3A_164 = tpu.vector_load %arg6[%get3A_162, %get3A_163] {strides = array<i32>} : memref<128x128xf32, #tpu.memory_space<vmem>>, vector<1x16xf32>,
      %get3A_165 = vector.shape_cast %get3A_164 : vector<1x16xf32> to vector<16xf32>
      %mul3A_166 = arith.mulf %get3A_110, %get3A_165 : vector<16xf32>
      %get3A_167 = arith.index_cast %scan3A_99 : i32 to index
      %get3A_168 = arith.constant 32 : index
      %get3A_169 = tpu.vector_load %arg7[%get3A_167, %get3A_168] {strides = array<i32>} : memref<128x128xf32, #tpu.memory_space<vmem>>, vector<1x16xf32>,
      %get3A_170 = vector.shape_cast %get3A_169 : vector<1x16xf32> to vector<16xf32>
      %mul3A_171 = arith.mulf %get3A_126, %get3A_170 : vector<16xf32>
      %add3A_172 = arith.addf %mul3A_166, %mul3A_171 : vector<16xf32>
      %swap3A_173 = arith.index_cast %scan3A_99 : i32 to index
      %swap3A_174 = arith.constant 32 : index
      %swap3A_175 = tpu.vector_load %arg9[%swap3A_173, %swap3A_174] {strides = array<i32>} : memref<128x128xf32, #tpu.memory_space<vmem>>, vector<1x16xf32>,
      %swap3A_176 = vector.shape_cast %swap3A_175 : vector<1x16xf32> to vector<16xf32>
      %swap3A_177 = vector.shape_cast %add3A_172 : vector<16xf32> to vector<1x16xf32>
      tpu.vector_store %arg9[%swap3A_173, %swap3A_174], %swap3A_177 {strides = array<i32>} : memref<128x128xf32, #tpu.memory_space<vmem>>, vector<1x16xf32>,
      %get3A_178 = arith.index_cast %scan3A_99 : i32 to index
      %get3A_179 = arith.constant 48 : index
      %get3A_180 = tpu.vector_load %arg6[%get3A_178, %get3A_179] {strides = array<i32>} : memref<128x128xf32, #tpu.memory_space<vmem>>, vector<1x16xf32>,
      %get3A_181 = vector.shape_cast %get3A_180 : vector<1x16xf32> to vector<16xf32>
      %mul3A_182 = arith.mulf %get3A_114, %get3A_181 : vector<16xf32>
      %get3A_183 = arith.index_cast %scan3A_99 : i32 to index
      %get3A_184 = arith.constant 48 : index
      %get3A_185 = tpu.vector_load %arg7[%get3A_183, %get3A_184] {strides = array<i32>} : memref<128x128xf32, #tpu.memory_space<vmem>>, vector<1x16xf32>,
      %get3A_186 = vector.shape_cast %get3A_185 : vector<1x16xf32> to vector<16xf32>
      %mul3A_187 = arith.mulf %get3A_130, %get3A_186 : vector<16xf32>
      %add3A_188 = arith.addf %mul3A_182, %mul3A_187 : vector<16xf32>
      %swap3A_189 = arith.index_cast %scan3A_99 : i32 to index
      %swap3A_190 = arith.constant 48 : index
      %swap3A_191 = tpu.vector_load %arg9[%swap3A_189, %swap3A_190] {strides = array<i32>} : memref<128x128xf32, #tpu.memory_space<vmem>>, vector<1x16xf32>,
      %swap3A_192 = vector.shape_cast %swap3A_191 : vector<1x16xf32> to vector<16xf32>
      %swap3A_193 = vector.shape_cast %add3A_188 : vector<16xf32> to vector<1x16xf32>
      tpu.vector_store %arg9[%swap3A_189, %swap3A_190], %swap3A_193 {strides = array<i32>} : memref<128x128xf32, #tpu.memory_space<vmem>>, vector<1x16xf32>,
      %get3A_194 = arith.index_cast %scan3A_99 : i32 to index
      %get3A_195 = arith.constant 64 : index
      %get3A_196 = tpu.vector_load %arg6[%get3A_194, %get3A_195] {strides = array<i32>} : memref<128x128xf32, #tpu.memory_space<vmem>>, vector<1x16xf32>,
      %get3A_197 = vector.shape_cast %get3A_196 : vector<1x16xf32> to vector<16xf32>
      %mul3A_198 = arith.mulf %get3A_118, %get3A_197 : vector<16xf32>
      %get3A_199 = arith.index_cast %scan3A_99 : i32 to index
      %get3A_200 = arith.constant 64 : index
      %get3A_201 = tpu.vector_load %arg7[%get3A_199, %get3A_200] {strides = array<i32>} : memref<128x128xf32, #tpu.memory_space<vmem>>, vector<1x16xf32>,
      %get3A_202 = vector.shape_cast %get3A_201 : vector<1x16xf32> to vector<16xf32>
      %mul3A_203 = arith.mulf %get3A_102, %get3A_202 : vector<16xf32>
      %add3A_204 = arith.addf %mul3A_198, %mul3A_203 : vector<16xf32>
      %swap3A_205 = arith.index_cast %scan3A_99 : i32 to index
      %swap3A_206 = arith.constant 64 : index
      %swap3A_207 = tpu.vector_load %arg9[%swap3A_205, %swap3A_206] {strides = array<i32>} : memref<128x128xf32, #tpu.memory_space<vmem>>, vector<1x16xf32>,
      %swap3A_208 = vector.shape_cast %swap3A_207 : vector<1x16xf32> to vector<16xf32>
      %swap3A_209 = vector.shape_cast %add3A_204 : vector<16xf32> to vector<1x16xf32>
      tpu.vector_store %arg9[%swap3A_205, %swap3A_206], %swap3A_209 {strides = array<i32>} : memref<128x128xf32, #tpu.memory_space<vmem>>, vector<1x16xf32>,
      %get3A_210 = arith.index_cast %scan3A_99 : i32 to index
      %get3A_211 = arith.constant 80 : index
      %get3A_212 = tpu.vector_load %arg6[%get3A_210, %get3A_211] {strides = array<i32>} : memref<128x128xf32, #tpu.memory_space<vmem>>, vector<1x16xf32>,
      %get3A_213 = vector.shape_cast %get3A_212 : vector<1x16xf32> to vector<16xf32>
      %mul3A_214 = arith.mulf %get3A_122, %get3A_213 : vector<16xf32>
      %get3A_215 = arith.index_cast %scan3A_99 : i32 to index
      %get3A_216 = arith.constant 80 : index
      %get3A_217 = tpu.vector_load %arg7[%get3A_215, %get3A_216] {strides = array<i32>} : memref<128x128xf32, #tpu.memory_space<vmem>>, vector<1x16xf32>,
      %get3A_218 = vector.shape_cast %get3A_217 : vector<1x16xf32> to vector<16xf32>
      %mul3A_219 = arith.mulf %get3A_106, %get3A_218 : vector<16xf32>
      %add3A_220 = arith.addf %mul3A_214, %mul3A_219 : vector<16xf32>
      %swap3A_221 = arith.index_cast %scan3A_99 : i32 to index
      %swap3A_222 = arith.constant 80 : index
      %swap3A_223 = tpu.vector_load %arg9[%swap3A_221, %swap3A_222] {strides = array<i32>} : memref<128x128xf32, #tpu.memory_space<vmem>>, vector<1x16xf32>,
      %swap3A_224 = vector.shape_cast %swap3A_223 : vector<1x16xf32> to vector<16xf32>
      %swap3A_225 = vector.shape_cast %add3A_220 : vector<16xf32> to vector<1x16xf32>
      tpu.vector_store %arg9[%swap3A_221, %swap3A_222], %swap3A_225 {strides = array<i32>} : memref<128x128xf32, #tpu.memory_space<vmem>>, vector<1x16xf32>,
      %get3A_226 = arith.index_cast %scan3A_99 : i32 to index
      %get3A_227 = arith.constant 96 : index
      %get3A_228 = tpu.vector_load %arg6[%get3A_226, %get3A_227] {strides = array<i32>} : memref<128x128xf32, #tpu.memory_space<vmem>>, vector<1x16xf32>,
      %get3A_229 = vector.shape_cast %get3A_228 : vector<1x16xf32> to vector<16xf32>
      %mul3A_230 = arith.mulf %get3A_126, %get3A_229 : vector<16xf32>
      %get3A_231 = arith.index_cast %scan3A_99 : i32 to index
      %get3A_232 = arith.constant 96 : index
      %get3A_233 = tpu.vector_load %arg7[%get3A_231, %get3A_232] {strides = array<i32>} : memref<128x128xf32, #tpu.memory_space<vmem>>, vector<1x16xf32>,
      %get3A_234 = vector.shape_cast %get3A_233 : vector<1x16xf32> to vector<16xf32>
      %mul3A_235 = arith.mulf %get3A_110, %get3A_234 : vector<16xf32>
      %add3A_236 = arith.addf %mul3A_230, %mul3A_235 : vector<16xf32>
      %swap3A_237 = arith.index_cast %scan3A_99 : i32 to index
      %swap3A_238 = arith.constant 96 : index
      %swap3A_239 = tpu.vector_load %arg9[%swap3A_237, %swap3A_238] {strides = array<i32>} : memref<128x128xf32, #tpu.memory_space<vmem>>, vector<1x16xf32>,
      %swap3A_240 = vector.shape_cast %swap3A_239 : vector<1x16xf32> to vector<16xf32>
      %swap3A_241 = vector.shape_cast %add3A_236 : vector<16xf32> to vector<1x16xf32>
      tpu.vector_store %arg9[%swap3A_237, %swap3A_238], %swap3A_241 {strides = array<i32>} : memref<128x128xf32, #tpu.memory_space<vmem>>, vector<1x16xf32>,
      %get3A_242 = arith.index_cast %scan3A_99 : i32 to index
      %get3A_243 = arith.constant 112 : index
      %get3A_244 = tpu.vector_load %arg6[%get3A_242, %get3A_243] {strides = array<i32>} : memref<128x128xf32, #tpu.memory_space<vmem>>, vector<1x16xf32>,
      %get3A_245 = vector.shape_cast %get3A_244 : vector<1x16xf32> to vector<16xf32>
      %mul3A_246 = arith.mulf %get3A_130, %get3A_245 : vector<16xf32>
      %get3A_247 = arith.index_cast %scan3A_99 : i32 to index
      %get3A_248 = arith.constant 112 : index
      %get3A_249 = tpu.vector_load %arg7[%get3A_247, %get3A_248] {strides = array<i32>} : memref<128x128xf32, #tpu.memory_space<vmem>>, vector<1x16xf32>,
      %get3A_250 = vector.shape_cast %get3A_249 : vector<1x16xf32> to vector<16xf32>
      %mul3A_251 = arith.mulf %get3A_114, %get3A_250 : vector<16xf32>
      %add3A_252 = arith.addf %mul3A_246, %mul3A_251 : vector<16xf32>
      %swap3A_253 = arith.index_cast %scan3A_99 : i32 to index
      %swap3A_254 = arith.constant 112 : index
      %swap3A_255 = tpu.vector_load %arg9[%swap3A_253, %swap3A_254] {strides = array<i32>} : memref<128x128xf32, #tpu.memory_space<vmem>>, vector<1x16xf32>,
      %swap3A_256 = vector.shape_cast %swap3A_255 : vector<1x16xf32> to vector<16xf32>
      %swap3A_257 = vector.shape_cast %add3A_252 : vector<16xf32> to vector<1x16xf32>
      tpu.vector_store %arg9[%swap3A_253, %swap3A_254], %swap3A_257 {strides = array<i32>} : memref<128x128xf32, #tpu.memory_space<vmem>>, vector<1x16xf32>,
    }
    %scan3A_73 = arith.constant 128 : i32
    %run_scoped3A_74 = arith.constant 0 : i32
    "tpu.region"() ({
      %run_scoped3A_99 = tpu.sem_alloc : memref<!tpu.dma_semaphore, #tpu.memory_space<semaphore_mem>>
      %dma_start3A = arith.constant 0 : i32
      %dma_start3A_100 = tpu.memref_slice %arg5[%select_n3A, %run_scoped3A_74, %add3A_66, %dma_start3A] : memref<2x4x4096x128xf32, #tpu.memory_space<hbm>> -> memref<1x1x128x128xf32, #tpu.memory_space<hbm>>
      %dma_start3A_101 = tpu.memref_squeeze %dma_start3A_100 : memref<1x1x128x128xf32, #tpu.memory_space<hbm>> -> memref<128x128xf32, #tpu.memory_space<hbm>>
      %dma_start3A_102 = arith.constant 0 : i32
      %dma_start3A_103 = tpu.memref_slice %arg5[%select_n3A, %run_scoped3A_74, %add3A_66, %dma_start3A_102] : memref<2x4x4096x128xf32, #tpu.memory_space<hbm>> -> memref<1x1x128x128xf32, #tpu.memory_space<hbm>>
      %dma_start3A_104 = tpu.memref_squeeze %dma_start3A_103 : memref<1x1x128x128xf32, #tpu.memory_space<hbm>> -> memref<128x128xf32, #tpu.memory_space<hbm>>
      tpu.enqueue_dma source(%arg9 : memref<128x128xf32, #tpu.memory_space<vmem>>) target(%dma_start3A_104 : memref<128x128xf32, #tpu.memory_space<hbm>>) target_semaphore(%run_scoped3A_99 : memref<!tpu.dma_semaphore, #tpu.memory_space<semaphore_mem>>)
      %dma_wait3A = arith.constant 0 : i32
      %dma_wait3A_105 = tpu.memref_slice %arg5[%select_n3A, %run_scoped3A_74, %add3A_66, %dma_wait3A] : memref<2x4x4096x128xf32, #tpu.memory_space<hbm>> -> memref<1x1x128x128xf32, #tpu.memory_space<hbm>>
      %dma_wait3A_106 = tpu.memref_squeeze %dma_wait3A_105 : memref<1x1x128x128xf32, #tpu.memory_space<hbm>> -> memref<128x128xf32, #tpu.memory_space<hbm>>
      %dma_wait3A_107 = arith.constant 0 : i32
      %dma_wait3A_108 = tpu.memref_slice %arg5[%select_n3A, %run_scoped3A_74, %add3A_66, %dma_wait3A_107] : memref<2x4x4096x128xf32, #tpu.memory_space<hbm>> -> memref<1x1x128x128xf32, #tpu.memory_space<hbm>>
      %dma_wait3A_109 = tpu.memref_squeeze %dma_wait3A_108 : memref<1x1x128x128xf32, #tpu.memory_space<hbm>> -> memref<128x128xf32, #tpu.memory_space<hbm>>
      tpu.wait_dma2 semaphore(%run_scoped3A_99 : memref<!tpu.dma_semaphore, #tpu.memory_space<semaphore_mem>>) src(%arg9 : memref<128x128xf32, #tpu.memory_space<vmem>>) dst(%dma_wait3A_109 : memref<128x128xf32, #tpu.memory_space<hbm>>)
      tpu.yield
    }) : () -> ()
    %run_scoped3A_75 = arith.constant 1 : i32
    "tpu.region"() ({
      %run_scoped3A_99 = tpu.sem_alloc : memref<!tpu.dma_semaphore, #tpu.memory_space<semaphore_mem>>
      %dma_start3A = arith.constant 0 : i32
      %dma_start3A_100 = tpu.memref_slice %arg2[%select_n3A, %run_scoped3A_75, %add3A_66, %dma_start3A] : memref<2x4x4096x128xf32, #tpu.memory_space<hbm>> -> memref<1x1x128x128xf32, #tpu.memory_space<hbm>>
      %dma_start3A_101 = tpu.memref_squeeze %dma_start3A_100 : memref<1x1x128x128xf32, #tpu.memory_space<hbm>> -> memref<128x128xf32, #tpu.memory_space<hbm>>
      %dma_start3A_102 = arith.constant 0 : i32
      %dma_start3A_103 = tpu.memref_slice %arg2[%select_n3A, %run_scoped3A_75, %add3A_66, %dma_start3A_102] : memref<2x4x4096x128xf32, #tpu.memory_space<hbm>> -> memref<1x1x128x128xf32, #tpu.memory_space<hbm>>
      %dma_start3A_104 = tpu.memref_squeeze %dma_start3A_103 : memref<1x1x128x128xf32, #tpu.memory_space<hbm>> -> memref<128x128xf32, #tpu.memory_space<hbm>>
      tpu.enqueue_dma source(%dma_start3A_104 : memref<128x128xf32, #tpu.memory_space<hbm>>) target(%arg8 : memref<128x128xf32, #tpu.memory_space<vmem>>) target_semaphore(%run_scoped3A_99 : memref<!tpu.dma_semaphore, #tpu.memory_space<semaphore_mem>>)
      %dma_wait3A = arith.constant 0 : i32
      %dma_wait3A_105 = tpu.memref_slice %arg2[%select_n3A, %run_scoped3A_75, %add3A_66, %dma_wait3A] : memref<2x4x4096x128xf32, #tpu.memory_space<hbm>> -> memref<1x1x128x128xf32, #tpu.memory_space<hbm>>
      %dma_wait3A_106 = tpu.memref_squeeze %dma_wait3A_105 : memref<1x1x128x128xf32, #tpu.memory_space<hbm>> -> memref<128x128xf32, #tpu.memory_space<hbm>>
      %dma_wait3A_107 = arith.constant 0 : i32
      %dma_wait3A_108 = tpu.memref_slice %arg2[%select_n3A, %run_scoped3A_75, %add3A_66, %dma_wait3A_107] : memref<2x4x4096x128xf32, #tpu.memory_space<hbm>> -> memref<1x1x128x128xf32, #tpu.memory_space<hbm>>
      %dma_wait3A_109 = tpu.memref_squeeze %dma_wait3A_108 : memref<1x1x128x128xf32, #tpu.memory_space<hbm>> -> memref<128x128xf32, #tpu.memory_space<hbm>>
      tpu.wait_dma2 semaphore(%run_scoped3A_99 : memref<!tpu.dma_semaphore, #tpu.memory_space<semaphore_mem>>) src(%dma_wait3A_109 : memref<128x128xf32, #tpu.memory_space<hbm>>) dst(%arg8 : memref<128x128xf32, #tpu.memory_space<vmem>>)
      tpu.yield
    }) : () -> ()
    %scan3A_76 = arith.constant 0 : i32
    %scan3A_77 = arith.constant 0 : i32
    %scan3A_78 = arith.constant 128 : i32
    %scan3A_79 = arith.addi %scan3A_77, %scan3A_78 : i32
    %scan3A_80 = arith.constant 1 : i32
    scf.for %scan3A_99 = %scan3A_77 to %scan3A_79 step %scan3A_80  : i32 {
      %get3A = arith.index_cast %scan3A_99 : i32 to index
      %get3A_100 = arith.constant 0 : index
      %get3A_101 = tpu.vector_load %arg8[%get3A, %get3A_100] {strides = array<i32>} : memref<128x128xf32, #tpu.memory_space<vmem>>, vector<1x16xf32>,
      %get3A_102 = vector.shape_cast %get3A_101 : vector<1x16xf32> to vector<16xf32>
      %get3A_103 = arith.index_cast %scan3A_99 : i32 to index
      %get3A_104 = arith.constant 16 : index
      %get3A_105 = tpu.vector_load %arg8[%get3A_103, %get3A_104] {strides = array<i32>} : memref<128x128xf32, #tpu.memory_space<vmem>>, vector<1x16xf32>,
      %get3A_106 = vector.shape_cast %get3A_105 : vector<1x16xf32> to vector<16xf32>
      %get3A_107 = arith.index_cast %scan3A_99 : i32 to index
      %get3A_108 = arith.constant 32 : index
      %get3A_109 = tpu.vector_load %arg8[%get3A_107, %get3A_108] {strides = array<i32>} : memref<128x128xf32, #tpu.memory_space<vmem>>, vector<1x16xf32>,
      %get3A_110 = vector.shape_cast %get3A_109 : vector<1x16xf32> to vector<16xf32>
      %get3A_111 = arith.index_cast %scan3A_99 : i32 to index
      %get3A_112 = arith.constant 48 : index
      %get3A_113 = tpu.vector_load %arg8[%get3A_111, %get3A_112] {strides = array<i32>} : memref<128x128xf32, #tpu.memory_space<vmem>>, vector<1x16xf32>,
      %get3A_114 = vector.shape_cast %get3A_113 : vector<1x16xf32> to vector<16xf32>
      %get3A_115 = arith.index_cast %scan3A_99 : i32 to index
      %get3A_116 = arith.constant 64 : index
      %get3A_117 = tpu.vector_load %arg8[%get3A_115, %get3A_116] {strides = array<i32>} : memref<128x128xf32, #tpu.memory_space<vmem>>, vector<1x16xf32>,
      %get3A_118 = vector.shape_cast %get3A_117 : vector<1x16xf32> to vector<16xf32>
      %get3A_119 = arith.index_cast %scan3A_99 : i32 to index
      %get3A_120 = arith.constant 80 : index
      %get3A_121 = tpu.vector_load %arg8[%get3A_119, %get3A_120] {strides = array<i32>} : memref<128x128xf32, #tpu.memory_space<vmem>>, vector<1x16xf32>,
      %get3A_122 = vector.shape_cast %get3A_121 : vector<1x16xf32> to vector<16xf32>
      %get3A_123 = arith.index_cast %scan3A_99 : i32 to index
      %get3A_124 = arith.constant 96 : index
      %get3A_125 = tpu.vector_load %arg8[%get3A_123, %get3A_124] {strides = array<i32>} : memref<128x128xf32, #tpu.memory_space<vmem>>, vector<1x16xf32>,
      %get3A_126 = vector.shape_cast %get3A_125 : vector<1x16xf32> to vector<16xf32>
      %get3A_127 = arith.index_cast %scan3A_99 : i32 to index
      %get3A_128 = arith.constant 112 : index
      %get3A_129 = tpu.vector_load %arg8[%get3A_127, %get3A_128] {strides = array<i32>} : memref<128x128xf32, #tpu.memory_space<vmem>>, vector<1x16xf32>,
      %get3A_130 = vector.shape_cast %get3A_129 : vector<1x16xf32> to vector<16xf32>
      %get3A_131 = arith.index_cast %scan3A_99 : i32 to index
      %get3A_132 = arith.constant 0 : index
      %get3A_133 = tpu.vector_load %arg6[%get3A_131, %get3A_132] {strides = array<i32>} : memref<128x128xf32, #tpu.memory_space<vmem>>, vector<1x16xf32>,
      %get3A_134 = vector.shape_cast %get3A_133 : vector<1x16xf32> to vector<16xf32>
      %mul3A_135 = arith.mulf %get3A_102, %get3A_134 : vector<16xf32>
      %get3A_136 = arith.index_cast %scan3A_99 : i32 to index
      %get3A_137 = arith.constant 0 : index
      %get3A_138 = tpu.vector_load %arg7[%get3A_136, %get3A_137] {strides = array<i32>} : memref<128x128xf32, #tpu.memory_space<vmem>>, vector<1x16xf32>,
      %get3A_139 = vector.shape_cast %get3A_138 : vector<1x16xf32> to vector<16xf32>
      %mul3A_140 = arith.mulf %get3A_118, %get3A_139 : vector<16xf32>
      %add3A_141 = arith.addf %mul3A_135, %mul3A_140 : vector<16xf32>
      %swap3A = arith.index_cast %scan3A_99 : i32 to index
      %swap3A_142 = arith.constant 0 : index
      %swap3A_143 = tpu.vector_load %arg9[%swap3A, %swap3A_142] {strides = array<i32>} : memref<128x128xf32, #tpu.memory_space<vmem>>, vector<1x16xf32>,
      %swap3A_144 = vector.shape_cast %swap3A_143 : vector<1x16xf32> to vector<16xf32>
      %swap3A_145 = vector.shape_cast %add3A_141 : vector<16xf32> to vector<1x16xf32>
      tpu.vector_store %arg9[%swap3A, %swap3A_142], %swap3A_145 {strides = array<i32>} : memref<128x128xf32, #tpu.memory_space<vmem>>, vector<1x16xf32>,
      %get3A_146 = arith.index_cast %scan3A_99 : i32 to index
      %get3A_147 = arith.constant 16 : index
      %get3A_148 = tpu.vector_load %arg6[%get3A_146, %get3A_147] {strides = array<i32>} : memref<128x128xf32, #tpu.memory_space<vmem>>, vector<1x16xf32>,
      %get3A_149 = vector.shape_cast %get3A_148 : vector<1x16xf32> to vector<16xf32>
      %mul3A_150 = arith.mulf %get3A_106, %get3A_149 : vector<16xf32>
      %get3A_151 = arith.index_cast %scan3A_99 : i32 to index
      %get3A_152 = arith.constant 16 : index
      %get3A_153 = tpu.vector_load %arg7[%get3A_151, %get3A_152] {strides = array<i32>} : memref<128x128xf32, #tpu.memory_space<vmem>>, vector<1x16xf32>,
      %get3A_154 = vector.shape_cast %get3A_153 : vector<1x16xf32> to vector<16xf32>
      %mul3A_155 = arith.mulf %get3A_122, %get3A_154 : vector<16xf32>
      %add3A_156 = arith.addf %mul3A_150, %mul3A_155 : vector<16xf32>
      %swap3A_157 = arith.index_cast %scan3A_99 : i32 to index
      %swap3A_158 = arith.constant 16 : index
      %swap3A_159 = tpu.vector_load %arg9[%swap3A_157, %swap3A_158] {strides = array<i32>} : memref<128x128xf32, #tpu.memory_space<vmem>>, vector<1x16xf32>,
      %swap3A_160 = vector.shape_cast %swap3A_159 : vector<1x16xf32> to vector<16xf32>
      %swap3A_161 = vector.shape_cast %add3A_156 : vector<16xf32> to vector<1x16xf32>
      tpu.vector_store %arg9[%swap3A_157, %swap3A_158], %swap3A_161 {strides = array<i32>} : memref<128x128xf32, #tpu.memory_space<vmem>>, vector<1x16xf32>,
      %get3A_162 = arith.index_cast %scan3A_99 : i32 to index
      %get3A_163 = arith.constant 32 : index
      %get3A_164 = tpu.vector_load %arg6[%get3A_162, %get3A_163] {strides = array<i32>} : memref<128x128xf32, #tpu.memory_space<vmem>>, vector<1x16xf32>,
      %get3A_165 = vector.shape_cast %get3A_164 : vector<1x16xf32> to vector<16xf32>
      %mul3A_166 = arith.mulf %get3A_110, %get3A_165 : vector<16xf32>
      %get3A_167 = arith.index_cast %scan3A_99 : i32 to index
      %get3A_168 = arith.constant 32 : index
      %get3A_169 = tpu.vector_load %arg7[%get3A_167, %get3A_168] {strides = array<i32>} : memref<128x128xf32, #tpu.memory_space<vmem>>, vector<1x16xf32>,
      %get3A_170 = vector.shape_cast %get3A_169 : vector<1x16xf32> to vector<16xf32>
      %mul3A_171 = arith.mulf %get3A_126, %get3A_170 : vector<16xf32>
      %add3A_172 = arith.addf %mul3A_166, %mul3A_171 : vector<16xf32>
      %swap3A_173 = arith.index_cast %scan3A_99 : i32 to index
      %swap3A_174 = arith.constant 32 : index
      %swap3A_175 = tpu.vector_load %arg9[%swap3A_173, %swap3A_174] {strides = array<i32>} : memref<128x128xf32, #tpu.memory_space<vmem>>, vector<1x16xf32>,
      %swap3A_176 = vector.shape_cast %swap3A_175 : vector<1x16xf32> to vector<16xf32>
      %swap3A_177 = vector.shape_cast %add3A_172 : vector<16xf32> to vector<1x16xf32>
      tpu.vector_store %arg9[%swap3A_173, %swap3A_174], %swap3A_177 {strides = array<i32>} : memref<128x128xf32, #tpu.memory_space<vmem>>, vector<1x16xf32>,
      %get3A_178 = arith.index_cast %scan3A_99 : i32 to index
      %get3A_179 = arith.constant 48 : index
      %get3A_180 = tpu.vector_load %arg6[%get3A_178, %get3A_179] {strides = array<i32>} : memref<128x128xf32, #tpu.memory_space<vmem>>, vector<1x16xf32>,
      %get3A_181 = vector.shape_cast %get3A_180 : vector<1x16xf32> to vector<16xf32>
      %mul3A_182 = arith.mulf %get3A_114, %get3A_181 : vector<16xf32>
      %get3A_183 = arith.index_cast %scan3A_99 : i32 to index
      %get3A_184 = arith.constant 48 : index
      %get3A_185 = tpu.vector_load %arg7[%get3A_183, %get3A_184] {strides = array<i32>} : memref<128x128xf32, #tpu.memory_space<vmem>>, vector<1x16xf32>,
      %get3A_186 = vector.shape_cast %get3A_185 : vector<1x16xf32> to vector<16xf32>
      %mul3A_187 = arith.mulf %get3A_130, %get3A_186 : vector<16xf32>
      %add3A_188 = arith.addf %mul3A_182, %mul3A_187 : vector<16xf32>
      %swap3A_189 = arith.index_cast %scan3A_99 : i32 to index
      %swap3A_190 = arith.constant 48 : index
      %swap3A_191 = tpu.vector_load %arg9[%swap3A_189, %swap3A_190] {strides = array<i32>} : memref<128x128xf32, #tpu.memory_space<vmem>>, vector<1x16xf32>,
      %swap3A_192 = vector.shape_cast %swap3A_191 : vector<1x16xf32> to vector<16xf32>
      %swap3A_193 = vector.shape_cast %add3A_188 : vector<16xf32> to vector<1x16xf32>
      tpu.vector_store %arg9[%swap3A_189, %swap3A_190], %swap3A_193 {strides = array<i32>} : memref<128x128xf32, #tpu.memory_space<vmem>>, vector<1x16xf32>,
      %get3A_194 = arith.index_cast %scan3A_99 : i32 to index
      %get3A_195 = arith.constant 64 : index
      %get3A_196 = tpu.vector_load %arg6[%get3A_194, %get3A_195] {strides = array<i32>} : memref<128x128xf32, #tpu.memory_space<vmem>>, vector<1x16xf32>,
      %get3A_197 = vector.shape_cast %get3A_196 : vector<1x16xf32> to vector<16xf32>
      %mul3A_198 = arith.mulf %get3A_118, %get3A_197 : vector<16xf32>
      %get3A_199 = arith.index_cast %scan3A_99 : i32 to index
      %get3A_200 = arith.constant 64 : index
      %get3A_201 = tpu.vector_load %arg7[%get3A_199, %get3A_200] {strides = array<i32>} : memref<128x128xf32, #tpu.memory_space<vmem>>, vector<1x16xf32>,
      %get3A_202 = vector.shape_cast %get3A_201 : vector<1x16xf32> to vector<16xf32>
      %mul3A_203 = arith.mulf %get3A_102, %get3A_202 : vector<16xf32>
      %add3A_204 = arith.addf %mul3A_198, %mul3A_203 : vector<16xf32>
      %swap3A_205 = arith.index_cast %scan3A_99 : i32 to index
      %swap3A_206 = arith.constant 64 : index
      %swap3A_207 = tpu.vector_load %arg9[%swap3A_205, %swap3A_206] {strides = array<i32>} : memref<128x128xf32, #tpu.memory_space<vmem>>, vector<1x16xf32>,
      %swap3A_208 = vector.shape_cast %swap3A_207 : vector<1x16xf32> to vector<16xf32>
      %swap3A_209 = vector.shape_cast %add3A_204 : vector<16xf32> to vector<1x16xf32>
      tpu.vector_store %arg9[%swap3A_205, %swap3A_206], %swap3A_209 {strides = array<i32>} : memref<128x128xf32, #tpu.memory_space<vmem>>, vector<1x16xf32>,
      %get3A_210 = arith.index_cast %scan3A_99 : i32 to index
      %get3A_211 = arith.constant 80 : index
      %get3A_212 = tpu.vector_load %arg6[%get3A_210, %get3A_211] {strides = array<i32>} : memref<128x128xf32, #tpu.memory_space<vmem>>, vector<1x16xf32>,
      %get3A_213 = vector.shape_cast %get3A_212 : vector<1x16xf32> to vector<16xf32>
      %mul3A_214 = arith.mulf %get3A_122, %get3A_213 : vector<16xf32>
      %get3A_215 = arith.index_cast %scan3A_99 : i32 to index
      %get3A_216 = arith.constant 80 : index
      %get3A_217 = tpu.vector_load %arg7[%get3A_215, %get3A_216] {strides = array<i32>} : memref<128x128xf32, #tpu.memory_space<vmem>>, vector<1x16xf32>,
      %get3A_218 = vector.shape_cast %get3A_217 : vector<1x16xf32> to vector<16xf32>
      %mul3A_219 = arith.mulf %get3A_106, %get3A_218 : vector<16xf32>
      %add3A_220 = arith.addf %mul3A_214, %mul3A_219 : vector<16xf32>
      %swap3A_221 = arith.index_cast %scan3A_99 : i32 to index
      %swap3A_222 = arith.constant 80 : index
      %swap3A_223 = tpu.vector_load %arg9[%swap3A_221, %swap3A_222] {strides = array<i32>} : memref<128x128xf32, #tpu.memory_space<vmem>>, vector<1x16xf32>,
      %swap3A_224 = vector.shape_cast %swap3A_223 : vector<1x16xf32> to vector<16xf32>
      %swap3A_225 = vector.shape_cast %add3A_220 : vector<16xf32> to vector<1x16xf32>
      tpu.vector_store %arg9[%swap3A_221, %swap3A_222], %swap3A_225 {strides = array<i32>} : memref<128x128xf32, #tpu.memory_space<vmem>>, vector<1x16xf32>,
      %get3A_226 = arith.index_cast %scan3A_99 : i32 to index
      %get3A_227 = arith.constant 96 : index
      %get3A_228 = tpu.vector_load %arg6[%get3A_226, %get3A_227] {strides = array<i32>} : memref<128x128xf32, #tpu.memory_space<vmem>>, vector<1x16xf32>,
      %get3A_229 = vector.shape_cast %get3A_228 : vector<1x16xf32> to vector<16xf32>
      %mul3A_230 = arith.mulf %get3A_126, %get3A_229 : vector<16xf32>
      %get3A_231 = arith.index_cast %scan3A_99 : i32 to index
      %get3A_232 = arith.constant 96 : index
      %get3A_233 = tpu.vector_load %arg7[%get3A_231, %get3A_232] {strides = array<i32>} : memref<128x128xf32, #tpu.memory_space<vmem>>, vector<1x16xf32>,
      %get3A_234 = vector.shape_cast %get3A_233 : vector<1x16xf32> to vector<16xf32>
      %mul3A_235 = arith.mulf %get3A_110, %get3A_234 : vector<16xf32>
      %add3A_236 = arith.addf %mul3A_230, %mul3A_235 : vector<16xf32>
      %swap3A_237 = arith.index_cast %scan3A_99 : i32 to index
      %swap3A_238 = arith.constant 96 : index
      %swap3A_239 = tpu.vector_load %arg9[%swap3A_237, %swap3A_238] {strides = array<i32>} : memref<128x128xf32, #tpu.memory_space<vmem>>, vector<1x16xf32>,
      %swap3A_240 = vector.shape_cast %swap3A_239 : vector<1x16xf32> to vector<16xf32>
      %swap3A_241 = vector.shape_cast %add3A_236 : vector<16xf32> to vector<1x16xf32>
      tpu.vector_store %arg9[%swap3A_237, %swap3A_238], %swap3A_241 {strides = array<i32>} : memref<128x128xf32, #tpu.memory_space<vmem>>, vector<1x16xf32>,
      %get3A_242 = arith.index_cast %scan3A_99 : i32 to index
      %get3A_243 = arith.constant 112 : index
      %get3A_244 = tpu.vector_load %arg6[%get3A_242, %get3A_243] {strides = array<i32>} : memref<128x128xf32, #tpu.memory_space<vmem>>, vector<1x16xf32>,
      %get3A_245 = vector.shape_cast %get3A_244 : vector<1x16xf32> to vector<16xf32>
      %mul3A_246 = arith.mulf %get3A_130, %get3A_245 : vector<16xf32>
      %get3A_247 = arith.index_cast %scan3A_99 : i32 to index
      %get3A_248 = arith.constant 112 : index
      %get3A_249 = tpu.vector_load %arg7[%get3A_247, %get3A_248] {strides = array<i32>} : memref<128x128xf32, #tpu.memory_space<vmem>>, vector<1x16xf32>,
      %get3A_250 = vector.shape_cast %get3A_249 : vector<1x16xf32> to vector<16xf32>
      %mul3A_251 = arith.mulf %get3A_114, %get3A_250 : vector<16xf32>
      %add3A_252 = arith.addf %mul3A_246, %mul3A_251 : vector<16xf32>
      %swap3A_253 = arith.index_cast %scan3A_99 : i32 to index
      %swap3A_254 = arith.constant 112 : index
      %swap3A_255 = tpu.vector_load %arg9[%swap3A_253, %swap3A_254] {strides = array<i32>} : memref<128x128xf32, #tpu.memory_space<vmem>>, vector<1x16xf32>,
      %swap3A_256 = vector.shape_cast %swap3A_255 : vector<1x16xf32> to vector<16xf32>
      %swap3A_257 = vector.shape_cast %add3A_252 : vector<16xf32> to vector<1x16xf32>
      tpu.vector_store %arg9[%swap3A_253, %swap3A_254], %swap3A_257 {strides = array<i32>} : memref<128x128xf32, #tpu.memory_space<vmem>>, vector<1x16xf32>,
    }
    %scan3A_81 = arith.constant 128 : i32
    %run_scoped3A_82 = arith.constant 1 : i32
    "tpu.region"() ({
      %run_scoped3A_99 = tpu.sem_alloc : memref<!tpu.dma_semaphore, #tpu.memory_space<semaphore_mem>>
      %dma_start3A = arith.constant 0 : i32
      %dma_start3A_100 = tpu.memref_slice %arg5[%select_n3A, %run_scoped3A_82, %add3A_66, %dma_start3A] : memref<2x4x4096x128xf32, #tpu.memory_space<hbm>> -> memref<1x1x128x128xf32, #tpu.memory_space<hbm>>
      %dma_start3A_101 = tpu.memref_squeeze %dma_start3A_100 : memref<1x1x128x128xf32, #tpu.memory_space<hbm>> -> memref<128x128xf32, #tpu.memory_space<hbm>>
      %dma_start3A_102 = arith.constant 0 : i32
      %dma_start3A_103 = tpu.memref_slice %arg5[%select_n3A, %run_scoped3A_82, %add3A_66, %dma_start3A_102] : memref<2x4x4096x128xf32, #tpu.memory_space<hbm>> -> memref<1x1x128x128xf32, #tpu.memory_space<hbm>>
      %dma_start3A_104 = tpu.memref_squeeze %dma_start3A_103 : memref<1x1x128x128xf32, #tpu.memory_space<hbm>> -> memref<128x128xf32, #tpu.memory_space<hbm>>
      tpu.enqueue_dma source(%arg9 : memref<128x128xf32, #tpu.memory_space<vmem>>) target(%dma_start3A_104 : memref<128x128xf32, #tpu.memory_space<hbm>>) target_semaphore(%run_scoped3A_99 : memref<!tpu.dma_semaphore, #tpu.memory_space<semaphore_mem>>)
      %dma_wait3A = arith.constant 0 : i32
      %dma_wait3A_105 = tpu.memref_slice %arg5[%select_n3A, %run_scoped3A_82, %add3A_66, %dma_wait3A] : memref<2x4x4096x128xf32, #tpu.memory_space<hbm>> -> memref<1x1x128x128xf32, #tpu.memory_space<hbm>>
      %dma_wait3A_106 = tpu.memref_squeeze %dma_wait3A_105 : memref<1x1x128x128xf32, #tpu.memory_space<hbm>> -> memref<128x128xf32, #tpu.memory_space<hbm>>
      %dma_wait3A_107 = arith.constant 0 : i32
      %dma_wait3A_108 = tpu.memref_slice %arg5[%select_n3A, %run_scoped3A_82, %add3A_66, %dma_wait3A_107] : memref<2x4x4096x128xf32, #tpu.memory_space<hbm>> -> memref<1x1x128x128xf32, #tpu.memory_space<hbm>>
      %dma_wait3A_109 = tpu.memref_squeeze %dma_wait3A_108 : memref<1x1x128x128xf32, #tpu.memory_space<hbm>> -> memref<128x128xf32, #tpu.memory_space<hbm>>
      tpu.wait_dma2 semaphore(%run_scoped3A_99 : memref<!tpu.dma_semaphore, #tpu.memory_space<semaphore_mem>>) src(%arg9 : memref<128x128xf32, #tpu.memory_space<vmem>>) dst(%dma_wait3A_109 : memref<128x128xf32, #tpu.memory_space<hbm>>)
      tpu.yield
    }) : () -> ()
    %run_scoped3A_83 = arith.constant 2 : i32
    "tpu.region"() ({
      %run_scoped3A_99 = tpu.sem_alloc : memref<!tpu.dma_semaphore, #tpu.memory_space<semaphore_mem>>
      %dma_start3A = arith.constant 0 : i32
      %dma_start3A_100 = tpu.memref_slice %arg2[%select_n3A, %run_scoped3A_83, %add3A_66, %dma_start3A] : memref<2x4x4096x128xf32, #tpu.memory_space<hbm>> -> memref<1x1x128x128xf32, #tpu.memory_space<hbm>>
      %dma_start3A_101 = tpu.memref_squeeze %dma_start3A_100 : memref<1x1x128x128xf32, #tpu.memory_space<hbm>> -> memref<128x128xf32, #tpu.memory_space<hbm>>
      %dma_start3A_102 = arith.constant 0 : i32
      %dma_start3A_103 = tpu.memref_slice %arg2[%select_n3A, %run_scoped3A_83, %add3A_66, %dma_start3A_102] : memref<2x4x4096x128xf32, #tpu.memory_space<hbm>> -> memref<1x1x128x128xf32, #tpu.memory_space<hbm>>
      %dma_start3A_104 = tpu.memref_squeeze %dma_start3A_103 : memref<1x1x128x128xf32, #tpu.memory_space<hbm>> -> memref<128x128xf32, #tpu.memory_space<hbm>>
      tpu.enqueue_dma source(%dma_start3A_104 : memref<128x128xf32, #tpu.memory_space<hbm>>) target(%arg8 : memref<128x128xf32, #tpu.memory_space<vmem>>) target_semaphore(%run_scoped3A_99 : memref<!tpu.dma_semaphore, #tpu.memory_space<semaphore_mem>>)
      %dma_wait3A = arith.constant 0 : i32
      %dma_wait3A_105 = tpu.memref_slice %arg2[%select_n3A, %run_scoped3A_83, %add3A_66, %dma_wait3A] : memref<2x4x4096x128xf32, #tpu.memory_space<hbm>> -> memref<1x1x128x128xf32, #tpu.memory_space<hbm>>
      %dma_wait3A_106 = tpu.memref_squeeze %dma_wait3A_105 : memref<1x1x128x128xf32, #tpu.memory_space<hbm>> -> memref<128x128xf32, #tpu.memory_space<hbm>>
      %dma_wait3A_107 = arith.constant 0 : i32
      %dma_wait3A_108 = tpu.memref_slice %arg2[%select_n3A, %run_scoped3A_83, %add3A_66, %dma_wait3A_107] : memref<2x4x4096x128xf32, #tpu.memory_space<hbm>> -> memref<1x1x128x128xf32, #tpu.memory_space<hbm>>
      %dma_wait3A_109 = tpu.memref_squeeze %dma_wait3A_108 : memref<1x1x128x128xf32, #tpu.memory_space<hbm>> -> memref<128x128xf32, #tpu.memory_space<hbm>>
      tpu.wait_dma2 semaphore(%run_scoped3A_99 : memref<!tpu.dma_semaphore, #tpu.memory_space<semaphore_mem>>) src(%dma_wait3A_109 : memref<128x128xf32, #tpu.memory_space<hbm>>) dst(%arg8 : memref<128x128xf32, #tpu.memory_space<vmem>>)
      tpu.yield
    }) : () -> ()
    %scan3A_84 = arith.constant 0 : i32
    %scan3A_85 = arith.constant 0 : i32
    %scan3A_86 = arith.constant 128 : i32
    %scan3A_87 = arith.addi %scan3A_85, %scan3A_86 : i32
    %scan3A_88 = arith.constant 1 : i32
    scf.for %scan3A_99 = %scan3A_85 to %scan3A_87 step %scan3A_88  : i32 {
      %get3A = arith.index_cast %scan3A_99 : i32 to index
      %get3A_100 = arith.constant 0 : index
      %get3A_101 = tpu.vector_load %arg8[%get3A, %get3A_100] {strides = array<i32>} : memref<128x128xf32, #tpu.memory_space<vmem>>, vector<1x16xf32>,
      %get3A_102 = vector.shape_cast %get3A_101 : vector<1x16xf32> to vector<16xf32>
      %get3A_103 = arith.index_cast %scan3A_99 : i32 to index
      %get3A_104 = arith.constant 16 : index
      %get3A_105 = tpu.vector_load %arg8[%get3A_103, %get3A_104] {strides = array<i32>} : memref<128x128xf32, #tpu.memory_space<vmem>>, vector<1x16xf32>,
      %get3A_106 = vector.shape_cast %get3A_105 : vector<1x16xf32> to vector<16xf32>
      %get3A_107 = arith.index_cast %scan3A_99 : i32 to index
      %get3A_108 = arith.constant 32 : index
      %get3A_109 = tpu.vector_load %arg8[%get3A_107, %get3A_108] {strides = array<i32>} : memref<128x128xf32, #tpu.memory_space<vmem>>, vector<1x16xf32>,
      %get3A_110 = vector.shape_cast %get3A_109 : vector<1x16xf32> to vector<16xf32>
      %get3A_111 = arith.index_cast %scan3A_99 : i32 to index
      %get3A_112 = arith.constant 48 : index
      %get3A_113 = tpu.vector_load %arg8[%get3A_111, %get3A_112] {strides = array<i32>} : memref<128x128xf32, #tpu.memory_space<vmem>>, vector<1x16xf32>,
      %get3A_114 = vector.shape_cast %get3A_113 : vector<1x16xf32> to vector<16xf32>
      %get3A_115 = arith.index_cast %scan3A_99 : i32 to index
      %get3A_116 = arith.constant 64 : index
      %get3A_117 = tpu.vector_load %arg8[%get3A_115, %get3A_116] {strides = array<i32>} : memref<128x128xf32, #tpu.memory_space<vmem>>, vector<1x16xf32>,
      %get3A_118 = vector.shape_cast %get3A_117 : vector<1x16xf32> to vector<16xf32>
      %get3A_119 = arith.index_cast %scan3A_99 : i32 to index
      %get3A_120 = arith.constant 80 : index
      %get3A_121 = tpu.vector_load %arg8[%get3A_119, %get3A_120] {strides = array<i32>} : memref<128x128xf32, #tpu.memory_space<vmem>>, vector<1x16xf32>,
      %get3A_122 = vector.shape_cast %get3A_121 : vector<1x16xf32> to vector<16xf32>
      %get3A_123 = arith.index_cast %scan3A_99 : i32 to index
      %get3A_124 = arith.constant 96 : index
      %get3A_125 = tpu.vector_load %arg8[%get3A_123, %get3A_124] {strides = array<i32>} : memref<128x128xf32, #tpu.memory_space<vmem>>, vector<1x16xf32>,
      %get3A_126 = vector.shape_cast %get3A_125 : vector<1x16xf32> to vector<16xf32>
      %get3A_127 = arith.index_cast %scan3A_99 : i32 to index
      %get3A_128 = arith.constant 112 : index
      %get3A_129 = tpu.vector_load %arg8[%get3A_127, %get3A_128] {strides = array<i32>} : memref<128x128xf32, #tpu.memory_space<vmem>>, vector<1x16xf32>,
      %get3A_130 = vector.shape_cast %get3A_129 : vector<1x16xf32> to vector<16xf32>
      %get3A_131 = arith.index_cast %scan3A_99 : i32 to index
      %get3A_132 = arith.constant 0 : index
      %get3A_133 = tpu.vector_load %arg6[%get3A_131, %get3A_132] {strides = array<i32>} : memref<128x128xf32, #tpu.memory_space<vmem>>, vector<1x16xf32>,
      %get3A_134 = vector.shape_cast %get3A_133 : vector<1x16xf32> to vector<16xf32>
      %mul3A_135 = arith.mulf %get3A_102, %get3A_134 : vector<16xf32>
      %get3A_136 = arith.index_cast %scan3A_99 : i32 to index
      %get3A_137 = arith.constant 0 : index
      %get3A_138 = tpu.vector_load %arg7[%get3A_136, %get3A_137] {strides = array<i32>} : memref<128x128xf32, #tpu.memory_space<vmem>>, vector<1x16xf32>,
      %get3A_139 = vector.shape_cast %get3A_138 : vector<1x16xf32> to vector<16xf32>
      %mul3A_140 = arith.mulf %get3A_118, %get3A_139 : vector<16xf32>
      %add3A_141 = arith.addf %mul3A_135, %mul3A_140 : vector<16xf32>
      %swap3A = arith.index_cast %scan3A_99 : i32 to index
      %swap3A_142 = arith.constant 0 : index
      %swap3A_143 = tpu.vector_load %arg9[%swap3A, %swap3A_142] {strides = array<i32>} : memref<128x128xf32, #tpu.memory_space<vmem>>, vector<1x16xf32>,
      %swap3A_144 = vector.shape_cast %swap3A_143 : vector<1x16xf32> to vector<16xf32>
      %swap3A_145 = vector.shape_cast %add3A_141 : vector<16xf32> to vector<1x16xf32>
      tpu.vector_store %arg9[%swap3A, %swap3A_142], %swap3A_145 {strides = array<i32>} : memref<128x128xf32, #tpu.memory_space<vmem>>, vector<1x16xf32>,
      %get3A_146 = arith.index_cast %scan3A_99 : i32 to index
      %get3A_147 = arith.constant 16 : index
      %get3A_148 = tpu.vector_load %arg6[%get3A_146, %get3A_147] {strides = array<i32>} : memref<128x128xf32, #tpu.memory_space<vmem>>, vector<1x16xf32>,
      %get3A_149 = vector.shape_cast %get3A_148 : vector<1x16xf32> to vector<16xf32>
      %mul3A_150 = arith.mulf %get3A_106, %get3A_149 : vector<16xf32>
      %get3A_151 = arith.index_cast %scan3A_99 : i32 to index
      %get3A_152 = arith.constant 16 : index
      %get3A_153 = tpu.vector_load %arg7[%get3A_151, %get3A_152] {strides = array<i32>} : memref<128x128xf32, #tpu.memory_space<vmem>>, vector<1x16xf32>,
      %get3A_154 = vector.shape_cast %get3A_153 : vector<1x16xf32> to vector<16xf32>
      %mul3A_155 = arith.mulf %get3A_122, %get3A_154 : vector<16xf32>
      %add3A_156 = arith.addf %mul3A_150, %mul3A_155 : vector<16xf32>
      %swap3A_157 = arith.index_cast %scan3A_99 : i32 to index
      %swap3A_158 = arith.constant 16 : index
      %swap3A_159 = tpu.vector_load %arg9[%swap3A_157, %swap3A_158] {strides = array<i32>} : memref<128x128xf32, #tpu.memory_space<vmem>>, vector<1x16xf32>,
      %swap3A_160 = vector.shape_cast %swap3A_159 : vector<1x16xf32> to vector<16xf32>
      %swap3A_161 = vector.shape_cast %add3A_156 : vector<16xf32> to vector<1x16xf32>
      tpu.vector_store %arg9[%swap3A_157, %swap3A_158], %swap3A_161 {strides = array<i32>} : memref<128x128xf32, #tpu.memory_space<vmem>>, vector<1x16xf32>,
      %get3A_162 = arith.index_cast %scan3A_99 : i32 to index
      %get3A_163 = arith.constant 32 : index
      %get3A_164 = tpu.vector_load %arg6[%get3A_162, %get3A_163] {strides = array<i32>} : memref<128x128xf32, #tpu.memory_space<vmem>>, vector<1x16xf32>,
      %get3A_165 = vector.shape_cast %get3A_164 : vector<1x16xf32> to vector<16xf32>
      %mul3A_166 = arith.mulf %get3A_110, %get3A_165 : vector<16xf32>
      %get3A_167 = arith.index_cast %scan3A_99 : i32 to index
      %get3A_168 = arith.constant 32 : index
      %get3A_169 = tpu.vector_load %arg7[%get3A_167, %get3A_168] {strides = array<i32>} : memref<128x128xf32, #tpu.memory_space<vmem>>, vector<1x16xf32>,
      %get3A_170 = vector.shape_cast %get3A_169 : vector<1x16xf32> to vector<16xf32>
      %mul3A_171 = arith.mulf %get3A_126, %get3A_170 : vector<16xf32>
      %add3A_172 = arith.addf %mul3A_166, %mul3A_171 : vector<16xf32>
      %swap3A_173 = arith.index_cast %scan3A_99 : i32 to index
      %swap3A_174 = arith.constant 32 : index
      %swap3A_175 = tpu.vector_load %arg9[%swap3A_173, %swap3A_174] {strides = array<i32>} : memref<128x128xf32, #tpu.memory_space<vmem>>, vector<1x16xf32>,
      %swap3A_176 = vector.shape_cast %swap3A_175 : vector<1x16xf32> to vector<16xf32>
      %swap3A_177 = vector.shape_cast %add3A_172 : vector<16xf32> to vector<1x16xf32>
      tpu.vector_store %arg9[%swap3A_173, %swap3A_174], %swap3A_177 {strides = array<i32>} : memref<128x128xf32, #tpu.memory_space<vmem>>, vector<1x16xf32>,
      %get3A_178 = arith.index_cast %scan3A_99 : i32 to index
      %get3A_179 = arith.constant 48 : index
      %get3A_180 = tpu.vector_load %arg6[%get3A_178, %get3A_179] {strides = array<i32>} : memref<128x128xf32, #tpu.memory_space<vmem>>, vector<1x16xf32>,
      %get3A_181 = vector.shape_cast %get3A_180 : vector<1x16xf32> to vector<16xf32>
      %mul3A_182 = arith.mulf %get3A_114, %get3A_181 : vector<16xf32>
      %get3A_183 = arith.index_cast %scan3A_99 : i32 to index
      %get3A_184 = arith.constant 48 : index
      %get3A_185 = tpu.vector_load %arg7[%get3A_183, %get3A_184] {strides = array<i32>} : memref<128x128xf32, #tpu.memory_space<vmem>>, vector<1x16xf32>,
      %get3A_186 = vector.shape_cast %get3A_185 : vector<1x16xf32> to vector<16xf32>
      %mul3A_187 = arith.mulf %get3A_130, %get3A_186 : vector<16xf32>
      %add3A_188 = arith.addf %mul3A_182, %mul3A_187 : vector<16xf32>
      %swap3A_189 = arith.index_cast %scan3A_99 : i32 to index
      %swap3A_190 = arith.constant 48 : index
      %swap3A_191 = tpu.vector_load %arg9[%swap3A_189, %swap3A_190] {strides = array<i32>} : memref<128x128xf32, #tpu.memory_space<vmem>>, vector<1x16xf32>,
      %swap3A_192 = vector.shape_cast %swap3A_191 : vector<1x16xf32> to vector<16xf32>
      %swap3A_193 = vector.shape_cast %add3A_188 : vector<16xf32> to vector<1x16xf32>
      tpu.vector_store %arg9[%swap3A_189, %swap3A_190], %swap3A_193 {strides = array<i32>} : memref<128x128xf32, #tpu.memory_space<vmem>>, vector<1x16xf32>,
      %get3A_194 = arith.index_cast %scan3A_99 : i32 to index
      %get3A_195 = arith.constant 64 : index
      %get3A_196 = tpu.vector_load %arg6[%get3A_194, %get3A_195] {strides = array<i32>} : memref<128x128xf32, #tpu.memory_space<vmem>>, vector<1x16xf32>,
      %get3A_197 = vector.shape_cast %get3A_196 : vector<1x16xf32> to vector<16xf32>
      %mul3A_198 = arith.mulf %get3A_118, %get3A_197 : vector<16xf32>
      %get3A_199 = arith.index_cast %scan3A_99 : i32 to index
      %get3A_200 = arith.constant 64 : index
      %get3A_201 = tpu.vector_load %arg7[%get3A_199, %get3A_200] {strides = array<i32>} : memref<128x128xf32, #tpu.memory_space<vmem>>, vector<1x16xf32>,
      %get3A_202 = vector.shape_cast %get3A_201 : vector<1x16xf32> to vector<16xf32>
      %mul3A_203 = arith.mulf %get3A_102, %get3A_202 : vector<16xf32>
      %add3A_204 = arith.addf %mul3A_198, %mul3A_203 : vector<16xf32>
      %swap3A_205 = arith.index_cast %scan3A_99 : i32 to index
      %swap3A_206 = arith.constant 64 : index
      %swap3A_207 = tpu.vector_load %arg9[%swap3A_205, %swap3A_206] {strides = array<i32>} : memref<128x128xf32, #tpu.memory_space<vmem>>, vector<1x16xf32>,
      %swap3A_208 = vector.shape_cast %swap3A_207 : vector<1x16xf32> to vector<16xf32>
      %swap3A_209 = vector.shape_cast %add3A_204 : vector<16xf32> to vector<1x16xf32>
      tpu.vector_store %arg9[%swap3A_205, %swap3A_206], %swap3A_209 {strides = array<i32>} : memref<128x128xf32, #tpu.memory_space<vmem>>, vector<1x16xf32>,
      %get3A_210 = arith.index_cast %scan3A_99 : i32 to index
      %get3A_211 = arith.constant 80 : index
      %get3A_212 = tpu.vector_load %arg6[%get3A_210, %get3A_211] {strides = array<i32>} : memref<128x128xf32, #tpu.memory_space<vmem>>, vector<1x16xf32>,
      %get3A_213 = vector.shape_cast %get3A_212 : vector<1x16xf32> to vector<16xf32>
      %mul3A_214 = arith.mulf %get3A_122, %get3A_213 : vector<16xf32>
      %get3A_215 = arith.index_cast %scan3A_99 : i32 to index
      %get3A_216 = arith.constant 80 : index
      %get3A_217 = tpu.vector_load %arg7[%get3A_215, %get3A_216] {strides = array<i32>} : memref<128x128xf32, #tpu.memory_space<vmem>>, vector<1x16xf32>,
      %get3A_218 = vector.shape_cast %get3A_217 : vector<1x16xf32> to vector<16xf32>
      %mul3A_219 = arith.mulf %get3A_106, %get3A_218 : vector<16xf32>
      %add3A_220 = arith.addf %mul3A_214, %mul3A_219 : vector<16xf32>
      %swap3A_221 = arith.index_cast %scan3A_99 : i32 to index
      %swap3A_222 = arith.constant 80 : index
      %swap3A_223 = tpu.vector_load %arg9[%swap3A_221, %swap3A_222] {strides = array<i32>} : memref<128x128xf32, #tpu.memory_space<vmem>>, vector<1x16xf32>,
      %swap3A_224 = vector.shape_cast %swap3A_223 : vector<1x16xf32> to vector<16xf32>
      %swap3A_225 = vector.shape_cast %add3A_220 : vector<16xf32> to vector<1x16xf32>
      tpu.vector_store %arg9[%swap3A_221, %swap3A_222], %swap3A_225 {strides = array<i32>} : memref<128x128xf32, #tpu.memory_space<vmem>>, vector<1x16xf32>,
      %get3A_226 = arith.index_cast %scan3A_99 : i32 to index
      %get3A_227 = arith.constant 96 : index
      %get3A_228 = tpu.vector_load %arg6[%get3A_226, %get3A_227] {strides = array<i32>} : memref<128x128xf32, #tpu.memory_space<vmem>>, vector<1x16xf32>,
      %get3A_229 = vector.shape_cast %get3A_228 : vector<1x16xf32> to vector<16xf32>
      %mul3A_230 = arith.mulf %get3A_126, %get3A_229 : vector<16xf32>
      %get3A_231 = arith.index_cast %scan3A_99 : i32 to index
      %get3A_232 = arith.constant 96 : index
      %get3A_233 = tpu.vector_load %arg7[%get3A_231, %get3A_232] {strides = array<i32>} : memref<128x128xf32, #tpu.memory_space<vmem>>, vector<1x16xf32>,
      %get3A_234 = vector.shape_cast %get3A_233 : vector<1x16xf32> to vector<16xf32>
      %mul3A_235 = arith.mulf %get3A_110, %get3A_234 : vector<16xf32>
      %add3A_236 = arith.addf %mul3A_230, %mul3A_235 : vector<16xf32>
      %swap3A_237 = arith.index_cast %scan3A_99 : i32 to index
      %swap3A_238 = arith.constant 96 : index
      %swap3A_239 = tpu.vector_load %arg9[%swap3A_237, %swap3A_238] {strides = array<i32>} : memref<128x128xf32, #tpu.memory_space<vmem>>, vector<1x16xf32>,
      %swap3A_240 = vector.shape_cast %swap3A_239 : vector<1x16xf32> to vector<16xf32>
      %swap3A_241 = vector.shape_cast %add3A_236 : vector<16xf32> to vector<1x16xf32>
      tpu.vector_store %arg9[%swap3A_237, %swap3A_238], %swap3A_241 {strides = array<i32>} : memref<128x128xf32, #tpu.memory_space<vmem>>, vector<1x16xf32>,
      %get3A_242 = arith.index_cast %scan3A_99 : i32 to index
      %get3A_243 = arith.constant 112 : index
      %get3A_244 = tpu.vector_load %arg6[%get3A_242, %get3A_243] {strides = array<i32>} : memref<128x128xf32, #tpu.memory_space<vmem>>, vector<1x16xf32>,
      %get3A_245 = vector.shape_cast %get3A_244 : vector<1x16xf32> to vector<16xf32>
      %mul3A_246 = arith.mulf %get3A_130, %get3A_245 : vector<16xf32>
      %get3A_247 = arith.index_cast %scan3A_99 : i32 to index
      %get3A_248 = arith.constant 112 : index
      %get3A_249 = tpu.vector_load %arg7[%get3A_247, %get3A_248] {strides = array<i32>} : memref<128x128xf32, #tpu.memory_space<vmem>>, vector<1x16xf32>,
      %get3A_250 = vector.shape_cast %get3A_249 : vector<1x16xf32> to vector<16xf32>
      %mul3A_251 = arith.mulf %get3A_114, %get3A_250 : vector<16xf32>
      %add3A_252 = arith.addf %mul3A_246, %mul3A_251 : vector<16xf32>
      %swap3A_253 = arith.index_cast %scan3A_99 : i32 to index
      %swap3A_254 = arith.constant 112 : index
      %swap3A_255 = tpu.vector_load %arg9[%swap3A_253, %swap3A_254] {strides = array<i32>} : memref<128x128xf32, #tpu.memory_space<vmem>>, vector<1x16xf32>,
      %swap3A_256 = vector.shape_cast %swap3A_255 : vector<1x16xf32> to vector<16xf32>
      %swap3A_257 = vector.shape_cast %add3A_252 : vector<16xf32> to vector<1x16xf32>
      tpu.vector_store %arg9[%swap3A_253, %swap3A_254], %swap3A_257 {strides = array<i32>} : memref<128x128xf32, #tpu.memory_space<vmem>>, vector<1x16xf32>,
    }
    %scan3A_89 = arith.constant 128 : i32
    %run_scoped3A_90 = arith.constant 2 : i32
    "tpu.region"() ({
      %run_scoped3A_99 = tpu.sem_alloc : memref<!tpu.dma_semaphore, #tpu.memory_space<semaphore_mem>>
      %dma_start3A = arith.constant 0 : i32
      %dma_start3A_100 = tpu.memref_slice %arg5[%select_n3A, %run_scoped3A_90, %add3A_66, %dma_start3A] : memref<2x4x4096x128xf32, #tpu.memory_space<hbm>> -> memref<1x1x128x128xf32, #tpu.memory_space<hbm>>
      %dma_start3A_101 = tpu.memref_squeeze %dma_start3A_100 : memref<1x1x128x128xf32, #tpu.memory_space<hbm>> -> memref<128x128xf32, #tpu.memory_space<hbm>>
      %dma_start3A_102 = arith.constant 0 : i32
      %dma_start3A_103 = tpu.memref_slice %arg5[%select_n3A, %run_scoped3A_90, %add3A_66, %dma_start3A_102] : memref<2x4x4096x128xf32, #tpu.memory_space<hbm>> -> memref<1x1x128x128xf32, #tpu.memory_space<hbm>>
      %dma_start3A_104 = tpu.memref_squeeze %dma_start3A_103 : memref<1x1x128x128xf32, #tpu.memory_space<hbm>> -> memref<128x128xf32, #tpu.memory_space<hbm>>
      tpu.enqueue_dma source(%arg9 : memref<128x128xf32, #tpu.memory_space<vmem>>) target(%dma_start3A_104 : memref<128x128xf32, #tpu.memory_space<hbm>>) target_semaphore(%run_scoped3A_99 : memref<!tpu.dma_semaphore, #tpu.memory_space<semaphore_mem>>)
      %dma_wait3A = arith.constant 0 : i32
      %dma_wait3A_105 = tpu.memref_slice %arg5[%select_n3A, %run_scoped3A_90, %add3A_66, %dma_wait3A] : memref<2x4x4096x128xf32, #tpu.memory_space<hbm>> -> memref<1x1x128x128xf32, #tpu.memory_space<hbm>>
      %dma_wait3A_106 = tpu.memref_squeeze %dma_wait3A_105 : memref<1x1x128x128xf32, #tpu.memory_space<hbm>> -> memref<128x128xf32, #tpu.memory_space<hbm>>
      %dma_wait3A_107 = arith.constant 0 : i32
      %dma_wait3A_108 = tpu.memref_slice %arg5[%select_n3A, %run_scoped3A_90, %add3A_66, %dma_wait3A_107] : memref<2x4x4096x128xf32, #tpu.memory_space<hbm>> -> memref<1x1x128x128xf32, #tpu.memory_space<hbm>>
      %dma_wait3A_109 = tpu.memref_squeeze %dma_wait3A_108 : memref<1x1x128x128xf32, #tpu.memory_space<hbm>> -> memref<128x128xf32, #tpu.memory_space<hbm>>
      tpu.wait_dma2 semaphore(%run_scoped3A_99 : memref<!tpu.dma_semaphore, #tpu.memory_space<semaphore_mem>>) src(%arg9 : memref<128x128xf32, #tpu.memory_space<vmem>>) dst(%dma_wait3A_109 : memref<128x128xf32, #tpu.memory_space<hbm>>)
      tpu.yield
    }) : () -> ()
    %run_scoped3A_91 = arith.constant 3 : i32
    "tpu.region"() ({
      %run_scoped3A_99 = tpu.sem_alloc : memref<!tpu.dma_semaphore, #tpu.memory_space<semaphore_mem>>
      %dma_start3A = arith.constant 0 : i32
      %dma_start3A_100 = tpu.memref_slice %arg2[%select_n3A, %run_scoped3A_91, %add3A_66, %dma_start3A] : memref<2x4x4096x128xf32, #tpu.memory_space<hbm>> -> memref<1x1x128x128xf32, #tpu.memory_space<hbm>>
      %dma_start3A_101 = tpu.memref_squeeze %dma_start3A_100 : memref<1x1x128x128xf32, #tpu.memory_space<hbm>> -> memref<128x128xf32, #tpu.memory_space<hbm>>
      %dma_start3A_102 = arith.constant 0 : i32
      %dma_start3A_103 = tpu.memref_slice %arg2[%select_n3A, %run_scoped3A_91, %add3A_66, %dma_start3A_102] : memref<2x4x4096x128xf32, #tpu.memory_space<hbm>> -> memref<1x1x128x128xf32, #tpu.memory_space<hbm>>
      %dma_start3A_104 = tpu.memref_squeeze %dma_start3A_103 : memref<1x1x128x128xf32, #tpu.memory_space<hbm>> -> memref<128x128xf32, #tpu.memory_space<hbm>>
      tpu.enqueue_dma source(%dma_start3A_104 : memref<128x128xf32, #tpu.memory_space<hbm>>) target(%arg8 : memref<128x128xf32, #tpu.memory_space<vmem>>) target_semaphore(%run_scoped3A_99 : memref<!tpu.dma_semaphore, #tpu.memory_space<semaphore_mem>>)
      %dma_wait3A = arith.constant 0 : i32
      %dma_wait3A_105 = tpu.memref_slice %arg2[%select_n3A, %run_scoped3A_91, %add3A_66, %dma_wait3A] : memref<2x4x4096x128xf32, #tpu.memory_space<hbm>> -> memref<1x1x128x128xf32, #tpu.memory_space<hbm>>
      %dma_wait3A_106 = tpu.memref_squeeze %dma_wait3A_105 : memref<1x1x128x128xf32, #tpu.memory_space<hbm>> -> memref<128x128xf32, #tpu.memory_space<hbm>>
      %dma_wait3A_107 = arith.constant 0 : i32
      %dma_wait3A_108 = tpu.memref_slice %arg2[%select_n3A, %run_scoped3A_91, %add3A_66, %dma_wait3A_107] : memref<2x4x4096x128xf32, #tpu.memory_space<hbm>> -> memref<1x1x128x128xf32, #tpu.memory_space<hbm>>
      %dma_wait3A_109 = tpu.memref_squeeze %dma_wait3A_108 : memref<1x1x128x128xf32, #tpu.memory_space<hbm>> -> memref<128x128xf32, #tpu.memory_space<hbm>>
      tpu.wait_dma2 semaphore(%run_scoped3A_99 : memref<!tpu.dma_semaphore, #tpu.memory_space<semaphore_mem>>) src(%dma_wait3A_109 : memref<128x128xf32, #tpu.memory_space<hbm>>) dst(%arg8 : memref<128x128xf32, #tpu.memory_space<vmem>>)
      tpu.yield
    }) : () -> ()
    %scan3A_92 = arith.constant 0 : i32
    %scan3A_93 = arith.constant 0 : i32
    %scan3A_94 = arith.constant 128 : i32
    %scan3A_95 = arith.addi %scan3A_93, %scan3A_94 : i32
    %scan3A_96 = arith.constant 1 : i32
    scf.for %scan3A_99 = %scan3A_93 to %scan3A_95 step %scan3A_96  : i32 {
      %get3A = arith.index_cast %scan3A_99 : i32 to index
      %get3A_100 = arith.constant 0 : index
      %get3A_101 = tpu.vector_load %arg8[%get3A, %get3A_100] {strides = array<i32>} : memref<128x128xf32, #tpu.memory_space<vmem>>, vector<1x16xf32>,
      %get3A_102 = vector.shape_cast %get3A_101 : vector<1x16xf32> to vector<16xf32>
      %get3A_103 = arith.index_cast %scan3A_99 : i32 to index
      %get3A_104 = arith.constant 16 : index
      %get3A_105 = tpu.vector_load %arg8[%get3A_103, %get3A_104] {strides = array<i32>} : memref<128x128xf32, #tpu.memory_space<vmem>>, vector<1x16xf32>,
      %get3A_106 = vector.shape_cast %get3A_105 : vector<1x16xf32> to vector<16xf32>
      %get3A_107 = arith.index_cast %scan3A_99 : i32 to index
      %get3A_108 = arith.constant 32 : index
      %get3A_109 = tpu.vector_load %arg8[%get3A_107, %get3A_108] {strides = array<i32>} : memref<128x128xf32, #tpu.memory_space<vmem>>, vector<1x16xf32>,
      %get3A_110 = vector.shape_cast %get3A_109 : vector<1x16xf32> to vector<16xf32>
      %get3A_111 = arith.index_cast %scan3A_99 : i32 to index
      %get3A_112 = arith.constant 48 : index
      %get3A_113 = tpu.vector_load %arg8[%get3A_111, %get3A_112] {strides = array<i32>} : memref<128x128xf32, #tpu.memory_space<vmem>>, vector<1x16xf32>,
      %get3A_114 = vector.shape_cast %get3A_113 : vector<1x16xf32> to vector<16xf32>
      %get3A_115 = arith.index_cast %scan3A_99 : i32 to index
      %get3A_116 = arith.constant 64 : index
      %get3A_117 = tpu.vector_load %arg8[%get3A_115, %get3A_116] {strides = array<i32>} : memref<128x128xf32, #tpu.memory_space<vmem>>, vector<1x16xf32>,
      %get3A_118 = vector.shape_cast %get3A_117 : vector<1x16xf32> to vector<16xf32>
      %get3A_119 = arith.index_cast %scan3A_99 : i32 to index
      %get3A_120 = arith.constant 80 : index
      %get3A_121 = tpu.vector_load %arg8[%get3A_119, %get3A_120] {strides = array<i32>} : memref<128x128xf32, #tpu.memory_space<vmem>>, vector<1x16xf32>,
      %get3A_122 = vector.shape_cast %get3A_121 : vector<1x16xf32> to vector<16xf32>
      %get3A_123 = arith.index_cast %scan3A_99 : i32 to index
      %get3A_124 = arith.constant 96 : index
      %get3A_125 = tpu.vector_load %arg8[%get3A_123, %get3A_124] {strides = array<i32>} : memref<128x128xf32, #tpu.memory_space<vmem>>, vector<1x16xf32>,
      %get3A_126 = vector.shape_cast %get3A_125 : vector<1x16xf32> to vector<16xf32>
      %get3A_127 = arith.index_cast %scan3A_99 : i32 to index
      %get3A_128 = arith.constant 112 : index
      %get3A_129 = tpu.vector_load %arg8[%get3A_127, %get3A_128] {strides = array<i32>} : memref<128x128xf32, #tpu.memory_space<vmem>>, vector<1x16xf32>,
      %get3A_130 = vector.shape_cast %get3A_129 : vector<1x16xf32> to vector<16xf32>
      %get3A_131 = arith.index_cast %scan3A_99 : i32 to index
      %get3A_132 = arith.constant 0 : index
      %get3A_133 = tpu.vector_load %arg6[%get3A_131, %get3A_132] {strides = array<i32>} : memref<128x128xf32, #tpu.memory_space<vmem>>, vector<1x16xf32>,
      %get3A_134 = vector.shape_cast %get3A_133 : vector<1x16xf32> to vector<16xf32>
      %mul3A_135 = arith.mulf %get3A_102, %get3A_134 : vector<16xf32>
      %get3A_136 = arith.index_cast %scan3A_99 : i32 to index
      %get3A_137 = arith.constant 0 : index
      %get3A_138 = tpu.vector_load %arg7[%get3A_136, %get3A_137] {strides = array<i32>} : memref<128x128xf32, #tpu.memory_space<vmem>>, vector<1x16xf32>,
      %get3A_139 = vector.shape_cast %get3A_138 : vector<1x16xf32> to vector<16xf32>
      %mul3A_140 = arith.mulf %get3A_118, %get3A_139 : vector<16xf32>
      %add3A_141 = arith.addf %mul3A_135, %mul3A_140 : vector<16xf32>
      %swap3A = arith.index_cast %scan3A_99 : i32 to index
      %swap3A_142 = arith.constant 0 : index
      %swap3A_143 = tpu.vector_load %arg9[%swap3A, %swap3A_142] {strides = array<i32>} : memref<128x128xf32, #tpu.memory_space<vmem>>, vector<1x16xf32>,
      %swap3A_144 = vector.shape_cast %swap3A_143 : vector<1x16xf32> to vector<16xf32>
      %swap3A_145 = vector.shape_cast %add3A_141 : vector<16xf32> to vector<1x16xf32>
      tpu.vector_store %arg9[%swap3A, %swap3A_142], %swap3A_145 {strides = array<i32>} : memref<128x128xf32, #tpu.memory_space<vmem>>, vector<1x16xf32>,
      %get3A_146 = arith.index_cast %scan3A_99 : i32 to index
      %get3A_147 = arith.constant 16 : index
      %get3A_148 = tpu.vector_load %arg6[%get3A_146, %get3A_147] {strides = array<i32>} : memref<128x128xf32, #tpu.memory_space<vmem>>, vector<1x16xf32>,
      %get3A_149 = vector.shape_cast %get3A_148 : vector<1x16xf32> to vector<16xf32>
      %mul3A_150 = arith.mulf %get3A_106, %get3A_149 : vector<16xf32>
      %get3A_151 = arith.index_cast %scan3A_99 : i32 to index
      %get3A_152 = arith.constant 16 : index
      %get3A_153 = tpu.vector_load %arg7[%get3A_151, %get3A_152] {strides = array<i32>} : memref<128x128xf32, #tpu.memory_space<vmem>>, vector<1x16xf32>,
      %get3A_154 = vector.shape_cast %get3A_153 : vector<1x16xf32> to vector<16xf32>
      %mul3A_155 = arith.mulf %get3A_122, %get3A_154 : vector<16xf32>
      %add3A_156 = arith.addf %mul3A_150, %mul3A_155 : vector<16xf32>
      %swap3A_157 = arith.index_cast %scan3A_99 : i32 to index
      %swap3A_158 = arith.constant 16 : index
      %swap3A_159 = tpu.vector_load %arg9[%swap3A_157, %swap3A_158] {strides = array<i32>} : memref<128x128xf32, #tpu.memory_space<vmem>>, vector<1x16xf32>,
      %swap3A_160 = vector.shape_cast %swap3A_159 : vector<1x16xf32> to vector<16xf32>
      %swap3A_161 = vector.shape_cast %add3A_156 : vector<16xf32> to vector<1x16xf32>
      tpu.vector_store %arg9[%swap3A_157, %swap3A_158], %swap3A_161 {strides = array<i32>} : memref<128x128xf32, #tpu.memory_space<vmem>>, vector<1x16xf32>,
      %get3A_162 = arith.index_cast %scan3A_99 : i32 to index
      %get3A_163 = arith.constant 32 : index
      %get3A_164 = tpu.vector_load %arg6[%get3A_162, %get3A_163] {strides = array<i32>} : memref<128x128xf32, #tpu.memory_space<vmem>>, vector<1x16xf32>,
      %get3A_165 = vector.shape_cast %get3A_164 : vector<1x16xf32> to vector<16xf32>
      %mul3A_166 = arith.mulf %get3A_110, %get3A_165 : vector<16xf32>
      %get3A_167 = arith.index_cast %scan3A_99 : i32 to index
      %get3A_168 = arith.constant 32 : index
      %get3A_169 = tpu.vector_load %arg7[%get3A_167, %get3A_168] {strides = array<i32>} : memref<128x128xf32, #tpu.memory_space<vmem>>, vector<1x16xf32>,
      %get3A_170 = vector.shape_cast %get3A_169 : vector<1x16xf32> to vector<16xf32>
      %mul3A_171 = arith.mulf %get3A_126, %get3A_170 : vector<16xf32>
      %add3A_172 = arith.addf %mul3A_166, %mul3A_171 : vector<16xf32>
      %swap3A_173 = arith.index_cast %scan3A_99 : i32 to index
      %swap3A_174 = arith.constant 32 : index
      %swap3A_175 = tpu.vector_load %arg9[%swap3A_173, %swap3A_174] {strides = array<i32>} : memref<128x128xf32, #tpu.memory_space<vmem>>, vector<1x16xf32>,
      %swap3A_176 = vector.shape_cast %swap3A_175 : vector<1x16xf32> to vector<16xf32>
      %swap3A_177 = vector.shape_cast %add3A_172 : vector<16xf32> to vector<1x16xf32>
      tpu.vector_store %arg9[%swap3A_173, %swap3A_174], %swap3A_177 {strides = array<i32>} : memref<128x128xf32, #tpu.memory_space<vmem>>, vector<1x16xf32>,
      %get3A_178 = arith.index_cast %scan3A_99 : i32 to index
      %get3A_179 = arith.constant 48 : index
      %get3A_180 = tpu.vector_load %arg6[%get3A_178, %get3A_179] {strides = array<i32>} : memref<128x128xf32, #tpu.memory_space<vmem>>, vector<1x16xf32>,
      %get3A_181 = vector.shape_cast %get3A_180 : vector<1x16xf32> to vector<16xf32>
      %mul3A_182 = arith.mulf %get3A_114, %get3A_181 : vector<16xf32>
      %get3A_183 = arith.index_cast %scan3A_99 : i32 to index
      %get3A_184 = arith.constant 48 : index
      %get3A_185 = tpu.vector_load %arg7[%get3A_183, %get3A_184] {strides = array<i32>} : memref<128x128xf32, #tpu.memory_space<vmem>>, vector<1x16xf32>,
      %get3A_186 = vector.shape_cast %get3A_185 : vector<1x16xf32> to vector<16xf32>
      %mul3A_187 = arith.mulf %get3A_130, %get3A_186 : vector<16xf32>
      %add3A_188 = arith.addf %mul3A_182, %mul3A_187 : vector<16xf32>
      %swap3A_189 = arith.index_cast %scan3A_99 : i32 to index
      %swap3A_190 = arith.constant 48 : index
      %swap3A_191 = tpu.vector_load %arg9[%swap3A_189, %swap3A_190] {strides = array<i32>} : memref<128x128xf32, #tpu.memory_space<vmem>>, vector<1x16xf32>,
      %swap3A_192 = vector.shape_cast %swap3A_191 : vector<1x16xf32> to vector<16xf32>
      %swap3A_193 = vector.shape_cast %add3A_188 : vector<16xf32> to vector<1x16xf32>
      tpu.vector_store %arg9[%swap3A_189, %swap3A_190], %swap3A_193 {strides = array<i32>} : memref<128x128xf32, #tpu.memory_space<vmem>>, vector<1x16xf32>,
      %get3A_194 = arith.index_cast %scan3A_99 : i32 to index
      %get3A_195 = arith.constant 64 : index
      %get3A_196 = tpu.vector_load %arg6[%get3A_194, %get3A_195] {strides = array<i32>} : memref<128x128xf32, #tpu.memory_space<vmem>>, vector<1x16xf32>,
      %get3A_197 = vector.shape_cast %get3A_196 : vector<1x16xf32> to vector<16xf32>
      %mul3A_198 = arith.mulf %get3A_118, %get3A_197 : vector<16xf32>
      %get3A_199 = arith.index_cast %scan3A_99 : i32 to index
      %get3A_200 = arith.constant 64 : index
      %get3A_201 = tpu.vector_load %arg7[%get3A_199, %get3A_200] {strides = array<i32>} : memref<128x128xf32, #tpu.memory_space<vmem>>, vector<1x16xf32>,
      %get3A_202 = vector.shape_cast %get3A_201 : vector<1x16xf32> to vector<16xf32>
      %mul3A_203 = arith.mulf %get3A_102, %get3A_202 : vector<16xf32>
      %add3A_204 = arith.addf %mul3A_198, %mul3A_203 : vector<16xf32>
      %swap3A_205 = arith.index_cast %scan3A_99 : i32 to index
      %swap3A_206 = arith.constant 64 : index
      %swap3A_207 = tpu.vector_load %arg9[%swap3A_205, %swap3A_206] {strides = array<i32>} : memref<128x128xf32, #tpu.memory_space<vmem>>, vector<1x16xf32>,
      %swap3A_208 = vector.shape_cast %swap3A_207 : vector<1x16xf32> to vector<16xf32>
      %swap3A_209 = vector.shape_cast %add3A_204 : vector<16xf32> to vector<1x16xf32>
      tpu.vector_store %arg9[%swap3A_205, %swap3A_206], %swap3A_209 {strides = array<i32>} : memref<128x128xf32, #tpu.memory_space<vmem>>, vector<1x16xf32>,
      %get3A_210 = arith.index_cast %scan3A_99 : i32 to index
      %get3A_211 = arith.constant 80 : index
      %get3A_212 = tpu.vector_load %arg6[%get3A_210, %get3A_211] {strides = array<i32>} : memref<128x128xf32, #tpu.memory_space<vmem>>, vector<1x16xf32>,
      %get3A_213 = vector.shape_cast %get3A_212 : vector<1x16xf32> to vector<16xf32>
      %mul3A_214 = arith.mulf %get3A_122, %get3A_213 : vector<16xf32>
      %get3A_215 = arith.index_cast %scan3A_99 : i32 to index
      %get3A_216 = arith.constant 80 : index
      %get3A_217 = tpu.vector_load %arg7[%get3A_215, %get3A_216] {strides = array<i32>} : memref<128x128xf32, #tpu.memory_space<vmem>>, vector<1x16xf32>,
      %get3A_218 = vector.shape_cast %get3A_217 : vector<1x16xf32> to vector<16xf32>
      %mul3A_219 = arith.mulf %get3A_106, %get3A_218 : vector<16xf32>
      %add3A_220 = arith.addf %mul3A_214, %mul3A_219 : vector<16xf32>
      %swap3A_221 = arith.index_cast %scan3A_99 : i32 to index
      %swap3A_222 = arith.constant 80 : index
      %swap3A_223 = tpu.vector_load %arg9[%swap3A_221, %swap3A_222] {strides = array<i32>} : memref<128x128xf32, #tpu.memory_space<vmem>>, vector<1x16xf32>,
      %swap3A_224 = vector.shape_cast %swap3A_223 : vector<1x16xf32> to vector<16xf32>
      %swap3A_225 = vector.shape_cast %add3A_220 : vector<16xf32> to vector<1x16xf32>
      tpu.vector_store %arg9[%swap3A_221, %swap3A_222], %swap3A_225 {strides = array<i32>} : memref<128x128xf32, #tpu.memory_space<vmem>>, vector<1x16xf32>,
      %get3A_226 = arith.index_cast %scan3A_99 : i32 to index
      %get3A_227 = arith.constant 96 : index
      %get3A_228 = tpu.vector_load %arg6[%get3A_226, %get3A_227] {strides = array<i32>} : memref<128x128xf32, #tpu.memory_space<vmem>>, vector<1x16xf32>,
      %get3A_229 = vector.shape_cast %get3A_228 : vector<1x16xf32> to vector<16xf32>
      %mul3A_230 = arith.mulf %get3A_126, %get3A_229 : vector<16xf32>
      %get3A_231 = arith.index_cast %scan3A_99 : i32 to index
      %get3A_232 = arith.constant 96 : index
      %get3A_233 = tpu.vector_load %arg7[%get3A_231, %get3A_232] {strides = array<i32>} : memref<128x128xf32, #tpu.memory_space<vmem>>, vector<1x16xf32>,
      %get3A_234 = vector.shape_cast %get3A_233 : vector<1x16xf32> to vector<16xf32>
      %mul3A_235 = arith.mulf %get3A_110, %get3A_234 : vector<16xf32>
      %add3A_236 = arith.addf %mul3A_230, %mul3A_235 : vector<16xf32>
      %swap3A_237 = arith.index_cast %scan3A_99 : i32 to index
      %swap3A_238 = arith.constant 96 : index
      %swap3A_239 = tpu.vector_load %arg9[%swap3A_237, %swap3A_238] {strides = array<i32>} : memref<128x128xf32, #tpu.memory_space<vmem>>, vector<1x16xf32>,
      %swap3A_240 = vector.shape_cast %swap3A_239 : vector<1x16xf32> to vector<16xf32>
      %swap3A_241 = vector.shape_cast %add3A_236 : vector<16xf32> to vector<1x16xf32>
      tpu.vector_store %arg9[%swap3A_237, %swap3A_238], %swap3A_241 {strides = array<i32>} : memref<128x128xf32, #tpu.memory_space<vmem>>, vector<1x16xf32>,
      %get3A_242 = arith.index_cast %scan3A_99 : i32 to index
      %get3A_243 = arith.constant 112 : index
      %get3A_244 = tpu.vector_load %arg6[%get3A_242, %get3A_243] {strides = array<i32>} : memref<128x128xf32, #tpu.memory_space<vmem>>, vector<1x16xf32>,
      %get3A_245 = vector.shape_cast %get3A_244 : vector<1x16xf32> to vector<16xf32>
      %mul3A_246 = arith.mulf %get3A_130, %get3A_245 : vector<16xf32>
      %get3A_247 = arith.index_cast %scan3A_99 : i32 to index
      %get3A_248 = arith.constant 112 : index
      %get3A_249 = tpu.vector_load %arg7[%get3A_247, %get3A_248] {strides = array<i32>} : memref<128x128xf32, #tpu.memory_space<vmem>>, vector<1x16xf32>,
      %get3A_250 = vector.shape_cast %get3A_249 : vector<1x16xf32> to vector<16xf32>
      %mul3A_251 = arith.mulf %get3A_114, %get3A_250 : vector<16xf32>
      %add3A_252 = arith.addf %mul3A_246, %mul3A_251 : vector<16xf32>
      %swap3A_253 = arith.index_cast %scan3A_99 : i32 to index
      %swap3A_254 = arith.constant 112 : index
      %swap3A_255 = tpu.vector_load %arg9[%swap3A_253, %swap3A_254] {strides = array<i32>} : memref<128x128xf32, #tpu.memory_space<vmem>>, vector<1x16xf32>,
      %swap3A_256 = vector.shape_cast %swap3A_255 : vector<1x16xf32> to vector<16xf32>
      %swap3A_257 = vector.shape_cast %add3A_252 : vector<16xf32> to vector<1x16xf32>
      tpu.vector_store %arg9[%swap3A_253, %swap3A_254], %swap3A_257 {strides = array<i32>} : memref<128x128xf32, #tpu.memory_space<vmem>>, vector<1x16xf32>,
    }
    %scan3A_97 = arith.constant 128 : i32
    %run_scoped3A_98 = arith.constant 3 : i32
    "tpu.region"() ({
      %run_scoped3A_99 = tpu.sem_alloc : memref<!tpu.dma_semaphore, #tpu.memory_space<semaphore_mem>>
      %dma_start3A = arith.constant 0 : i32
      %dma_start3A_100 = tpu.memref_slice %arg5[%select_n3A, %run_scoped3A_98, %add3A_66, %dma_start3A] : memref<2x4x4096x128xf32, #tpu.memory_space<hbm>> -> memref<1x1x128x128xf32, #tpu.memory_space<hbm>>
      %dma_start3A_101 = tpu.memref_squeeze %dma_start3A_100 : memref<1x1x128x128xf32, #tpu.memory_space<hbm>> -> memref<128x128xf32, #tpu.memory_space<hbm>>
      %dma_start3A_102 = arith.constant 0 : i32
      %dma_start3A_103 = tpu.memref_slice %arg5[%select_n3A, %run_scoped3A_98, %add3A_66, %dma_start3A_102] : memref<2x4x4096x128xf32, #tpu.memory_space<hbm>> -> memref<1x1x128x128xf32, #tpu.memory_space<hbm>>
      %dma_start3A_104 = tpu.memref_squeeze %dma_start3A_103 : memref<1x1x128x128xf32, #tpu.memory_space<hbm>> -> memref<128x128xf32, #tpu.memory_space<hbm>>
      tpu.enqueue_dma source(%arg9 : memref<128x128xf32, #tpu.memory_space<vmem>>) target(%dma_start3A_104 : memref<128x128xf32, #tpu.memory_space<hbm>>) target_semaphore(%run_scoped3A_99 : memref<!tpu.dma_semaphore, #tpu.memory_space<semaphore_mem>>)
      %dma_wait3A = arith.constant 0 : i32
      %dma_wait3A_105 = tpu.memref_slice %arg5[%select_n3A, %run_scoped3A_98, %add3A_66, %dma_wait3A] : memref<2x4x4096x128xf32, #tpu.memory_space<hbm>> -> memref<1x1x128x128xf32, #tpu.memory_space<hbm>>
      %dma_wait3A_106 = tpu.memref_squeeze %dma_wait3A_105 : memref<1x1x128x128xf32, #tpu.memory_space<hbm>> -> memref<128x128xf32, #tpu.memory_space<hbm>>
      %dma_wait3A_107 = arith.constant 0 : i32
      %dma_wait3A_108 = tpu.memref_slice %arg5[%select_n3A, %run_scoped3A_98, %add3A_66, %dma_wait3A_107] : memref<2x4x4096x128xf32, #tpu.memory_space<hbm>> -> memref<1x1x128x128xf32, #tpu.memory_space<hbm>>
      %dma_wait3A_109 = tpu.memref_squeeze %dma_wait3A_108 : memref<1x1x128x128xf32, #tpu.memory_space<hbm>> -> memref<128x128xf32, #tpu.memory_space<hbm>>
      tpu.wait_dma2 semaphore(%run_scoped3A_99 : memref<!tpu.dma_semaphore, #tpu.memory_space<semaphore_mem>>) src(%arg9 : memref<128x128xf32, #tpu.memory_space<vmem>>) dst(%dma_wait3A_109 : memref<128x128xf32, #tpu.memory_space<hbm>>)
      tpu.yield
    }) : () -> ()
    return
  }
}

module attributes {stable_mosaic.version = 14 : i64} {
  func.func @_query_block(%arg0: i32, %arg1: i32, %arg2: memref<2x4096xi32, #tpu.memory_space<vmem>>, %arg3: memref<1x28x512x128xf32, #tpu.memory_space<vmem>>, %arg4: memref<1x28x512x128xf32, #tpu.memory_space<vmem>>) attributes {dimension_semantics = [#tpu.dimension_semantics<parallel>, #tpu.dimension_semantics<parallel>], iteration_bounds = array<i64: 2, 8>, scalar_prefetch = 0 : i64, scratch_operands = 0 : i64, tpu.core_type = #tpu.core_type<tc>, window_params = [{pipeline_mode = #tpu.pipeline_mode<synchronous>, transform_indices = @transform_0, window_bounds = array<i64: 2, 4096>}, {transform_indices = @transform_1, window_bounds = array<i64: 1, 28, 512, 128>}, {transform_indices = @transform_2, window_bounds = array<i64: 1, 28, 512, 128>}]} {
    %mul3A = arith.constant 512 : i32
    %mul3A_0 = arith.muli %arg1, %mul3A : i32
    %get3A = arith.index_cast %arg0 : i32 to index
    %get3A_1 = arith.index_cast %mul3A_0 : i32 to index
    %get3A_2 = vector.load %arg2[%get3A, %get3A_1] : memref<2x4096xi32, #tpu.memory_space<vmem>>, vector<1x512xi32>
    %jit3A = arith.constant 0 : i32
    %jit3A_3 = arith.constant 131071 : i32
    %max3A = vector.broadcast %jit3A : i32 to vector<1x512xi32>
    %max3A_4 = arith.maxsi %max3A, %get3A_2 : vector<1x512xi32>
    %min3A = vector.broadcast %jit3A_3 : i32 to vector<1x512xi32>
    %min3A_5 = arith.minsi %min3A, %max3A_4 : vector<1x512xi32>
    %convert_element_type3A = arith.sitofp %min3A_5 : vector<1x512xi32> to vector<1x512xf32>
    %reshape3A = vector.shape_cast %convert_element_type3A : vector<1x512xf32> to vector<512x1xf32>
    %iota3A = tpu.iota {dimensions = array<i32: 1>} : vector<1x128xi32>
    %rem3A = arith.constant 64 : i32
    %rem3A_6 = vector.broadcast %rem3A : i32 to vector<1x128xi32>
    %rem3A_7 = arith.remsi %iota3A, %rem3A_6 : vector<1x128xi32>
    %convert_element_type3A_8 = arith.sitofp %rem3A_7 : vector<1x128xi32> to vector<1x128xf32>
    %mul3A_9 = arith.constant -0.215867355 : f32
    %mul3A_10 = vector.broadcast %mul3A_9 : f32 to vector<1x128xf32>
    %mul3A_11 = arith.mulf %convert_element_type3A_8, %mul3A_10 : vector<1x128xf32>
    %exp3A = math.exp %mul3A_11 : vector<1x128xf32>
    %mul3A_12 = vector.broadcast %reshape3A : vector<512x1xf32> to vector<512x128xf32>
    %mul3A_13 = vector.broadcast %exp3A : vector<1x128xf32> to vector<512x128xf32>
    %mul3A_14 = arith.mulf %mul3A_12, %mul3A_13 : vector<512x128xf32>
    %cos3A = math.cos %mul3A_14 : vector<512x128xf32>
    %lt3A = arith.constant 64 : i32
    %lt3A_15 = vector.broadcast %lt3A : i32 to vector<1x128xi32>
    %lt3A_16 = arith.cmpi slt, %iota3A, %lt3A_15 : vector<1x128xi32>
    %jit3A_17 = arith.constant -1.000000e+00 : f32
    %jit3A_18 = arith.constant 1.000000e+00 : f32
    %broadcast_in_dim3A = vector.broadcast %jit3A_17 : f32 to vector<1x128xf32>
    %broadcast_in_dim3A_19 = vector.broadcast %jit3A_18 : f32 to vector<1x128xf32>
    %select_n3A = arith.select %lt3A_16, %broadcast_in_dim3A, %broadcast_in_dim3A_19 : vector<1x128xi1>, vector<1x128xf32>
    %sin3A = math.sin %mul3A_14 : vector<512x128xf32>
    %mul3A_20 = vector.broadcast %select_n3A : vector<1x128xf32> to vector<512x128xf32>
    %mul3A_21 = arith.mulf %sin3A, %mul3A_20 : vector<512x128xf32>
    %get3A_22 = arith.constant 0 : index
    %get3A_23 = arith.constant 0 : index
    %get3A_24 = arith.constant 0 : index
    %get3A_25 = arith.constant 0 : index
    %get3A_26 = vector.load %arg3[%get3A_22, %get3A_23, %get3A_24, %get3A_25] : memref<1x28x512x128xf32, #tpu.memory_space<vmem>>, vector<1x28x512x128xf32>
    %get3A_27 = vector.shape_cast %get3A_26 : vector<1x28x512x128xf32> to vector<28x512x128xf32>
    %roll3A = arith.constant 64 : i32
    %roll3A_28 = tpu.dynamic_rotate %get3A_27 by %roll3A dim 2 : vector<28x512x128xf32>, i32 -> vector<28x512x128xf32>
    %broadcast_in_dim3A_29 = vector.shape_cast %cos3A : vector<512x128xf32> to vector<1x512x128xf32>
    %mul3A_30 = vector.broadcast %broadcast_in_dim3A_29 : vector<1x512x128xf32> to vector<28x512x128xf32>
    %mul3A_31 = arith.mulf %get3A_27, %mul3A_30 : vector<28x512x128xf32>
    %broadcast_in_dim3A_32 = vector.shape_cast %mul3A_21 : vector<512x128xf32> to vector<1x512x128xf32>
    %mul3A_33 = vector.broadcast %broadcast_in_dim3A_32 : vector<1x512x128xf32> to vector<28x512x128xf32>
    %mul3A_34 = arith.mulf %roll3A_28, %mul3A_33 : vector<28x512x128xf32>
    %add3A = arith.addf %mul3A_31, %mul3A_34 : vector<28x512x128xf32>
    %swap3A = arith.constant 0 : index
    %swap3A_35 = arith.constant 0 : index
    %swap3A_36 = arith.constant 0 : index
    %swap3A_37 = arith.constant 0 : index
    %swap3A_38 = vector.load %arg4[%swap3A, %swap3A_35, %swap3A_36, %swap3A_37] : memref<1x28x512x128xf32, #tpu.memory_space<vmem>>, vector<1x28x512x128xf32>
    %swap3A_39 = vector.shape_cast %swap3A_38 : vector<1x28x512x128xf32> to vector<28x512x128xf32>
    %swap3A_40 = vector.shape_cast %add3A : vector<28x512x128xf32> to vector<1x28x512x128xf32>
    tpu.vector_store %arg4[%swap3A, %swap3A_35, %swap3A_36, %swap3A_37], %swap3A_40 {strides = array<i32>} : memref<1x28x512x128xf32, #tpu.memory_space<vmem>>, vector<1x28x512x128xf32>,
    return
  }
  func.func @transform_0(%arg0: i32, %arg1: i32) -> (i32, i32) {
    %c0_i32 = arith.constant 0 : i32
    %c0_i32_0 = arith.constant 0 : i32
    %c0_i32_1 = arith.constant 0 : i32
    return %c0_i32, %c0_i32_0 : i32, i32
  }
  func.func @transform_1(%arg0: i32, %arg1: i32) -> (i32, i32, i32, i32) {
    %c0_i32 = arith.constant 0 : i32
    %c0_i32_0 = arith.constant 0 : i32
    %c0_i32_1 = arith.constant 0 : i32
    return %arg0, %c0_i32, %arg1, %c0_i32_0 : i32, i32, i32, i32
  }
  func.func @transform_2(%arg0: i32, %arg1: i32) -> (i32, i32, i32, i32) {
    %c0_i32 = arith.constant 0 : i32
    %c0_i32_0 = arith.constant 0 : i32
    %c0_i32_1 = arith.constant 0 : i32
    return %arg0, %c0_i32, %arg1, %c0_i32_0 : i32, i32, i32, i32
  }
}

module attributes {stable_mosaic.version = 14 : i64} {
  func.func @_sincos_block(%arg0: i32, %arg1: i32, %arg2: memref<2x4096xi32, #tpu.memory_space<vmem>>, %arg3: memref<1x512x128xf32, #tpu.memory_space<vmem>>, %arg4: memref<1x512x128xf32, #tpu.memory_space<vmem>>) attributes {dimension_semantics = [#tpu.dimension_semantics<parallel>, #tpu.dimension_semantics<parallel>], iteration_bounds = array<i64: 2, 8>, scalar_prefetch = 0 : i64, scratch_operands = 0 : i64, tpu.core_type = #tpu.core_type<tc>, window_params = [{pipeline_mode = #tpu.pipeline_mode<synchronous>, transform_indices = @transform_0, window_bounds = array<i64: 2, 4096>}, {transform_indices = @transform_1, window_bounds = array<i64: 1, 512, 128>}, {transform_indices = @transform_2, window_bounds = array<i64: 1, 512, 128>}]} {
    %mul3A = arith.constant 512 : i32
    %mul3A_0 = arith.muli %arg1, %mul3A : i32
    %get3A = arith.index_cast %arg0 : i32 to index
    %get3A_1 = arith.index_cast %mul3A_0 : i32 to index
    %get3A_2 = vector.load %arg2[%get3A, %get3A_1] : memref<2x4096xi32, #tpu.memory_space<vmem>>, vector<1x512xi32>
    %jit3A = arith.constant 0 : i32
    %jit3A_3 = arith.constant 131071 : i32
    %max3A = vector.broadcast %jit3A : i32 to vector<1x512xi32>
    %max3A_4 = arith.maxsi %max3A, %get3A_2 : vector<1x512xi32>
    %min3A = vector.broadcast %jit3A_3 : i32 to vector<1x512xi32>
    %min3A_5 = arith.minsi %min3A, %max3A_4 : vector<1x512xi32>
    %convert_element_type3A = arith.sitofp %min3A_5 : vector<1x512xi32> to vector<1x512xf32>
    %reshape3A = vector.shape_cast %convert_element_type3A : vector<1x512xf32> to vector<512x1xf32>
    %iota3A = tpu.iota {dimensions = array<i32: 1>} : vector<1x128xi32>
    %rem3A = arith.constant 64 : i32
    %rem3A_6 = vector.broadcast %rem3A : i32 to vector<1x128xi32>
    %rem3A_7 = arith.remsi %iota3A, %rem3A_6 : vector<1x128xi32>
    %convert_element_type3A_8 = arith.sitofp %rem3A_7 : vector<1x128xi32> to vector<1x128xf32>
    %mul3A_9 = arith.constant -0.215867355 : f32
    %mul3A_10 = vector.broadcast %mul3A_9 : f32 to vector<1x128xf32>
    %mul3A_11 = arith.mulf %convert_element_type3A_8, %mul3A_10 : vector<1x128xf32>
    %exp3A = math.exp %mul3A_11 : vector<1x128xf32>
    %mul3A_12 = vector.broadcast %reshape3A : vector<512x1xf32> to vector<512x128xf32>
    %mul3A_13 = vector.broadcast %exp3A : vector<1x128xf32> to vector<512x128xf32>
    %mul3A_14 = arith.mulf %mul3A_12, %mul3A_13 : vector<512x128xf32>
    %cos3A = math.cos %mul3A_14 : vector<512x128xf32>
    %lt3A = arith.constant 64 : i32
    %lt3A_15 = vector.broadcast %lt3A : i32 to vector<1x128xi32>
    %lt3A_16 = arith.cmpi slt, %iota3A, %lt3A_15 : vector<1x128xi32>
    %jit3A_17 = arith.constant -1.000000e+00 : f32
    %jit3A_18 = arith.constant 1.000000e+00 : f32
    %broadcast_in_dim3A = vector.broadcast %jit3A_17 : f32 to vector<1x128xf32>
    %broadcast_in_dim3A_19 = vector.broadcast %jit3A_18 : f32 to vector<1x128xf32>
    %select_n3A = arith.select %lt3A_16, %broadcast_in_dim3A, %broadcast_in_dim3A_19 : vector<1x128xi1>, vector<1x128xf32>
    %sin3A = math.sin %mul3A_14 : vector<512x128xf32>
    %mul3A_20 = vector.broadcast %select_n3A : vector<1x128xf32> to vector<512x128xf32>
    %mul3A_21 = arith.mulf %sin3A, %mul3A_20 : vector<512x128xf32>
    %swap3A = arith.constant 0 : index
    %swap3A_22 = arith.constant 0 : index
    %swap3A_23 = arith.constant 0 : index
    %swap3A_24 = vector.load %arg3[%swap3A, %swap3A_22, %swap3A_23] : memref<1x512x128xf32, #tpu.memory_space<vmem>>, vector<1x512x128xf32>
    %swap3A_25 = vector.shape_cast %swap3A_24 : vector<1x512x128xf32> to vector<512x128xf32>
    %swap3A_26 = vector.shape_cast %cos3A : vector<512x128xf32> to vector<1x512x128xf32>
    tpu.vector_store %arg3[%swap3A, %swap3A_22, %swap3A_23], %swap3A_26 {strides = array<i32>} : memref<1x512x128xf32, #tpu.memory_space<vmem>>, vector<1x512x128xf32>,
    %swap3A_27 = arith.constant 0 : index
    %swap3A_28 = arith.constant 0 : index
    %swap3A_29 = arith.constant 0 : index
    %swap3A_30 = vector.load %arg4[%swap3A_27, %swap3A_28, %swap3A_29] : memref<1x512x128xf32, #tpu.memory_space<vmem>>, vector<1x512x128xf32>
    %swap3A_31 = vector.shape_cast %swap3A_30 : vector<1x512x128xf32> to vector<512x128xf32>
    %swap3A_32 = vector.shape_cast %mul3A_21 : vector<512x128xf32> to vector<1x512x128xf32>
    tpu.vector_store %arg4[%swap3A_27, %swap3A_28, %swap3A_29], %swap3A_32 {strides = array<i32>} : memref<1x512x128xf32, #tpu.memory_space<vmem>>, vector<1x512x128xf32>,
    return
  }
  func.func @transform_0(%arg0: i32, %arg1: i32) -> (i32, i32) {
    %c0_i32 = arith.constant 0 : i32
    %c0_i32_0 = arith.constant 0 : i32
    %c0_i32_1 = arith.constant 0 : i32
    return %c0_i32, %c0_i32_0 : i32, i32
  }
  func.func @transform_1(%arg0: i32, %arg1: i32) -> (i32, i32, i32) {
    %c0_i32 = arith.constant 0 : i32
    %c0_i32_0 = arith.constant 0 : i32
    return %arg0, %arg1, %c0_i32 : i32, i32, i32
  }
  func.func @transform_2(%arg0: i32, %arg1: i32) -> (i32, i32, i32) {
    %c0_i32 = arith.constant 0 : i32
    %c0_i32_0 = arith.constant 0 : i32
    return %arg0, %arg1, %c0_i32 : i32, i32, i32
  }
}

</mosaic_0001>

<sc_bundles>
// kernel: kernel.5.cloned.1.call-start
scs
__scs_entry_jumppad:
0x0: {  	(pc) =	sbr.rel $0x88, $3  }
0x1: {  	(tag) =	ssettag $0x0;
	lr =	simm.s32 $0x1  }
0x2: {  	[smem:$0x3F9E] =	sst lr;
	_ =	strace $0xD0000000  }
0x3: {  	_ = 	snop  }
0x4: {  	_ = 	snop  }
0x5: {  	_ = 	snop  }
0x6: {  	_ = 	snop  }
0x7: {  	_ = 	snop  }
__scs_overlays_trampoline_lowered:
0x8: {  	[smem:$0x3FAD] =	sst s0  }
0x9: {  	[smem:$0x3FAE] =	sst s1  }
0xa: {  	[smem:$0x3FAF] =	sst s2  }
0xb: {  	[smem:$0x3FB0] =	sst s3  }
0xc: {  	[smem:$0x3FB1] =	sst s4  }
0xd: {  	[smem:$0x3FB2] =	sst s5  }
0xe: {  	[smem:$0x3FB3] =	sst s6  }
0xf: {  	[smem:$0x3FB4] =	sst s7  }
0x10: {  	[smem:$0x3FB5] =	sst s8  }
0x11: {  	[smem:$0x3FB6] =	sst s9;
	s0 =	simm.s32 @!p0 $0x0  }
0x12: {  	s1 =	sld [smem:$0x3F9C];
	s0 =	simm.s32 @p0 $0x1  }
0x13: {  	[smem:$0x3FB7] =	sst s0;
	s0 =	simm.s32 @!p1 $0x0  }
0x14: {  	s2 =	sld [smem:$0x3F9B];
	s0 =	simm.s32 @p1 $0x1  }
0x15: {  	[smem:$0x3FB8] =	sst s0;
	s0 =	simm.s32 @!p2 $0x0  }
0x16: {  	s3 =	sld [smem:$0x3FDB];
	s0 =	simm.s32 @p2 $0x1  }
0x17: {  	s4 =	simm.s32 $0x1BF5;
	[smem:$0x3FBA] =	sst s0  }
0x18: {  	s0 =	sld [smem:$0x3F9D];
	_ =	swait.ge [sflag:s4], $0x0  }
0x19: {  	s7 =	sld [smem:$0x3F9E]  }
0x1a: {  	s8 =	sadd.s32 $0xFFFFE003, lr  }
0x1b: {  	s9 =	sadd.s32 $0xFFFFFEF7, lr;
	s5 =	simm.s32 $0xFFFFFFFF;
	p2 =	slt.u32 s8, $0xFFFFF086  }
0x1c: {  	p1 =	slt.u32 s9, $0xF7A;
	s5 =	simm.s32 @!p2 $0x0  }
0x1d: {  	s5 =	simm.s32 @p1 $0x1;
	p0 =	seq.s32 s7, s2  }
0x1e: {  	s7 =	smul.u32 @!p0 $0xF7A, s2;
	p2 =	seq.s32 @!p0 s5, $0x0  }
0x1f: {  	s9 =	smul.u32 $0xF7A, s1;
	s8 =	simm.s32 @!p0 $0x1BF5;
	p2 =	por !p2, p0  }
0x20: {  	[sflag:s8] =	ssyncset.s32 @!p0 $0xFFFFF086;
	s6 =	sadd.s32 @!p0 s3, s7;
	s7 =	simm.s32 @!p0 $0x108  }
0x21: {  	s3 =	sadd.s32 s3, s9;
	s6 =	sadd.s32 @!p0 $0x88, s6;
	s7 =	simm.s32 @p2 $0x1082  }
0x22: {  	[simem:s7], [sflag:s8] =	dma.local @!p0 [hbm:s6], $0xF7A  }
0x23: {  	s9 =	sor.u32 $0xD0000000, s2;
	s6 =	simm.s32 $0x108;
	_ =	swait.ge @!p0 [sflag:s8], $0x0  }
0x24: {  	s3 =	sadd.s32 $0x88, s3;
	s6 =	simm.s32 @!p1 $0x1082;
	[sflag:s4] =	ssyncset.s32 $0xFFFFF086  }
0x25: {  	[simem:s6], [sflag:s4] =	dma.local [hbm:s3], $0xF7A  }
0x26: {  	[smem:$0x3F9E] =	sst s1;
	(tag) =	ssettag s2;
	_ =	strace s9  }
0x27: {  	s1 =	sld [smem:$0x3FAE]  }
0x28: {  	s2 =	sld [smem:$0x3FAF]  }
0x29: {  	s4 =	sld [smem:$0x3FB1]  }
0x2a: {  	p0 =	seq.s32 s5, $0x0;
	s5 =	sld [smem:$0x3FB2]  }
0x2b: {  	s6 =	sld [smem:$0x3FB3]  }
0x2c: {  	s7 =	sld [smem:$0x3FB4]  }
0x2d: {  	s3 =	simm.s32 $0x108;
	s8 =	sld [smem:$0x3FB5]  }
0x2e: {  	s3 =	simm.s32 @!p0 $0x1082;
	s9 =	sld [smem:$0x3FB6]  }
0x2f: {  	lr =	sadd.s32 s0, s3;
	s0 =	sld [smem:$0x3FAD]  }
0x30: {  	s3 =	sld [smem:$0x3FB0]  }
0x31: {  	[smem:$0x3FB9] =	sst s10  }
0x32: {  	s10 =	sld [smem:$0x3FB7];
	_ =	sdelay $0x3  }
0x33: {  	p0 =	seq.s32 s10, $0x1;
	s10 =	sld [smem:$0x3FB9];
	_ =	sdelay $0x3  }
0x34: {  	[smem:$0x3FB9] =	sst s10  }
0x35: {  	s10 =	sld [smem:$0x3FB8];
	_ =	sdelay $0x3  }
0x36: {  	p1 =	seq.s32 s10, $0x1;
	s10 =	sld [smem:$0x3FB9];
	_ =	sdelay $0x3  }
0x37: {  	[smem:$0x3FB9] =	sst s10  }
0x38: {  	s10 =	sld [smem:$0x3FBA]  }
0x39: {  	_ = 	snop;
	(pc) =	sbr.ind lr, $3  }
0x3a: {  	_ = 	snop  }
0x3b: {  	_ = 	snop  }
0x3c: {  	p2 =	seq.s32 s10, $0x1;
	s10 =	sld [smem:$0x3FB9]  }
0x3d: {  	_ =	shalt  }
0x3e: {  	_ =	shalt  }
0x3f: {  	_ =	shalt  }
0x40: {  	_ =	shalt  }
0x41: {  	_ =	shalt  }
0x42: {  	_ =	shalt  }
0x43: {  	_ =	shalt  }
0x44: {  	_ =	shalt  }
0x45: {  	_ =	shalt  }
0x46: {  	_ =	shalt  }
0x47: {  	_ =	shalt  }
0x48: {  	_ =	shalt  }
0x49: {  	_ =	shalt  }
0x4a: {  	_ =	shalt  }
0x4b: {  	_ =	shalt  }
0x4c: {  	_ =	shalt  }
0x4d: {  	_ =	shalt  }
0x4e: {  	_ =	shalt  }
0x4f: {  	_ =	shalt  }
0x50: {  	_ =	shalt  }
0x51: {  	_ =	shalt  }
0x52: {  	_ =	shalt  }
0x53: {  	_ =	shalt  }
0x54: {  	_ =	shalt  }
0x55: {  	_ =	shalt  }
0x56: {  	_ =	shalt  }
0x57: {  	_ =	shalt  }
0x58: {  	_ =	shalt  }
0x59: {  	_ =	shalt  }
0x5a: {  	_ =	shalt  }
0x5b: {  	_ =	shalt  }
0x5c: {  	_ =	shalt  }
0x5d: {  	_ =	shalt  }
0x5e: {  	_ =	shalt  }
0x5f: {  	_ =	shalt  }
0x60: {  	_ =	shalt  }
0x61: {  	_ =	shalt  }
0x62: {  	_ =	shalt  }
0x63: {  	_ =	shalt  }
0x64: {  	_ =	shalt  }
0x65: {  	_ =	shalt  }
0x66: {  	_ =	shalt  }
0x67: {  	_ =	shalt  }
0x68: {  	_ =	shalt  }
0x69: {  	_ =	shalt  }
0x6a: {  	_ =	shalt  }
0x6b: {  	_ =	shalt  }
0x6c: {  	_ =	shalt  }
0x6d: {  	_ =	shalt  }
0x6e: {  	_ =	shalt  }
0x6f: {  	_ =	shalt  }
0x70: {  	_ =	shalt  }
0x71: {  	_ =	shalt  }
0x72: {  	_ =	shalt  }
0x73: {  	_ =	shalt  }
0x74: {  	_ =	shalt  }
0x75: {  	_ =	shalt  }
0x76: {  	_ =	shalt  }
0x77: {  	_ =	shalt  }
0x78: {  	_ =	shalt  }
0x79: {  	_ =	shalt  }
0x7a: {  	_ =	shalt  }
0x7b: {  	_ =	shalt  }
0x7c: {  	_ =	shalt  }
0x7d: {  	_ =	shalt  }
0x7e: {  	_ =	shalt  }
0x7f: {  	_ =	shalt  }
0x80: {  	_ =	shalt  }
0x81: {  	_ =	shalt  }
0x82: {  	_ =	shalt  }
0x83: {  	_ =	shalt  }
0x84: {  	_ =	shalt  }
0x85: {  	_ =	shalt  }
0x86: {  	_ =	shalt  }
0x87: {  	_ =	shalt  }
.Lfunc_end0:
.L_simem_size_0:
called_computation_lowered:
.L_overlay_start_0:
0x88: {  	s2 =	sld [smem:$0x3FD9]  }
0x89: {  	s3 =	sld [smem:$0x3FFE];
	_ =	sdelay $0x1  }
0x8a: {  	s1 =	srdreg.scid  }
0x8b: {  	s0 =	sand.u32 $0x1, s1  }
0x8c: {  	s14 =	sshll.u32 s0, $0xA;
	s2 =	sadd.s32 s3, s2  }
0x8d: {  	s2 =	sadd.s32 s2, s14  }
0x8e: {  	[smem:$0x3FC5] =	sst s2  }
0x8f: {  	_ = 	snop  }
0x90: {  	s2 =	sld [smem:$0x3FD0];
	_ =	sdelay $0x2  }
0x91: {  	s4 =	simm.s32 $0xA;
	s5 =	simm.s32 $0x10;
	s15 =	sld [smem:$0x3FC9]  }
0x92: {  	[smem:s5], [sflag:s4] =	dma.local [hbm:s2], $0x1  }
0x93: {  	_ =	swait.eq [sflag:s4], $0x1  }
0x94: {  	[sflag:s4] =	ssyncset.done $0x0  }
0x95: {  	[sflag:s4] =	ssyncadd.s32 $0xFFFFFFFF  }
0x96: {  	s16 =	sld [smem:$0x10];
	(tm) =	ssettm $0x1  }
0x97: {  	s17 =	sld [smem:$0x3FFB];
	_ =	sdelay $0x3  }
0x98: {  	_ =	strace s17  }
0x99: {  	s4 =	sld [smem:$0x3FFC];
	_ =	sdelay $0x3  }
0x9a: {  	_ =	strace s4  }
0x9b: {  	s4 =	sld [smem:$0x3FFD];
	_ =	sdelay $0x3  }
0x9c: {  	_ =	strace s4  }
0x9d: {  	_ =	strace $0x8FFFFFFF  }
0x9e: {  	s18 =	sld [smem:$0x3FDB];
	_ =	sdelay $0x1  }
0x9f: {  	s19 =	simm.s32 $_scs_section_size  }
0xa0: {  	s6 =	simm.s32 $_size__tile_overlayer_lowered;
	s7 =	simm.s32 $_tile_overlayer_lowered  }
0xa1: {  	s22 =	simm.s32 $0x1BFF;
	s21 =	sshll.u32 s7, $0x1;
	s4 =	sadd.s32 s19, s18  }
0xa2: {  	s8 =	simm.s32 $0x0;
	s20 =	sshll.u32 s6, $0x1;
	s6 =	sadd.s32 s21, s4  }
0xa3: {  	[timem:s8], [sflag:s22] =	dma.local [hbm:s6], s20  }
0xa4: {  	_ =	swait.ge [sflag:s22], s20  }
0xa5: {  	s5 =	ssub.s32 $0x0, s20;
	[sflag:s22] =	ssyncset.done $0x0  }
0xa6: {  	[sflag:s22] =	ssyncadd.s32 s5;
	_ =	sdelay $0x1  }
0xa7: {  	s23 =	simm.s32 $0x1B8B  }
0xa8: {  	_ =	swait.ge [sflag:s23], $0x1  }
0xa9: {  	[sflag:s23] =	ssyncset.done $0x0  }
0xaa: {  	s25 =	simm.s32 $0x1B8E;
	s24 =	sld [smem:$0x3FFE];
	[sflag:s23] =	ssyncadd.s32 $0xFFFFFFFF  }
0xab: {  	s26 =	simm.s32 $execute0_lowered;
	[smem:$0x3FD2] =	sst s25  }
0xac: {  	s6 =	sshll.u32 s26, $0x1;
	_ =	strace $0x80000046;
	[dreg:$0x1] =	wrdreg $0xFFFFFFFF  }
0xad: {  	s28 =	simm.s32 $_size_execute0_lowered;
	s4 =	sadd.s32 s4, s6;
	[dreg:$0x0] =	wrdreg $0x0  }
0xae: {  	s6 =	sshll.u32 s28, $0x1;
	[dreg:$0x2] =	wrdreg s4  }
0xaf: {  	[dreg:$0x3] =	wrdreg s6  }
0xb0: {  	[dreg:$0x4] =	wrdreg $0xC0  }
0xb1: {  	_ =	task [dreg:s8], $0x5FFFF  }
0xb2: {  	[dreg:$0x1] =	wrdreg $0xFFFFFFFF  }
0xb3: {  	[dreg:$0x0] =	wrdreg $0x60  }
0xb4: {  	[dreg:$0x2] =	wrdreg s15  }
0xb5: {  	[dreg:$0x3] =	wrdreg s24  }
0xb6: {  	[dreg:$0x4] =	wrdreg s16  }
0xb7: {  	[dreg:$0x5] =	wrdreg $0x9  }
0xb8: {  	_ =	task.clear_ibuf [dreg:s8], $0x6FFFF;
	_ =	strace $0x90000046  }
0xb9: {  	s29 =	simm.s32 $0x9;
	_ =	strace $0x80000048  }
0xba: {  	_ =	swait.ge [sflag:s29], $0x1  }
0xbb: {  	[sflag:s29] =	ssyncadd.s32 $0xFFFFFFFF  }
0xbc: {  	_ =	strace $0x90000048  }
0xbd: {  	_ =	sfence  }
0xbe: {  	s30 =	sld [smem:$0x0];
	_ =	sdelay $0x2  }
0xbf: {  	s31 =	sshll.u32 s1, $0xD;
	s1 =	sshrl.u32 s1, $0x2  }
0xc0: {  	s3 =	sand.u32 $0x4000, s31;
	s1 =	sadd.s32 s1, s30  }
0xc1: {  	s0 =	sor.u32 s3, s0;
	s1 =	sshll.u32 s1, $0x11  }
0xc2: {  	s0 =	sor.u32 s1, s0  }
0xc3: {  	s0 =	sadd.s32 $0x8F2B, s0  }
0xc4: {  	[sflag:s0] =	ssyncadd.remote.s32 $0x1  }
0xc5: {  	_ =	sfence.sel $0xFFFF  }
0xc6: {  	[dreg:$0x0] =	wrdreg $0xFFFFFFFF;
	(pc) =	sbr.abs _section_cstart, $3  }
0xc7: {  	[dreg:$0x1] =	wrdreg $0xFFFFFFFF  }
0xc8: {  	_ =	task.clear_ibuf [dreg:s8], $0x2FFFF;
	_ =	strace $0x9FFFFFFF  }
0xc9: {  	(tm) =	ssettm $0x7FFFFFFF  }
tec
execute0_lowered:
.L_overlay_start_1:
0x0: {  	(tag) =	ssettag $0x1  }
0x1: {  	s0 =	rddreg [dreg:$0x0]  }
0x2: {  	s3 =	rddreg [dreg:$0x1]  }
0x3: {  	s22 =	rddreg [dreg:$0x2];
	s2 =	simm.s32 $0x0;
	s1 =	stileid.u32  }
0x4: {  	s4 =	srdreg.scid;
	s28 =	simm.s32 $0xC000;
	s29 =	simm.s32 $0x0  }
0x5: {  	[smem:$0x7FF] =	sst s2;
	s5 =	sshll.u32 s1, $0x1;
	s4 =	sand.u32 $0x1, s4  }
0x6: {  	s13 =	sadd.s32 $0xC00, s3;
	s6 =	sshrl.u32 s1, $0x3;
	s14 =	sadd.s32 $0x20C00, s3  }
0x7: {  	_ =	strace $0x80000047;
	s5 =	sand.u32 $0xE, s5;
	s25 =	ssub.s32 $0x2, s4  }
0x8: {  	s11 =	sshll.u32 s6, $0x13;
	s5 =	sor.u32 s4, s5;
	s30 =	sshrl.u32 s25, $0x1  }
0x9: {  	s12 =	sshll.u32 s6, $0x15;
	s10 =	sshll.u32 s5, $0xF;
	s23 =	ssub.s32 s25, s30  }
0xa: {  	s25 =	simm.s32 $0x4000;
	s26 =	sor.u32 s11, s10;
	s6 =	sor.u32 s12, s10  }
0xb: {  	s17 =	sor.u32 $0x4000, s10;
	s23 =	smax.u32 s23, $0x1;
	s4 =	sshrl.u32 s26, $0x3  }
0xc: {  	s15 =	sshrl.u32 s6, $0x3;
	s31 =	sor.u32 s11, s17;
	s17 =	sor.u32 s12, s17  }
0xd: {  	s26 =	simm.s32 $0x8000;
	s3 =	sadd.s32 s13, s4;
	s4 =	sadd.s32 s14, s4  }
0xe: {  	s5 =	sadd.s32 s0, s15;
	s8 =	sor.u32 $0x10000, s15;
	s6 =	sadd.s32 s22, s15  }
0xf: {  	s16 =	sor.u32 $0x20000, s15;
	s15 =	sor.u32 $0x30000, s15;
	s20 =	sshrl.u32 s17, $0x3  }
0x10: {  	s7 =	sadd.s32 s0, s8;
	s8 =	sadd.s32 s22, s8;
	s9 =	sadd.s32 s0, s16  }
0x11: {  	s10 =	sadd.s32 s22, s16;
	s11 =	sadd.s32 s0, s15;
	s16 =	sshrl.u32 s31, $0x3  }
0x12: {  	s12 =	sadd.s32 s22, s15;
	s15 =	sadd.s32 s0, s20;
	s18 =	sor.u32 $0x10000, s20  }
0x13: {  	s21 =	sor.u32 $0x20000, s20;
	s24 =	sor.u32 $0x30000, s20;
	s13 =	sadd.s32 s13, s16  }
0x14: {  	s14 =	sadd.s32 s14, s16;
	s16 =	sadd.s32 s22, s20;
	s17 =	sadd.s32 s0, s18  }
0x15: {  	s18 =	sadd.s32 s22, s18;
	s19 =	sadd.s32 s0, s21;
	s20 =	sadd.s32 s22, s21  }
0x16: {  	s21 =	sadd.s32 s0, s24;
	s22 =	sadd.s32 s22, s24;
	s24 =	simm.s32 $0x1  }
.LBB2_1:
0x17: {  	[tilespmem:s2], [sflag:$0x1] =	stream.linear.gather [hbm4b:s3+s2], $0x4000, $0x38;
	[tilespmem:$0x10000] =	vst v63  }
0x18: {  	_ =	swait.ge [sflag:s24], $0x4000  }
0x19: {  	[sflag:s24] =	ssyncset.done $0x0  }
0x1a: {  	[sflag:s24] =	ssyncadd.s32 $0xFFFFC000  }
0x1b: {  	[tilespmem:s25], [sflag:$0x1] =	stream.linear.gather [hbm4b:s4+s2], $0x4000, $0x38;
	[tilespmem:$0x10000] =	vst v63  }
0x1c: {  	_ =	swait.ge [sflag:s24], $0x4000  }
0x1d: {  	[sflag:s24] =	ssyncset.done $0x0  }
0x1e: {  	[sflag:s24] =	ssyncadd.s32 $0xFFFFC000  }
0x1f: {  	[tilespmem:s26], [sflag:$0x1] =	stream.linear.gather [hbm4b:s5+s2], $0x4000, $0x38;
	[tilespmem:$0x10000] =	vst v63  }
0x20: {  	_ =	swait.ge [sflag:s24], $0x4000  }
0x21: {  	[sflag:s24] =	ssyncset.done $0x0  }
0x22: {  	s30 =	simm.s32 $0x0;
	[sflag:s24] =	ssyncadd.s32 $0xFFFFC000  }
0x23: {  	v1 =	vld [tilespmem:s30+$0x8030]  }
0x24: {  	v2 =	vld [tilespmem:s30+$0x8070]  }
0x25: {  	v3 =	vld [tilespmem:s30+$0x70]  }
0x26: {  	v4 =	vld [tilespmem:s30+$0x4070]  }
0x27: {  	v6 =	vld [tilespmem:s30+$0x8000]  }
0x28: {  	v9 =	vld [tilespmem:s30+$0x8010]  }
0x29: {  	v0 =	vld [tilespmem:s30+$0x8020]  }
0x2a: {  	v7 =	vld [tilespmem:s30+$0x8040]  }
0x2b: {  	v8 =	vld [tilespmem:s30+$0x8050]  }
0x2c: {  	v10 =	vld [tilespmem:s30+$0x0];
	v5 =	vmul.f32 v3, v2;
	v4 =	vmul.f32 v4, v1  }
0x2d: {  	v11 =	vld [tilespmem:s30+$0x10]  }
0x2e: {  	v4 =	vadd.f32 v4, v5;
	v5 =	vld [tilespmem:s30+$0x4000]  }
0x2f: {  	v12 =	vld [tilespmem:s30+$0x20]  }
0x30: {  	[tilespmem:s30+$0xC070] =	vst v4;
	v4 =	vld [tilespmem:s30+$0x4010]  }
0x31: {  	v13 =	vld [tilespmem:s30+$0x4020]  }
0x32: {  	v3 =	vld [tilespmem:s30+$0x8060]  }
0x33: {  	v14 =	vld [tilespmem:s30+$0x30];
	v10 =	vmul.f32 v10, v6;
	v5 =	vmul.f32 v5, v7  }
0x34: {  	v15 =	vld [tilespmem:s30+$0x4030]  }
0x35: {  	v16 =	vld [tilespmem:s30+$0x4040];
	v11 =	vmul.f32 v11, v9;
	v5 =	vadd.f32 v5, v10;
	v4 =	vmul.f32 v4, v8  }
0x36: {  	v10 =	vld [tilespmem:s30+$0x40]  }
0x37: {  	v17 =	vld [tilespmem:s30+$0x4050];
	v60 =	vmul.f32 v13, v3;
	[tilespmem:s30+$0xC000] =	vst v5;
	v4 =	vadd.f32 v4, v11;
	v5 =	vmul.f32 v12, v0  }
0x38: {  	v11 =	vld [tilespmem:s30+$0x50]  }
0x39: {  	v61 =	vmul.f32 v14, v1;
	v2 =	vmul.f32 v15, v2;
	[tilespmem:s30+$0xC010] =	vst v4;
	v4 =	vld [tilespmem:s30+$0x60];
	v12 =	vadd.f32 v60, v5  }
0x3a: {  	s31 =	simm.s32 $0x80;
	v5 =	vld [tilespmem:s30+$0x4060]  }
0x3b: {  	v63 =	vmul.f32 v16, v6;
	v62 =	vadd.f32 v2, v61;
	v1 =	vld [tilespmem:s31+$0x8030];
	v10 =	vmul.f32 v10, v7;
	[tilespmem:s30+$0xC020] =	vst v12  }
0x3c: {  	v2 =	vld [tilespmem:s31+$0x8070]  }
0x3d: {  	s0 =	simm.s32 $0x400;
	v9 =	vmul.f32 v17, v9;
	v6 =	vld [tilespmem:s31+$0x70];
	v7 =	vmul.f32 v11, v8;
	[tilespmem:s30+$0xC030] =	vst v62;
	v8 =	vadd.f32 v63, v10  }
.LBB2_2:
0x3e: {  	p0 =	sne.s32 s0, $0xFE00;
	v10 =	vld [tilespmem:s31+$0x4070];
	v3 =	vmul.f32 v4, v3  }
0x3f: {  	v11 =	vld [tilespmem:s31+$0x8000];
	[tilespmem:s30+$0xC040] =	vst v8;
	v4 =	vadd.f32 v9, v7;
	v5 =	vmul.f32 v5, v0  }
0x40: {  	v9 =	vld [tilespmem:s31+$0x8010]  }
0x41: {  	v0 =	vld [tilespmem:s31+$0x8020];
	[tilespmem:s30+$0xC050] =	vst v4;
	v3 =	vadd.f32 v5, v3  }
0x42: {  	v5 =	vld [tilespmem:s31+$0x8040]  }
0x43: {  	v4 =	vmul.f32 v6, v2;
	v7 =	vld [tilespmem:s31+$0x8050];
	v6 =	vmul.f32 v10, v1;
	[tilespmem:s30+$0xC060] =	vst v3;
	s30 =	smov.u32 s31  }
0x44: {  	v3 =	vld [tilespmem:s30+$0x8060]  }
0x45: {  	v8 =	vld [tilespmem:s30+$0x0];
	v4 =	vadd.f32 v6, v4  }
0x46: {  	v6 =	vld [tilespmem:s30+$0x4000]  }
0x47: {  	v10 =	vld [tilespmem:s30+$0x10];
	[tilespmem:s30+$0xC070] =	vst v4  }
0x48: {  	v4 =	vld [tilespmem:s30+$0x4010]  }
0x49: {  	v12 =	vld [tilespmem:s30+$0x20]  }
0x4a: {  	v8 =	vmul.f32 v8, v11;
	v13 =	vld [tilespmem:s30+$0x4020]  }
0x4b: {  	v6 =	vmul.f32 v6, v5;
	v14 =	vld [tilespmem:s30+$0x30]  }
0x4c: {  	v10 =	vmul.f32 v10, v9;
	v15 =	vld [tilespmem:s30+$0x4030]  }
0x4d: {  	v6 =	vadd.f32 v6, v8;
	v4 =	vmul.f32 v4, v7;
	v8 =	vld [tilespmem:s30+$0x40]  }
0x4e: {  	v12 =	vmul.f32 v12, v0;
	v16 =	vld [tilespmem:s30+$0x4040]  }
0x4f: {  	[tilespmem:s30+$0xC000] =	vst v6;
	v4 =	vadd.f32 v4, v10;
	v6 =	vmul.f32 v13, v3;
	v10 =	vld [tilespmem:s30+$0x50]  }
0x50: {  	v13 =	vmul.f32 v14, v1;
	v14 =	vld [tilespmem:s30+$0x4050]  }
.Ltmp0:
0x51: {  	[tilespmem:s30+$0xC010] =	vst v4;
	v6 =	vadd.f32 v6, v12;
	v2 =	vmul.f32 v15, v2;
	v4 =	vld [tilespmem:s30+$0x60];
	(pc) =	sbr.rel @p0 .LBB2_2-.Ltmp0, $4  }
0x52: {  	s31 =	sshra.s32 s0, $0x2;
	v8 =	vmul.f32 v8, v5;
	v5 =	vld [tilespmem:s30+$0x4060]  }
0x53: {  	v1 =	vld [tilespmem:s31+$0x8030];
	[tilespmem:s30+$0xC020] =	vst v6;
	v12 =	vadd.f32 v2, v13;
	v11 =	vmul.f32 v16, v11  }
0x54: {  	v2 =	vld [tilespmem:s31+$0x8070];
	v7 =	vmul.f32 v10, v7  }
0x55: {  	s0 =	sadd.s32 $0x200, s0;
	v6 =	vld [tilespmem:s31+$0x70];
	[tilespmem:s30+$0xC030] =	vst v12;
	v8 =	vadd.f32 v11, v8;
	v9 =	vmul.f32 v14, v9  }
0x56: {  	v10 =	vld [tilespmem:s31+$0x4070]  }
0x57: {  	v11 =	vld [tilespmem:s31+$0x8000];
	v3 =	vmul.f32 v4, v3;
	[tilespmem:s30+$0xC040] =	vst v8;
	v7 =	vadd.f32 v9, v7;
	v0 =	vmul.f32 v5, v0  }
0x58: {  	v8 =	vld [tilespmem:s31+$0x8010]  }
0x59: {  	v4 =	vld [tilespmem:s31+$0x8020];
	[tilespmem:s30+$0xC050] =	vst v7;
	v0 =	vadd.f32 v0, v3  }
0x5a: {  	v3 =	vld [tilespmem:s31+$0x8040]  }
0x5b: {  	v5 =	vld [tilespmem:s31+$0x8050];
	[tilespmem:s30+$0xC060] =	vst v0  }
0x5c: {  	v7 =	vld [tilespmem:s31+$0x8060]  }
0x5d: {  	v0 =	vmul.f32 v6, v2;
	v6 =	vmul.f32 v10, v1;
	v9 =	vld [tilespmem:s31+$0x0]  }
0x5e: {  	v10 =	vld [tilespmem:s31+$0x10]  }
0x5f: {  	v0 =	vadd.f32 v6, v0;
	v6 =	vld [tilespmem:s31+$0x4000]  }
0x60: {  	v12 =	vld [tilespmem:s31+$0x20]  }
0x61: {  	[tilespmem:s31+$0xC070] =	vst v0;
	v0 =	vld [tilespmem:s31+$0x4010]  }
0x62: {  	v13 =	vld [tilespmem:s31+$0x4020]  }
0x63: {  	v14 =	vld [tilespmem:s31+$0x30]  }
0x64: {  	v15 =	vld [tilespmem:s31+$0x4030];
	v9 =	vmul.f32 v9, v11;
	v6 =	vmul.f32 v6, v3  }
0x65: {  	v16 =	vld [tilespmem:s31+$0x4040]  }
0x66: {  	v17 =	vld [tilespmem:s31+$0x4060];
	v10 =	vmul.f32 v10, v8;
	v6 =	vadd.f32 v6, v9;
	v0 =	vmul.f32 v0, v5  }
0x67: {  	v9 =	vld [tilespmem:s31+$0x40]  }
0x68: {  	[tilespmem:s31+$0xC000] =	vst v6;
	v0 =	vadd.f32 v0, v10;
	v6 =	vld [tilespmem:s31+$0x50]  }
0x69: {  	v10 =	vld [tilespmem:s31+$0x4050]  }
0x6a: {  	[tilespmem:s31+$0xC010] =	vst v0;
	v0 =	vld [tilespmem:s31+$0x60]  }
0x6b: {  	v12 =	vmul.f32 v12, v4;
	v13 =	vmul.f32 v13, v7  }
0x6c: {  	v1 =	vmul.f32 v14, v1;
	v2 =	vmul.f32 v15, v2  }
0x6d: {  	v12 =	vadd.f32 v13, v12;
	v3 =	vmul.f32 v9, v3;
	v9 =	vmul.f32 v16, v11  }
0x6e: {  	v1 =	vadd.f32 v2, v1;
	v2 =	vmul.f32 v6, v5;
	v5 =	vmul.f32 v10, v8  }
0x6f: {  	v4 =	vmul.f32 v17, v4;
	[tilespmem:s31+$0xC020] =	vst v12;
	v3 =	vadd.f32 v9, v3;
	v0 =	vmul.f32 v0, v7  }
0x70: {  	[tilespmem:s31+$0xC030] =	vst v1;
	v1 =	vadd.f32 v5, v2  }
0x71: {  	[tilespmem:s31+$0xC040] =	vst v3;
	v0 =	vadd.f32 v4, v0  }
0x72: {  	[tilespmem:s31+$0xC050] =	vst v1  }
0x73: {  	s0 =	simm.s32 $0x0;
	[tilespmem:s31+$0xC060] =	vst v0  }
0x74: {  	[hbm4b:s6+s0] =	stream.linear.scatter [tilespmem:s28], [sflag:$0x1], $0x4000, $0x38;
	[tilespmem:$0x10000] =	vst v63  }
0x75: {  	_ =	swait.ge [sflag:s24], $0x4000  }
0x76: {  	[sflag:s24] =	ssyncset.done $0x0  }
0x77: {  	[sflag:s24] =	ssyncadd.s32 $0xFFFFC000  }
0x78: {  	[tilespmem:s26], [sflag:$0x1] =	stream.linear.gather [hbm4b:s7+s0], $0x4000, $0x38;
	[tilespmem:$0x10000] =	vst v63  }
0x79: {  	_ =	swait.ge [sflag:s24], $0x4000  }
0x7a: {  	[sflag:s24] =	ssyncset.done $0x0  }
0x7b: {  	s30 =	simm.s32 $0x0;
	[sflag:s24] =	ssyncadd.s32 $0xFFFFC000  }
0x7c: {  	v1 =	vld [tilespmem:s30+$0x8030]  }
0x7d: {  	v2 =	vld [tilespmem:s30+$0x8070]  }
0x7e: {  	v3 =	vld [tilespmem:s30+$0x70]  }
0x7f: {  	v4 =	vld [tilespmem:s30+$0x4070]  }
0x80: {  	v6 =	vld [tilespmem:s30+$0x8000]  }
0x81: {  	v9 =	vld [tilespmem:s30+$0x8010]  }
0x82: {  	v0 =	vld [tilespmem:s30+$0x8020]  }
0x83: {  	v7 =	vld [tilespmem:s30+$0x8040]  }
0x84: {  	v8 =	vld [tilespmem:s30+$0x8050]  }
0x85: {  	v10 =	vld [tilespmem:s30+$0x0];
	v5 =	vmul.f32 v3, v2;
	v4 =	vmul.f32 v4, v1  }
0x86: {  	v11 =	vld [tilespmem:s30+$0x10]  }
0x87: {  	v4 =	vadd.f32 v4, v5;
	v5 =	vld [tilespmem:s30+$0x4000]  }
0x88: {  	v54 =	vld [tilespmem:s30+$0x20]  }
0x89: {  	[tilespmem:s30+$0xC070] =	vst v4;
	v4 =	vld [tilespmem:s30+$0x4010]  }
0x8a: {  	v55 =	vld [tilespmem:s30+$0x4020]  }
0x8b: {  	v3 =	vld [tilespmem:s30+$0x8060]  }
0x8c: {  	v56 =	vld [tilespmem:s30+$0x30];
	v10 =	vmul.f32 v10, v6;
	v5 =	vmul.f32 v5, v7  }
0x8d: {  	v57 =	vld [tilespmem:s30+$0x4030]  }
0x8e: {  	v58 =	vld [tilespmem:s30+$0x4040];
	v11 =	vmul.f32 v11, v9;
	v5 =	vadd.f32 v5, v10;
	v4 =	vmul.f32 v4, v8  }
0x8f: {  	v10 =	vld [tilespmem:s30+$0x40]  }
0x90: {  	v59 =	vld [tilespmem:s30+$0x4050];
	v60 =	vmul.f32 v55, v3;
	[tilespmem:s30+$0xC000] =	vst v5;
	v4 =	vadd.f32 v4, v11;
	v5 =	vmul.f32 v54, v0  }
0x91: {  	v11 =	vld [tilespmem:s30+$0x50]  }
0x92: {  	v61 =	vmul.f32 v56, v1;
	v2 =	vmul.f32 v57, v2;
	[tilespmem:s30+$0xC010] =	vst v4;
	v4 =	vld [tilespmem:s30+$0x60];
	v12 =	vadd.f32 v60, v5  }
0x93: {  	s31 =	simm.s32 $0x80;
	v5 =	vld [tilespmem:s30+$0x4060]  }
0x94: {  	v63 =	vmul.f32 v58, v6;
	v62 =	vadd.f32 v2, v61;
	v1 =	vld [tilespmem:s31+$0x8030];
	v10 =	vmul.f32 v10, v7;
	[tilespmem:s30+$0xC020] =	vst v12  }
0x95: {  	v2 =	vld [tilespmem:s31+$0x8070]  }
0x96: {  	s0 =	simm.s32 $0x400;
	v9 =	vmul.f32 v59, v9;
	v6 =	vld [tilespmem:s31+$0x70];
	v7 =	vmul.f32 v11, v8;
	[tilespmem:s30+$0xC030] =	vst v62;
	v8 =	vadd.f32 v63, v10  }
.LBB2_4:
0x97: {  	p0 =	sne.s32 s0, $0xFE00;
	v10 =	vld [tilespmem:s31+$0x4070];
	v3 =	vmul.f32 v4, v3  }
0x98: {  	v11 =	vld [tilespmem:s31+$0x8000];
	[tilespmem:s30+$0xC040] =	vst v8;
	v4 =	vadd.f32 v9, v7;
	v5 =	vmul.f32 v5, v0  }
0x99: {  	v9 =	vld [tilespmem:s31+$0x8010]  }
0x9a: {  	v0 =	vld [tilespmem:s31+$0x8020];
	[tilespmem:s30+$0xC050] =	vst v4;
	v3 =	vadd.f32 v5, v3  }
0x9b: {  	v5 =	vld [tilespmem:s31+$0x8040]  }
0x9c: {  	v4 =	vmul.f32 v6, v2;
	v7 =	vld [tilespmem:s31+$0x8050];
	v6 =	vmul.f32 v10, v1;
	[tilespmem:s30+$0xC060] =	vst v3;
	s30 =	smov.u32 s31  }
0x9d: {  	v3 =	vld [tilespmem:s30+$0x8060]  }
0x9e: {  	v8 =	vld [tilespmem:s30+$0x0];
	v4 =	vadd.f32 v6, v4  }
0x9f: {  	v6 =	vld [tilespmem:s30+$0x4000]  }
0xa0: {  	v10 =	vld [tilespmem:s30+$0x10];
	[tilespmem:s30+$0xC070] =	vst v4  }
0xa1: {  	v4 =	vld [tilespmem:s30+$0x4010]  }
0xa2: {  	v12 =	vld [tilespmem:s30+$0x20]  }
0xa3: {  	v8 =	vmul.f32 v8, v11;
	v13 =	vld [tilespmem:s30+$0x4020]  }
0xa4: {  	v6 =	vmul.f32 v6, v5;
	v14 =	vld [tilespmem:s30+$0x30]  }
0xa5: {  	v10 =	vmul.f32 v10, v9;
	v15 =	vld [tilespmem:s30+$0x4030]  }
0xa6: {  	v6 =	vadd.f32 v6, v8;
	v4 =	vmul.f32 v4, v7;
	v8 =	vld [tilespmem:s30+$0x40]  }
0xa7: {  	v12 =	vmul.f32 v12, v0;
	v16 =	vld [tilespmem:s30+$0x4040]  }
0xa8: {  	[tilespmem:s30+$0xC000] =	vst v6;
	v4 =	vadd.f32 v4, v10;
	v6 =	vmul.f32 v13, v3;
	v10 =	vld [tilespmem:s30+$0x50]  }
0xa9: {  	v13 =	vmul.f32 v14, v1;
	v14 =	vld [tilespmem:s30+$0x4050]  }
.Ltmp1:
0xaa: {  	[tilespmem:s30+$0xC010] =	vst v4;
	v6 =	vadd.f32 v6, v12;
	v2 =	vmul.f32 v15, v2;
	v4 =	vld [tilespmem:s30+$0x60];
	(pc) =	sbr.rel @p0 .LBB2_4-.Ltmp1, $4  }
0xab: {  	s31 =	sshra.s32 s0, $0x2;
	v8 =	vmul.f32 v8, v5;
	v5 =	vld [tilespmem:s30+$0x4060]  }
0xac: {  	v1 =	vld [tilespmem:s31+$0x8030];
	[tilespmem:s30+$0xC020] =	vst v6;
	v12 =	vadd.f32 v2, v13;
	v11 =	vmul.f32 v16, v11  }
0xad: {  	v2 =	vld [tilespmem:s31+$0x8070];
	v7 =	vmul.f32 v10, v7  }
0xae: {  	s0 =	sadd.s32 $0x200, s0;
	v6 =	vld [tilespmem:s31+$0x70];
	[tilespmem:s30+$0xC030] =	vst v12;
	v8 =	vadd.f32 v11, v8;
	v9 =	vmul.f32 v14, v9  }
0xaf: {  	v10 =	vld [tilespmem:s31+$0x4070]  }
0xb0: {  	v11 =	vld [tilespmem:s31+$0x8000];
	v3 =	vmul.f32 v4, v3;
	[tilespmem:s30+$0xC040] =	vst v8;
	v7 =	vadd.f32 v9, v7;
	v0 =	vmul.f32 v5, v0  }
0xb1: {  	v8 =	vld [tilespmem:s31+$0x8010]  }
0xb2: {  	v4 =	vld [tilespmem:s31+$0x8020];
	[tilespmem:s30+$0xC050] =	vst v7;
	v0 =	vadd.f32 v0, v3  }
0xb3: {  	v3 =	vld [tilespmem:s31+$0x8040]  }
0xb4: {  	v5 =	vld [tilespmem:s31+$0x8050];
	[tilespmem:s30+$0xC060] =	vst v0  }
0xb5: {  	v7 =	vld [tilespmem:s31+$0x8060]  }
0xb6: {  	v0 =	vmul.f32 v6, v2;
	v6 =	vmul.f32 v10, v1;
	v9 =	vld [tilespmem:s31+$0x0]  }
0xb7: {  	v10 =	vld [tilespmem:s31+$0x10]  }
0xb8: {  	v0 =	vadd.f32 v6, v0;
	v6 =	vld [tilespmem:s31+$0x4000]  }
0xb9: {  	v12 =	vld [tilespmem:s31+$0x20]  }
0xba: {  	[tilespmem:s31+$0xC070] =	vst v0;
	v0 =	vld [tilespmem:s31+$0x4010]  }
0xbb: {  	v13 =	vld [tilespmem:s31+$0x4020]  }
0xbc: {  	v14 =	vld [tilespmem:s31+$0x30]  }
0xbd: {  	v15 =	vld [tilespmem:s31+$0x4030];
	v9 =	vmul.f32 v9, v11;
	v6 =	vmul.f32 v6, v3  }
0xbe: {  	v16 =	vld [tilespmem:s31+$0x4040]  }
0xbf: {  	v17 =	vld [tilespmem:s31+$0x4060];
	v10 =	vmul.f32 v10, v8;
	v6 =	vadd.f32 v6, v9;
	v0 =	vmul.f32 v0, v5  }
0xc0: {  	v9 =	vld [tilespmem:s31+$0x40]  }
0xc1: {  	[tilespmem:s31+$0xC000] =	vst v6;
	v0 =	vadd.f32 v0, v10;
	v6 =	vld [tilespmem:s31+$0x50]  }
0xc2: {  	v10 =	vld [tilespmem:s31+$0x4050]  }
0xc3: {  	[tilespmem:s31+$0xC010] =	vst v0;
	v0 =	vld [tilespmem:s31+$0x60]  }
0xc4: {  	v12 =	vmul.f32 v12, v4;
	v13 =	vmul.f32 v13, v7  }
0xc5: {  	v1 =	vmul.f32 v14, v1;
	v2 =	vmul.f32 v15, v2  }
0xc6: {  	v12 =	vadd.f32 v13, v12;
	v3 =	vmul.f32 v9, v3;
	v9 =	vmul.f32 v16, v11  }
0xc7: {  	v1 =	vadd.f32 v2, v1;
	v2 =	vmul.f32 v6, v5;
	v5 =	vmul.f32 v10, v8  }
0xc8: {  	v4 =	vmul.f32 v17, v4;
	[tilespmem:s31+$0xC020] =	vst v12;
	v3 =	vadd.f32 v9, v3;
	v0 =	vmul.f32 v0, v7  }
0xc9: {  	[tilespmem:s31+$0xC030] =	vst v1;
	v1 =	vadd.f32 v5, v2  }
0xca: {  	[tilespmem:s31+$0xC040] =	vst v3;
	v0 =	vadd.f32 v4, v0  }
0xcb: {  	[tilespmem:s31+$0xC050] =	vst v1  }
0xcc: {  	s0 =	simm.s32 $0x0;
	[tilespmem:s31+$0xC060] =	vst v0  }
0xcd: {  	[hbm4b:s8+s0] =	stream.linear.scatter [tilespmem:s28], [sflag:$0x1], $0x4000, $0x38;
	[tilespmem:$0x10000] =	vst v63  }
0xce: {  	_ =	swait.ge [sflag:s24], $0x4000  }
0xcf: {  	[sflag:s24] =	ssyncset.done $0x0  }
0xd0: {  	[sflag:s24] =	ssyncadd.s32 $0xFFFFC000  }
0xd1: {  	[tilespmem:s26], [sflag:$0x1] =	stream.linear.gather [hbm4b:s9+s0], $0x4000, $0x38;
	[tilespmem:$0x10000] =	vst v63  }
0xd2: {  	_ =	swait.ge [sflag:s24], $0x4000  }
0xd3: {  	[sflag:s24] =	ssyncset.done $0x0  }
0xd4: {  	s30 =	simm.s32 $0x0;
	[sflag:s24] =	ssyncadd.s32 $0xFFFFC000  }
0xd5: {  	v1 =	vld [tilespmem:s30+$0x8030]  }
0xd6: {  	v2 =	vld [tilespmem:s30+$0x8070]  }
0xd7: {  	v3 =	vld [tilespmem:s30+$0x70]  }
0xd8: {  	v4 =	vld [tilespmem:s30+$0x4070]  }
0xd9: {  	v6 =	vld [tilespmem:s30+$0x8000]  }
0xda: {  	v9 =	vld [tilespmem:s30+$0x8010]  }
0xdb: {  	v0 =	vld [tilespmem:s30+$0x8020]  }
0xdc: {  	v7 =	vld [tilespmem:s30+$0x8040]  }
0xdd: {  	v8 =	vld [tilespmem:s30+$0x8050]  }
0xde: {  	v10 =	vld [tilespmem:s30+$0x0];
	v5 =	vmul.f32 v3, v2;
	v4 =	vmul.f32 v4, v1  }
0xdf: {  	v11 =	vld [tilespmem:s30+$0x10]  }
0xe0: {  	v4 =	vadd.f32 v4, v5;
	v5 =	vld [tilespmem:s30+$0x4000]  }
0xe1: {  	v54 =	vld [tilespmem:s30+$0x20]  }
0xe2: {  	[tilespmem:s30+$0xC070] =	vst v4;
	v4 =	vld [tilespmem:s30+$0x4010]  }
0xe3: {  	v55 =	vld [tilespmem:s30+$0x4020]  }
0xe4: {  	v3 =	vld [tilespmem:s30+$0x8060]  }
0xe5: {  	v56 =	vld [tilespmem:s30+$0x30];
	v10 =	vmul.f32 v10, v6;
	v5 =	vmul.f32 v5, v7  }
0xe6: {  	v57 =	vld [tilespmem:s30+$0x4030]  }
0xe7: {  	v58 =	vld [tilespmem:s30+$0x4040];
	v11 =	vmul.f32 v11, v9;
	v5 =	vadd.f32 v5, v10;
	v4 =	vmul.f32 v4, v8  }
0xe8: {  	v10 =	vld [tilespmem:s30+$0x40]  }
0xe9: {  	v59 =	vld [tilespmem:s30+$0x4050];
	v60 =	vmul.f32 v55, v3;
	[tilespmem:s30+$0xC000] =	vst v5;
	v4 =	vadd.f32 v4, v11;
	v5 =	vmul.f32 v54, v0  }
0xea: {  	v11 =	vld [tilespmem:s30+$0x50]  }
0xeb: {  	v61 =	vmul.f32 v56, v1;
	v2 =	vmul.f32 v57, v2;
	[tilespmem:s30+$0xC010] =	vst v4;
	v4 =	vld [tilespmem:s30+$0x60];
	v12 =	vadd.f32 v60, v5  }
0xec: {  	s31 =	simm.s32 $0x80;
	v5 =	vld [tilespmem:s30+$0x4060]  }
0xed: {  	v63 =	vmul.f32 v58, v6;
	v62 =	vadd.f32 v2, v61;
	v1 =	vld [tilespmem:s31+$0x8030];
	v10 =	vmul.f32 v10, v7;
	[tilespmem:s30+$0xC020] =	vst v12  }
0xee: {  	v2 =	vld [tilespmem:s31+$0x8070]  }
0xef: {  	s0 =	simm.s32 $0x400;
	v9 =	vmul.f32 v59, v9;
	v6 =	vld [tilespmem:s31+$0x70];
	v7 =	vmul.f32 v11, v8;
	[tilespmem:s30+$0xC030] =	vst v62;
	v8 =	vadd.f32 v63, v10  }
.LBB2_6:
0xf0: {  	p0 =	sne.s32 s0, $0xFE00;
	v10 =	vld [tilespmem:s31+$0x4070];
	v3 =	vmul.f32 v4, v3  }
0xf1: {  	v11 =	vld [tilespmem:s31+$0x8000];
	[tilespmem:s30+$0xC040] =	vst v8;
	v4 =	vadd.f32 v9, v7;
	v5 =	vmul.f32 v5, v0  }
0xf2: {  	v9 =	vld [tilespmem:s31+$0x8010]  }
0xf3: {  	v0 =	vld [tilespmem:s31+$0x8020];
	[tilespmem:s30+$0xC050] =	vst v4;
	v3 =	vadd.f32 v5, v3  }
0xf4: {  	v5 =	vld [tilespmem:s31+$0x8040]  }
0xf5: {  	v4 =	vmul.f32 v6, v2;
	v7 =	vld [tilespmem:s31+$0x8050];
	v6 =	vmul.f32 v10, v1;
	[tilespmem:s30+$0xC060] =	vst v3;
	s30 =	smov.u32 s31  }
0xf6: {  	v3 =	vld [tilespmem:s30+$0x8060]  }
0xf7: {  	v8 =	vld [tilespmem:s30+$0x0];
	v4 =	vadd.f32 v6, v4  }
0xf8: {  	v6 =	vld [tilespmem:s30+$0x4000]  }
0xf9: {  	v10 =	vld [tilespmem:s30+$0x10];
	[tilespmem:s30+$0xC070] =	vst v4  }
0xfa: {  	v4 =	vld [tilespmem:s30+$0x4010]  }
0xfb: {  	v12 =	vld [tilespmem:s30+$0x20]  }
0xfc: {  	v8 =	vmul.f32 v8, v11;
	v13 =	vld [tilespmem:s30+$0x4020]  }
0xfd: {  	v6 =	vmul.f32 v6, v5;
	v14 =	vld [tilespmem:s30+$0x30]  }
0xfe: {  	v10 =	vmul.f32 v10, v9;
	v15 =	vld [tilespmem:s30+$0x4030]  }
0xff: {  	v6 =	vadd.f32 v6, v8;
	v4 =	vmul.f32 v4, v7;
	v8 =	vld [tilespmem:s30+$0x40]  }
0x100: {  	v12 =	vmul.f32 v12, v0;
	v16 =	vld [tilespmem:s30+$0x4040]  }
0x101: {  	[tilespmem:s30+$0xC000] =	vst v6;
	v4 =	vadd.f32 v4, v10;
	v6 =	vmul.f32 v13, v3;
	v10 =	vld [tilespmem:s30+$0x50]  }
0x102: {  	v13 =	vmul.f32 v14, v1;
	v14 =	vld [tilespmem:s30+$0x4050]  }
.Ltmp2:
0x103: {  	[tilespmem:s30+$0xC010] =	vst v4;
	v6 =	vadd.f32 v6, v12;
	v2 =	vmul.f32 v15, v2;
	v4 =	vld [tilespmem:s30+$0x60];
	(pc) =	sbr.rel @p0 .LBB2_6-.Ltmp2, $4  }
0x104: {  	s31 =	sshra.s32 s0, $0x2;
	v8 =	vmul.f32 v8, v5;
	v5 =	vld [tilespmem:s30+$0x4060]  }
0x105: {  	v1 =	vld [tilespmem:s31+$0x8030];
	[tilespmem:s30+$0xC020] =	vst v6;
	v12 =	vadd.f32 v2, v13;
	v11 =	vmul.f32 v16, v11  }
0x106: {  	v2 =	vld [tilespmem:s31+$0x8070];
	v7 =	vmul.f32 v10, v7  }
0x107: {  	s0 =	sadd.s32 $0x200, s0;
	v6 =	vld [tilespmem:s31+$0x70];
	[tilespmem:s30+$0xC030] =	vst v12;
	v8 =	vadd.f32 v11, v8;
	v9 =	vmul.f32 v14, v9  }
0x108: {  	v10 =	vld [tilespmem:s31+$0x4070]  }
0x109: {  	v11 =	vld [tilespmem:s31+$0x8000];
	v3 =	vmul.f32 v4, v3;
	[tilespmem:s30+$0xC040] =	vst v8;
	v7 =	vadd.f32 v9, v7;
	v0 =	vmul.f32 v5, v0  }
0x10a: {  	v8 =	vld [tilespmem:s31+$0x8010]  }
0x10b: {  	v4 =	vld [tilespmem:s31+$0x8020];
	[tilespmem:s30+$0xC050] =	vst v7;
	v0 =	vadd.f32 v0, v3  }
0x10c: {  	v3 =	vld [tilespmem:s31+$0x8040]  }
0x10d: {  	v5 =	vld [tilespmem:s31+$0x8050];
	[tilespmem:s30+$0xC060] =	vst v0  }
0x10e: {  	v7 =	vld [tilespmem:s31+$0x8060]  }
0x10f: {  	v0 =	vmul.f32 v6, v2;
	v6 =	vmul.f32 v10, v1;
	v9 =	vld [tilespmem:s31+$0x0]  }
0x110: {  	v10 =	vld [tilespmem:s31+$0x10]  }
0x111: {  	v0 =	vadd.f32 v6, v0;
	v6 =	vld [tilespmem:s31+$0x4000]  }
0x112: {  	v12 =	vld [tilespmem:s31+$0x20]  }
0x113: {  	[tilespmem:s31+$0xC070] =	vst v0;
	v0 =	vld [tilespmem:s31+$0x4010]  }
0x114: {  	v13 =	vld [tilespmem:s31+$0x4020]  }
0x115: {  	v14 =	vld [tilespmem:s31+$0x30]  }
0x116: {  	v15 =	vld [tilespmem:s31+$0x4030];
	v9 =	vmul.f32 v9, v11;
	v6 =	vmul.f32 v6, v3  }
0x117: {  	v16 =	vld [tilespmem:s31+$0x4040]  }
0x118: {  	v17 =	vld [tilespmem:s31+$0x4060];
	v10 =	vmul.f32 v10, v8;
	v6 =	vadd.f32 v6, v9;
	v0 =	vmul.f32 v0, v5  }
0x119: {  	v9 =	vld [tilespmem:s31+$0x40]  }
0x11a: {  	[tilespmem:s31+$0xC000] =	vst v6;
	v0 =	vadd.f32 v0, v10;
	v6 =	vld [tilespmem:s31+$0x50]  }
0x11b: {  	v10 =	vld [tilespmem:s31+$0x4050]  }
0x11c: {  	[tilespmem:s31+$0xC010] =	vst v0;
	v0 =	vld [tilespmem:s31+$0x60]  }
0x11d: {  	v12 =	vmul.f32 v12, v4;
	v13 =	vmul.f32 v13, v7  }
0x11e: {  	v1 =	vmul.f32 v14, v1;
	v2 =	vmul.f32 v15, v2  }
0x11f: {  	v12 =	vadd.f32 v13, v12;
	v3 =	vmul.f32 v9, v3;
	v9 =	vmul.f32 v16, v11  }
0x120: {  	v1 =	vadd.f32 v2, v1;
	v2 =	vmul.f32 v6, v5;
	v5 =	vmul.f32 v10, v8  }
0x121: {  	v4 =	vmul.f32 v17, v4;
	[tilespmem:s31+$0xC020] =	vst v12;
	v3 =	vadd.f32 v9, v3;
	v0 =	vmul.f32 v0, v7  }
0x122: {  	[tilespmem:s31+$0xC030] =	vst v1;
	v1 =	vadd.f32 v5, v2  }
0x123: {  	[tilespmem:s31+$0xC040] =	vst v3;
	v0 =	vadd.f32 v4, v0  }
0x124: {  	[tilespmem:s31+$0xC050] =	vst v1  }
0x125: {  	s0 =	simm.s32 $0x0;
	[tilespmem:s31+$0xC060] =	vst v0  }
0x126: {  	[hbm4b:s10+s0] =	stream.linear.scatter [tilespmem:s28], [sflag:$0x1], $0x4000, $0x38;
	[tilespmem:$0x10000] =	vst v63  }
0x127: {  	_ =	swait.ge [sflag:s24], $0x4000  }
0x128: {  	[sflag:s24] =	ssyncset.done $0x0  }
0x129: {  	[sflag:s24] =	ssyncadd.s32 $0xFFFFC000  }
0x12a: {  	[tilespmem:s26], [sflag:$0x1] =	stream.linear.gather [hbm4b:s11+s0], $0x4000, $0x38;
	[tilespmem:$0x10000] =	vst v63  }
0x12b: {  	_ =	swait.ge [sflag:s24], $0x4000  }
0x12c: {  	[sflag:s24] =	ssyncset.done $0x0  }
0x12d: {  	s30 =	simm.s32 $0x0;
	[sflag:s24] =	ssyncadd.s32 $0xFFFFC000  }
0x12e: {  	v1 =	vld [tilespmem:s30+$0x8030]  }
0x12f: {  	v2 =	vld [tilespmem:s30+$0x8070]  }
0x130: {  	v3 =	vld [tilespmem:s30+$0x70]  }
0x131: {  	v4 =	vld [tilespmem:s30+$0x4070]  }
0x132: {  	v6 =	vld [tilespmem:s30+$0x8000]  }
0x133: {  	v9 =	vld [tilespmem:s30+$0x8010]  }
0x134: {  	v0 =	vld [tilespmem:s30+$0x8020]  }
0x135: {  	v7 =	vld [tilespmem:s30+$0x8040]  }
0x136: {  	v8 =	vld [tilespmem:s30+$0x8050]  }
0x137: {  	v10 =	vld [tilespmem:s30+$0x0];
	v5 =	vmul.f32 v3, v2;
	v4 =	vmul.f32 v4, v1  }
0x138: {  	v11 =	vld [tilespmem:s30+$0x10]  }
0x139: {  	v4 =	vadd.f32 v4, v5;
	v5 =	vld [tilespmem:s30+$0x4000]  }
0x13a: {  	v54 =	vld [tilespmem:s30+$0x20]  }
0x13b: {  	[tilespmem:s30+$0xC070] =	vst v4;
	v4 =	vld [tilespmem:s30+$0x4010]  }
0x13c: {  	v55 =	vld [tilespmem:s30+$0x4020]  }
0x13d: {  	v3 =	vld [tilespmem:s30+$0x8060]  }
0x13e: {  	v56 =	vld [tilespmem:s30+$0x30];
	v10 =	vmul.f32 v10, v6;
	v5 =	vmul.f32 v5, v7  }
0x13f: {  	v57 =	vld [tilespmem:s30+$0x4030]  }
0x140: {  	v58 =	vld [tilespmem:s30+$0x4040];
	v11 =	vmul.f32 v11, v9;
	v5 =	vadd.f32 v5, v10;
	v4 =	vmul.f32 v4, v8  }
0x141: {  	v10 =	vld [tilespmem:s30+$0x40]  }
0x142: {  	v59 =	vld [tilespmem:s30+$0x4050];
	v60 =	vmul.f32 v55, v3;
	[tilespmem:s30+$0xC000] =	vst v5;
	v4 =	vadd.f32 v4, v11;
	v5 =	vmul.f32 v54, v0  }
0x143: {  	v11 =	vld [tilespmem:s30+$0x50]  }
0x144: {  	v61 =	vmul.f32 v56, v1;
	v2 =	vmul.f32 v57, v2;
	[tilespmem:s30+$0xC010] =	vst v4;
	v4 =	vld [tilespmem:s30+$0x60];
	v12 =	vadd.f32 v60, v5  }
0x145: {  	s31 =	simm.s32 $0x80;
	v5 =	vld [tilespmem:s30+$0x4060]  }
0x146: {  	v63 =	vmul.f32 v58, v6;
	v62 =	vadd.f32 v2, v61;
	v1 =	vld [tilespmem:s31+$0x8030];
	v10 =	vmul.f32 v10, v7;
	[tilespmem:s30+$0xC020] =	vst v12  }
0x147: {  	v2 =	vld [tilespmem:s31+$0x8070]  }
0x148: {  	s0 =	simm.s32 $0x400;
	v9 =	vmul.f32 v59, v9;
	v6 =	vld [tilespmem:s31+$0x70];
	v7 =	vmul.f32 v11, v8;
	[tilespmem:s30+$0xC030] =	vst v62;
	v8 =	vadd.f32 v63, v10  }
.LBB2_8:
0x149: {  	p0 =	sne.s32 s0, $0xFE00;
	v10 =	vld [tilespmem:s31+$0x4070];
	v3 =	vmul.f32 v4, v3  }
0x14a: {  	v11 =	vld [tilespmem:s31+$0x8000];
	[tilespmem:s30+$0xC040] =	vst v8;
	v4 =	vadd.f32 v9, v7;
	v5 =	vmul.f32 v5, v0  }
0x14b: {  	v9 =	vld [tilespmem:s31+$0x8010]  }
0x14c: {  	v0 =	vld [tilespmem:s31+$0x8020];
	[tilespmem:s30+$0xC050] =	vst v4;
	v3 =	vadd.f32 v5, v3  }
0x14d: {  	v5 =	vld [tilespmem:s31+$0x8040]  }
0x14e: {  	v4 =	vmul.f32 v6, v2;
	v7 =	vld [tilespmem:s31+$0x8050];
	v6 =	vmul.f32 v10, v1;
	[tilespmem:s30+$0xC060] =	vst v3;
	s30 =	smov.u32 s31  }
0x14f: {  	v3 =	vld [tilespmem:s30+$0x8060]  }
0x150: {  	v8 =	vld [tilespmem:s30+$0x0];
	v4 =	vadd.f32 v6, v4  }
0x151: {  	v6 =	vld [tilespmem:s30+$0x4000]  }
0x152: {  	v10 =	vld [tilespmem:s30+$0x10];
	[tilespmem:s30+$0xC070] =	vst v4  }
0x153: {  	v4 =	vld [tilespmem:s30+$0x4010]  }
0x154: {  	v12 =	vld [tilespmem:s30+$0x20]  }
0x155: {  	v8 =	vmul.f32 v8, v11;
	v13 =	vld [tilespmem:s30+$0x4020]  }
0x156: {  	v6 =	vmul.f32 v6, v5;
	v14 =	vld [tilespmem:s30+$0x30]  }
0x157: {  	v10 =	vmul.f32 v10, v9;
	v15 =	vld [tilespmem:s30+$0x4030]  }
0x158: {  	v6 =	vadd.f32 v6, v8;
	v4 =	vmul.f32 v4, v7;
	v8 =	vld [tilespmem:s30+$0x40]  }
0x159: {  	v12 =	vmul.f32 v12, v0;
	v16 =	vld [tilespmem:s30+$0x4040]  }
0x15a: {  	[tilespmem:s30+$0xC000] =	vst v6;
	v4 =	vadd.f32 v4, v10;
	v6 =	vmul.f32 v13, v3;
	v10 =	vld [tilespmem:s30+$0x50]  }
0x15b: {  	v13 =	vmul.f32 v14, v1;
	v14 =	vld [tilespmem:s30+$0x4050]  }
.Ltmp3:
0x15c: {  	[tilespmem:s30+$0xC010] =	vst v4;
	v6 =	vadd.f32 v6, v12;
	v2 =	vmul.f32 v15, v2;
	v4 =	vld [tilespmem:s30+$0x60];
	(pc) =	sbr.rel @p0 .LBB2_8-.Ltmp3, $4  }
0x15d: {  	s31 =	sshra.s32 s0, $0x2;
	v8 =	vmul.f32 v8, v5;
	v5 =	vld [tilespmem:s30+$0x4060]  }
0x15e: {  	v1 =	vld [tilespmem:s31+$0x8030];
	[tilespmem:s30+$0xC020] =	vst v6;
	v12 =	vadd.f32 v2, v13;
	v11 =	vmul.f32 v16, v11  }
0x15f: {  	v2 =	vld [tilespmem:s31+$0x8070];
	v7 =	vmul.f32 v10, v7  }
0x160: {  	s0 =	sadd.s32 $0x200, s0;
	v6 =	vld [tilespmem:s31+$0x70];
	[tilespmem:s30+$0xC030] =	vst v12;
	v8 =	vadd.f32 v11, v8;
	v9 =	vmul.f32 v14, v9  }
0x161: {  	v10 =	vld [tilespmem:s31+$0x4070]  }
0x162: {  	v11 =	vld [tilespmem:s31+$0x8000];
	v3 =	vmul.f32 v4, v3;
	[tilespmem:s30+$0xC040] =	vst v8;
	v7 =	vadd.f32 v9, v7;
	v0 =	vmul.f32 v5, v0  }
0x163: {  	v8 =	vld [tilespmem:s31+$0x8010]  }
0x164: {  	v4 =	vld [tilespmem:s31+$0x8020];
	[tilespmem:s30+$0xC050] =	vst v7;
	v0 =	vadd.f32 v0, v3  }
0x165: {  	v3 =	vld [tilespmem:s31+$0x8040]  }
0x166: {  	v5 =	vld [tilespmem:s31+$0x8050];
	[tilespmem:s30+$0xC060] =	vst v0  }
0x167: {  	v7 =	vld [tilespmem:s31+$0x8060]  }
0x168: {  	v0 =	vmul.f32 v6, v2;
	v6 =	vmul.f32 v10, v1;
	v9 =	vld [tilespmem:s31+$0x0]  }
0x169: {  	v10 =	vld [tilespmem:s31+$0x10]  }
0x16a: {  	v0 =	vadd.f32 v6, v0;
	v6 =	vld [tilespmem:s31+$0x4000]  }
0x16b: {  	v12 =	vld [tilespmem:s31+$0x20]  }
0x16c: {  	[tilespmem:s31+$0xC070] =	vst v0;
	v0 =	vld [tilespmem:s31+$0x4010]  }
0x16d: {  	v13 =	vld [tilespmem:s31+$0x4020]  }
0x16e: {  	v14 =	vld [tilespmem:s31+$0x30]  }
0x16f: {  	v15 =	vld [tilespmem:s31+$0x4030];
	v9 =	vmul.f32 v9, v11;
	v6 =	vmul.f32 v6, v3  }
0x170: {  	v16 =	vld [tilespmem:s31+$0x4040]  }
0x171: {  	v17 =	vld [tilespmem:s31+$0x4060];
	v10 =	vmul.f32 v10, v8;
	v6 =	vadd.f32 v6, v9;
	v0 =	vmul.f32 v0, v5  }
0x172: {  	v9 =	vld [tilespmem:s31+$0x40]  }
0x173: {  	[tilespmem:s31+$0xC000] =	vst v6;
	v0 =	vadd.f32 v0, v10;
	v6 =	vld [tilespmem:s31+$0x50]  }
0x174: {  	v10 =	vld [tilespmem:s31+$0x4050]  }
0x175: {  	[tilespmem:s31+$0xC010] =	vst v0;
	v0 =	vld [tilespmem:s31+$0x60]  }
0x176: {  	v12 =	vmul.f32 v12, v4;
	v13 =	vmul.f32 v13, v7  }
0x177: {  	v1 =	vmul.f32 v14, v1;
	v2 =	vmul.f32 v15, v2  }
0x178: {  	v12 =	vadd.f32 v13, v12;
	v3 =	vmul.f32 v9, v3;
	v9 =	vmul.f32 v16, v11  }
0x179: {  	v1 =	vadd.f32 v2, v1;
	v2 =	vmul.f32 v6, v5;
	v5 =	vmul.f32 v10, v8  }
0x17a: {  	v4 =	vmul.f32 v17, v4;
	[tilespmem:s31+$0xC020] =	vst v12;
	v3 =	vadd.f32 v9, v3;
	v0 =	vmul.f32 v0, v7  }
0x17b: {  	[tilespmem:s31+$0xC030] =	vst v1;
	v1 =	vadd.f32 v5, v2  }
0x17c: {  	[tilespmem:s31+$0xC040] =	vst v3;
	v0 =	vadd.f32 v4, v0  }
0x17d: {  	[tilespmem:s31+$0xC050] =	vst v1  }
0x17e: {  	s0 =	simm.s32 $0x0;
	[tilespmem:s31+$0xC060] =	vst v0  }
0x17f: {  	[hbm4b:s12+s0] =	stream.linear.scatter [tilespmem:s28], [sflag:$0x1], $0x4000, $0x38;
	[tilespmem:$0x10000] =	vst v63  }
0x180: {  	_ =	swait.ge [sflag:s24], $0x4000  }
0x181: {  	[sflag:s24] =	ssyncset.done $0x0  }
0x182: {  	[sflag:s24] =	ssyncadd.s32 $0xFFFFC000  }
0x183: {  	[tilespmem:s0], [sflag:$0x1] =	stream.linear.gather [hbm4b:s13+s0], $0x4000, $0x38;
	[tilespmem:$0x10000] =	vst v63  }
0x184: {  	_ =	swait.ge [sflag:s24], $0x4000  }
0x185: {  	[sflag:s24] =	ssyncset.done $0x0  }
0x186: {  	[sflag:s24] =	ssyncadd.s32 $0xFFFFC000  }
0x187: {  	[tilespmem:s25], [sflag:$0x1] =	stream.linear.gather [hbm4b:s14+s0], $0x4000, $0x38;
	[tilespmem:$0x10000] =	vst v63  }
0x188: {  	_ =	swait.ge [sflag:s24], $0x4000  }
0x189: {  	[sflag:s24] =	ssyncset.done $0x0  }
0x18a: {  	[sflag:s24] =	ssyncadd.s32 $0xFFFFC000  }
0x18b: {  	[tilespmem:s26], [sflag:$0x1] =	stream.linear.gather [hbm4b:s15+s0], $0x4000, $0x38;
	[tilespmem:$0x10000] =	vst v63  }
0x18c: {  	_ =	swait.ge [sflag:s24], $0x4000  }
0x18d: {  	[sflag:s24] =	ssyncset.done $0x0  }
0x18e: {  	s30 =	simm.s32 $0x0;
	[sflag:s24] =	ssyncadd.s32 $0xFFFFC000  }
0x18f: {  	v1 =	vld [tilespmem:s30+$0x8030]  }
0x190: {  	v2 =	vld [tilespmem:s30+$0x8070]  }
0x191: {  	v3 =	vld [tilespmem:s30+$0x70]  }
0x192: {  	v4 =	vld [tilespmem:s30+$0x4070]  }
0x193: {  	v6 =	vld [tilespmem:s30+$0x8000]  }
0x194: {  	v9 =	vld [tilespmem:s30+$0x8010]  }
0x195: {  	v0 =	vld [tilespmem:s30+$0x8020]  }
0x196: {  	v7 =	vld [tilespmem:s30+$0x8040]  }
0x197: {  	v8 =	vld [tilespmem:s30+$0x8050]  }
0x198: {  	v10 =	vld [tilespmem:s30+$0x0];
	v5 =	vmul.f32 v3, v2;
	v4 =	vmul.f32 v4, v1  }
0x199: {  	v11 =	vld [tilespmem:s30+$0x10]  }
0x19a: {  	v4 =	vadd.f32 v4, v5;
	v5 =	vld [tilespmem:s30+$0x4000]  }
0x19b: {  	v54 =	vld [tilespmem:s30+$0x20]  }
0x19c: {  	[tilespmem:s30+$0xC070] =	vst v4;
	v4 =	vld [tilespmem:s30+$0x4010]  }
0x19d: {  	v55 =	vld [tilespmem:s30+$0x4020]  }
0x19e: {  	v3 =	vld [tilespmem:s30+$0x8060]  }
0x19f: {  	v56 =	vld [tilespmem:s30+$0x30];
	v10 =	vmul.f32 v10, v6;
	v5 =	vmul.f32 v5, v7  }
0x1a0: {  	v57 =	vld [tilespmem:s30+$0x4030]  }
0x1a1: {  	v58 =	vld [tilespmem:s30+$0x4040];
	v11 =	vmul.f32 v11, v9;
	v5 =	vadd.f32 v5, v10;
	v4 =	vmul.f32 v4, v8  }
0x1a2: {  	v10 =	vld [tilespmem:s30+$0x40]  }
0x1a3: {  	v59 =	vld [tilespmem:s30+$0x4050];
	v60 =	vmul.f32 v55, v3;
	[tilespmem:s30+$0xC000] =	vst v5;
	v4 =	vadd.f32 v4, v11;
	v5 =	vmul.f32 v54, v0  }
0x1a4: {  	v11 =	vld [tilespmem:s30+$0x50]  }
0x1a5: {  	v61 =	vmul.f32 v56, v1;
	v2 =	vmul.f32 v57, v2;
	[tilespmem:s30+$0xC010] =	vst v4;
	v4 =	vld [tilespmem:s30+$0x60];
	v12 =	vadd.f32 v60, v5  }
0x1a6: {  	s31 =	simm.s32 $0x80;
	v5 =	vld [tilespmem:s30+$0x4060]  }
0x1a7: {  	v63 =	vmul.f32 v58, v6;
	v62 =	vadd.f32 v2, v61;
	v1 =	vld [tilespmem:s31+$0x8030];
	v10 =	vmul.f32 v10, v7;
	[tilespmem:s30+$0xC020] =	vst v12  }
0x1a8: {  	v2 =	vld [tilespmem:s31+$0x8070]  }
0x1a9: {  	s0 =	simm.s32 $0x400;
	v9 =	vmul.f32 v59, v9;
	v6 =	vld [tilespmem:s31+$0x70];
	v7 =	vmul.f32 v11, v8;
	[tilespmem:s30+$0xC030] =	vst v62;
	v8 =	vadd.f32 v63, v10  }
.LBB2_10:
0x1aa: {  	p0 =	sne.s32 s0, $0xFE00;
	v10 =	vld [tilespmem:s31+$0x4070];
	v3 =	vmul.f32 v4, v3  }
0x1ab: {  	v11 =	vld [tilespmem:s31+$0x8000];
	[tilespmem:s30+$0xC040] =	vst v8;
	v4 =	vadd.f32 v9, v7;
	v5 =	vmul.f32 v5, v0  }
0x1ac: {  	v9 =	vld [tilespmem:s31+$0x8010]  }
0x1ad: {  	v0 =	vld [tilespmem:s31+$0x8020];
	[tilespmem:s30+$0xC050] =	vst v4;
	v3 =	vadd.f32 v5, v3  }
0x1ae: {  	v5 =	vld [tilespmem:s31+$0x8040]  }
0x1af: {  	v4 =	vmul.f32 v6, v2;
	v7 =	vld [tilespmem:s31+$0x8050];
	v6 =	vmul.f32 v10, v1;
	[tilespmem:s30+$0xC060] =	vst v3;
	s30 =	smov.u32 s31  }
0x1b0: {  	v3 =	vld [tilespmem:s30+$0x8060]  }
0x1b1: {  	v8 =	vld [tilespmem:s30+$0x0];
	v4 =	vadd.f32 v6, v4  }
0x1b2: {  	v6 =	vld [tilespmem:s30+$0x4000]  }
0x1b3: {  	v10 =	vld [tilespmem:s30+$0x10];
	[tilespmem:s30+$0xC070] =	vst v4  }
0x1b4: {  	v4 =	vld [tilespmem:s30+$0x4010]  }
0x1b5: {  	v12 =	vld [tilespmem:s30+$0x20]  }
0x1b6: {  	v8 =	vmul.f32 v8, v11;
	v13 =	vld [tilespmem:s30+$0x4020]  }
0x1b7: {  	v6 =	vmul.f32 v6, v5;
	v14 =	vld [tilespmem:s30+$0x30]  }
0x1b8: {  	v10 =	vmul.f32 v10, v9;
	v15 =	vld [tilespmem:s30+$0x4030]  }
0x1b9: {  	v6 =	vadd.f32 v6, v8;
	v4 =	vmul.f32 v4, v7;
	v8 =	vld [tilespmem:s30+$0x40]  }
0x1ba: {  	v12 =	vmul.f32 v12, v0;
	v16 =	vld [tilespmem:s30+$0x4040]  }
0x1bb: {  	[tilespmem:s30+$0xC000] =	vst v6;
	v4 =	vadd.f32 v4, v10;
	v6 =	vmul.f32 v13, v3;
	v10 =	vld [tilespmem:s30+$0x50]  }
0x1bc: {  	v13 =	vmul.f32 v14, v1;
	v14 =	vld [tilespmem:s30+$0x4050]  }
.Ltmp4:
0x1bd: {  	[tilespmem:s30+$0xC010] =	vst v4;
	v6 =	vadd.f32 v6, v12;
	v2 =	vmul.f32 v15, v2;
	v4 =	vld [tilespmem:s30+$0x60];
	(pc) =	sbr.rel @p0 .LBB2_10-.Ltmp4, $4  }
0x1be: {  	s31 =	sshra.s32 s0, $0x2;
	v8 =	vmul.f32 v8, v5;
	v5 =	vld [tilespmem:s30+$0x4060]  }
0x1bf: {  	v1 =	vld [tilespmem:s31+$0x8030];
	[tilespmem:s30+$0xC020] =	vst v6;
	v12 =	vadd.f32 v2, v13;
	v11 =	vmul.f32 v16, v11  }
0x1c0: {  	v2 =	vld [tilespmem:s31+$0x8070];
	v7 =	vmul.f32 v10, v7  }
0x1c1: {  	s0 =	sadd.s32 $0x200, s0;
	v6 =	vld [tilespmem:s31+$0x70];
	[tilespmem:s30+$0xC030] =	vst v12;
	v8 =	vadd.f32 v11, v8;
	v9 =	vmul.f32 v14, v9  }
0x1c2: {  	v10 =	vld [tilespmem:s31+$0x4070]  }
0x1c3: {  	v11 =	vld [tilespmem:s31+$0x8000];
	v3 =	vmul.f32 v4, v3;
	[tilespmem:s30+$0xC040] =	vst v8;
	v7 =	vadd.f32 v9, v7;
	v0 =	vmul.f32 v5, v0  }
0x1c4: {  	v8 =	vld [tilespmem:s31+$0x8010]  }
0x1c5: {  	v4 =	vld [tilespmem:s31+$0x8020];
	[tilespmem:s30+$0xC050] =	vst v7;
	v0 =	vadd.f32 v0, v3  }
0x1c6: {  	v3 =	vld [tilespmem:s31+$0x8040]  }
0x1c7: {  	v5 =	vld [tilespmem:s31+$0x8050];
	[tilespmem:s30+$0xC060] =	vst v0  }
0x1c8: {  	v7 =	vld [tilespmem:s31+$0x8060]  }
0x1c9: {  	v0 =	vmul.f32 v6, v2;
	v6 =	vmul.f32 v10, v1;
	v9 =	vld [tilespmem:s31+$0x0]  }
0x1ca: {  	v10 =	vld [tilespmem:s31+$0x10]  }
0x1cb: {  	v0 =	vadd.f32 v6, v0;
	v6 =	vld [tilespmem:s31+$0x4000]  }
0x1cc: {  	v12 =	vld [tilespmem:s31+$0x20]  }
0x1cd: {  	[tilespmem:s31+$0xC070] =	vst v0;
	v0 =	vld [tilespmem:s31+$0x4010]  }
0x1ce: {  	v13 =	vld [tilespmem:s31+$0x4020]  }
0x1cf: {  	v14 =	vld [tilespmem:s31+$0x30]  }
0x1d0: {  	v15 =	vld [tilespmem:s31+$0x4030];
	v9 =	vmul.f32 v9, v11;
	v6 =	vmul.f32 v6, v3  }
0x1d1: {  	v16 =	vld [tilespmem:s31+$0x4040]  }
0x1d2: {  	v17 =	vld [tilespmem:s31+$0x4060];
	v10 =	vmul.f32 v10, v8;
	v6 =	vadd.f32 v6, v9;
	v0 =	vmul.f32 v0, v5  }
0x1d3: {  	v9 =	vld [tilespmem:s31+$0x40]  }
0x1d4: {  	[tilespmem:s31+$0xC000] =	vst v6;
	v0 =	vadd.f32 v0, v10;
	v6 =	vld [tilespmem:s31+$0x50]  }
0x1d5: {  	v10 =	vld [tilespmem:s31+$0x4050]  }
0x1d6: {  	[tilespmem:s31+$0xC010] =	vst v0;
	v0 =	vld [tilespmem:s31+$0x60]  }
0x1d7: {  	v12 =	vmul.f32 v12, v4;
	v13 =	vmul.f32 v13, v7  }
0x1d8: {  	v1 =	vmul.f32 v14, v1;
	v2 =	vmul.f32 v15, v2  }
0x1d9: {  	v12 =	vadd.f32 v13, v12;
	v3 =	vmul.f32 v9, v3;
	v9 =	vmul.f32 v16, v11  }
0x1da: {  	v1 =	vadd.f32 v2, v1;
	v2 =	vmul.f32 v6, v5;
	v5 =	vmul.f32 v10, v8  }
0x1db: {  	v4 =	vmul.f32 v17, v4;
	[tilespmem:s31+$0xC020] =	vst v12;
	v3 =	vadd.f32 v9, v3;
	v0 =	vmul.f32 v0, v7  }
0x1dc: {  	[tilespmem:s31+$0xC030] =	vst v1;
	v1 =	vadd.f32 v5, v2  }
0x1dd: {  	[tilespmem:s31+$0xC040] =	vst v3;
	v0 =	vadd.f32 v4, v0  }
0x1de: {  	[tilespmem:s31+$0xC050] =	vst v1  }
0x1df: {  	s0 =	simm.s32 $0x0;
	[tilespmem:s31+$0xC060] =	vst v0  }
0x1e0: {  	[hbm4b:s16+s0] =	stream.linear.scatter [tilespmem:s28], [sflag:$0x1], $0x4000, $0x38;
	[tilespmem:$0x10000] =	vst v63  }
0x1e1: {  	_ =	swait.ge [sflag:s24], $0x4000  }
0x1e2: {  	[sflag:s24] =	ssyncset.done $0x0  }
0x1e3: {  	[sflag:s24] =	ssyncadd.s32 $0xFFFFC000  }
0x1e4: {  	[tilespmem:s26], [sflag:$0x1] =	stream.linear.gather [hbm4b:s17+s0], $0x4000, $0x38;
	[tilespmem:$0x10000] =	vst v63  }
0x1e5: {  	_ =	swait.ge [sflag:s24], $0x4000  }
0x1e6: {  	[sflag:s24] =	ssyncset.done $0x0  }
0x1e7: {  	s30 =	simm.s32 $0x0;
	[sflag:s24] =	ssyncadd.s32 $0xFFFFC000  }
0x1e8: {  	v1 =	vld [tilespmem:s30+$0x8030]  }
0x1e9: {  	v2 =	vld [tilespmem:s30+$0x8070]  }
0x1ea: {  	v3 =	vld [tilespmem:s30+$0x70]  }
0x1eb: {  	v4 =	vld [tilespmem:s30+$0x4070]  }
0x1ec: {  	v6 =	vld [tilespmem:s30+$0x8000]  }
0x1ed: {  	v9 =	vld [tilespmem:s30+$0x8010]  }
0x1ee: {  	v0 =	vld [tilespmem:s30+$0x8020]  }
0x1ef: {  	v7 =	vld [tilespmem:s30+$0x8040]  }
0x1f0: {  	v8 =	vld [tilespmem:s30+$0x8050]  }
0x1f1: {  	v10 =	vld [tilespmem:s30+$0x0];
	v5 =	vmul.f32 v3, v2;
	v4 =	vmul.f32 v4, v1  }
0x1f2: {  	v11 =	vld [tilespmem:s30+$0x10]  }
0x1f3: {  	v4 =	vadd.f32 v4, v5;
	v5 =	vld [tilespmem:s30+$0x4000]  }
0x1f4: {  	v54 =	vld [tilespmem:s30+$0x20]  }
0x1f5: {  	[tilespmem:s30+$0xC070] =	vst v4;
	v4 =	vld [tilespmem:s30+$0x4010]  }
0x1f6: {  	v55 =	vld [tilespmem:s30+$0x4020]  }
0x1f7: {  	v3 =	vld [tilespmem:s30+$0x8060]  }
0x1f8: {  	v56 =	vld [tilespmem:s30+$0x30];
	v10 =	vmul.f32 v10, v6;
	v5 =	vmul.f32 v5, v7  }
0x1f9: {  	v57 =	vld [tilespmem:s30+$0x4030]  }
0x1fa: {  	v58 =	vld [tilespmem:s30+$0x4040];
	v11 =	vmul.f32 v11, v9;
	v5 =	vadd.f32 v5, v10;
	v4 =	vmul.f32 v4, v8  }
0x1fb: {  	v10 =	vld [tilespmem:s30+$0x40]  }
0x1fc: {  	v59 =	vld [tilespmem:s30+$0x4050];
	v60 =	vmul.f32 v55, v3;
	[tilespmem:s30+$0xC000] =	vst v5;
	v4 =	vadd.f32 v4, v11;
	v5 =	vmul.f32 v54, v0  }
0x1fd: {  	v11 =	vld [tilespmem:s30+$0x50]  }
0x1fe: {  	v61 =	vmul.f32 v56, v1;
	v2 =	vmul.f32 v57, v2;
	[tilespmem:s30+$0xC010] =	vst v4;
	v4 =	vld [tilespmem:s30+$0x60];
	v12 =	vadd.f32 v60, v5  }
0x1ff: {  	s31 =	simm.s32 $0x80;
	v5 =	vld [tilespmem:s30+$0x4060]  }
0x200: {  	v63 =	vmul.f32 v58, v6;
	v62 =	vadd.f32 v2, v61;
	v1 =	vld [tilespmem:s31+$0x8030];
	v10 =	vmul.f32 v10, v7;
	[tilespmem:s30+$0xC020] =	vst v12  }
0x201: {  	v2 =	vld [tilespmem:s31+$0x8070]  }
0x202: {  	s0 =	simm.s32 $0x400;
	v9 =	vmul.f32 v59, v9;
	v6 =	vld [tilespmem:s31+$0x70];
	v7 =	vmul.f32 v11, v8;
	[tilespmem:s30+$0xC030] =	vst v62;
	v8 =	vadd.f32 v63, v10  }
.LBB2_12:
0x203: {  	p0 =	sne.s32 s0, $0xFE00;
	v10 =	vld [tilespmem:s31+$0x4070];
	v3 =	vmul.f32 v4, v3  }
0x204: {  	v11 =	vld [tilespmem:s31+$0x8000];
	[tilespmem:s30+$0xC040] =	vst v8;
	v4 =	vadd.f32 v9, v7;
	v5 =	vmul.f32 v5, v0  }
0x205: {  	v9 =	vld [tilespmem:s31+$0x8010]  }
0x206: {  	v0 =	vld [tilespmem:s31+$0x8020];
	[tilespmem:s30+$0xC050] =	vst v4;
	v3 =	vadd.f32 v5, v3  }
0x207: {  	v5 =	vld [tilespmem:s31+$0x8040]  }
0x208: {  	v4 =	vmul.f32 v6, v2;
	v7 =	vld [tilespmem:s31+$0x8050];
	v6 =	vmul.f32 v10, v1;
	[tilespmem:s30+$0xC060] =	vst v3;
	s30 =	smov.u32 s31  }
0x209: {  	v3 =	vld [tilespmem:s30+$0x8060]  }
0x20a: {  	v8 =	vld [tilespmem:s30+$0x0];
	v4 =	vadd.f32 v6, v4  }
0x20b: {  	v6 =	vld [tilespmem:s30+$0x4000]  }
0x20c: {  	v10 =	vld [tilespmem:s30+$0x10];
	[tilespmem:s30+$0xC070] =	vst v4  }
0x20d: {  	v4 =	vld [tilespmem:s30+$0x4010]  }
0x20e: {  	v12 =	vld [tilespmem:s30+$0x20]  }
0x20f: {  	v8 =	vmul.f32 v8, v11;
	v13 =	vld [tilespmem:s30+$0x4020]  }
0x210: {  	v6 =	vmul.f32 v6, v5;
	v14 =	vld [tilespmem:s30+$0x30]  }
0x211: {  	v10 =	vmul.f32 v10, v9;
	v15 =	vld [tilespmem:s30+$0x4030]  }
0x212: {  	v6 =	vadd.f32 v6, v8;
	v4 =	vmul.f32 v4, v7;
	v8 =	vld [tilespmem:s30+$0x40]  }
0x213: {  	v12 =	vmul.f32 v12, v0;
	v16 =	vld [tilespmem:s30+$0x4040]  }
0x214: {  	[tilespmem:s30+$0xC000] =	vst v6;
	v4 =	vadd.f32 v4, v10;
	v6 =	vmul.f32 v13, v3;
	v10 =	vld [tilespmem:s30+$0x50]  }
0x215: {  	v13 =	vmul.f32 v14, v1;
	v14 =	vld [tilespmem:s30+$0x4050]  }
.Ltmp5:
0x216: {  	[tilespmem:s30+$0xC010] =	vst v4;
	v6 =	vadd.f32 v6, v12;
	v2 =	vmul.f32 v15, v2;
	v4 =	vld [tilespmem:s30+$0x60];
	(pc) =	sbr.rel @p0 .LBB2_12-.Ltmp5, $4  }
0x217: {  	s31 =	sshra.s32 s0, $0x2;
	v8 =	vmul.f32 v8, v5;
	v5 =	vld [tilespmem:s30+$0x4060]  }
0x218: {  	v1 =	vld [tilespmem:s31+$0x8030];
	[tilespmem:s30+$0xC020] =	vst v6;
	v12 =	vadd.f32 v2, v13;
	v11 =	vmul.f32 v16, v11  }
0x219: {  	v2 =	vld [tilespmem:s31+$0x8070];
	v7 =	vmul.f32 v10, v7  }
0x21a: {  	s0 =	sadd.s32 $0x200, s0;
	v6 =	vld [tilespmem:s31+$0x70];
	[tilespmem:s30+$0xC030] =	vst v12;
	v8 =	vadd.f32 v11, v8;
	v9 =	vmul.f32 v14, v9  }
0x21b: {  	v10 =	vld [tilespmem:s31+$0x4070]  }
0x21c: {  	v11 =	vld [tilespmem:s31+$0x8000];
	v3 =	vmul.f32 v4, v3;
	[tilespmem:s30+$0xC040] =	vst v8;
	v7 =	vadd.f32 v9, v7;
	v0 =	vmul.f32 v5, v0  }
0x21d: {  	v8 =	vld [tilespmem:s31+$0x8010]  }
0x21e: {  	v4 =	vld [tilespmem:s31+$0x8020];
	[tilespmem:s30+$0xC050] =	vst v7;
	v0 =	vadd.f32 v0, v3  }
0x21f: {  	v3 =	vld [tilespmem:s31+$0x8040]  }
0x220: {  	v5 =	vld [tilespmem:s31+$0x8050];
	[tilespmem:s30+$0xC060] =	vst v0  }
0x221: {  	v7 =	vld [tilespmem:s31+$0x8060]  }
0x222: {  	v0 =	vmul.f32 v6, v2;
	v6 =	vmul.f32 v10, v1;
	v9 =	vld [tilespmem:s31+$0x0]  }
0x223: {  	v10 =	vld [tilespmem:s31+$0x10]  }
0x224: {  	v0 =	vadd.f32 v6, v0;
	v6 =	vld [tilespmem:s31+$0x4000]  }
0x225: {  	v12 =	vld [tilespmem:s31+$0x20]  }
0x226: {  	[tilespmem:s31+$0xC070] =	vst v0;
	v0 =	vld [tilespmem:s31+$0x4010]  }
0x227: {  	v13 =	vld [tilespmem:s31+$0x4020]  }
0x228: {  	v14 =	vld [tilespmem:s31+$0x30]  }
0x229: {  	v15 =	vld [tilespmem:s31+$0x4030];
	v9 =	vmul.f32 v9, v11;
	v6 =	vmul.f32 v6, v3  }
0x22a: {  	v16 =	vld [tilespmem:s31+$0x4040]  }
0x22b: {  	v17 =	vld [tilespmem:s31+$0x4060];
	v10 =	vmul.f32 v10, v8;
	v6 =	vadd.f32 v6, v9;
	v0 =	vmul.f32 v0, v5  }
0x22c: {  	v9 =	vld [tilespmem:s31+$0x40]  }
0x22d: {  	[tilespmem:s31+$0xC000] =	vst v6;
	v0 =	vadd.f32 v0, v10;
	v6 =	vld [tilespmem:s31+$0x50]  }
0x22e: {  	v10 =	vld [tilespmem:s31+$0x4050]  }
0x22f: {  	[tilespmem:s31+$0xC010] =	vst v0;
	v0 =	vld [tilespmem:s31+$0x60]  }
0x230: {  	v12 =	vmul.f32 v12, v4;
	v13 =	vmul.f32 v13, v7  }
0x231: {  	v1 =	vmul.f32 v14, v1;
	v2 =	vmul.f32 v15, v2  }
0x232: {  	v12 =	vadd.f32 v13, v12;
	v3 =	vmul.f32 v9, v3;
	v9 =	vmul.f32 v16, v11  }
0x233: {  	v1 =	vadd.f32 v2, v1;
	v2 =	vmul.f32 v6, v5;
	v5 =	vmul.f32 v10, v8  }
0x234: {  	v4 =	vmul.f32 v17, v4;
	[tilespmem:s31+$0xC020] =	vst v12;
	v3 =	vadd.f32 v9, v3;
	v0 =	vmul.f32 v0, v7  }
0x235: {  	[tilespmem:s31+$0xC030] =	vst v1;
	v1 =	vadd.f32 v5, v2  }
0x236: {  	[tilespmem:s31+$0xC040] =	vst v3;
	v0 =	vadd.f32 v4, v0  }
0x237: {  	[tilespmem:s31+$0xC050] =	vst v1  }
0x238: {  	s0 =	simm.s32 $0x0;
	[tilespmem:s31+$0xC060] =	vst v0  }
0x239: {  	[hbm4b:s18+s0] =	stream.linear.scatter [tilespmem:s28], [sflag:$0x1], $0x4000, $0x38;
	[tilespmem:$0x10000] =	vst v63  }
0x23a: {  	_ =	swait.ge [sflag:s24], $0x4000  }
0x23b: {  	[sflag:s24] =	ssyncset.done $0x0  }
0x23c: {  	[sflag:s24] =	ssyncadd.s32 $0xFFFFC000  }
0x23d: {  	[tilespmem:s26], [sflag:$0x1] =	stream.linear.gather [hbm4b:s19+s0], $0x4000, $0x38;
	[tilespmem:$0x10000] =	vst v63  }
0x23e: {  	_ =	swait.ge [sflag:s24], $0x4000  }
0x23f: {  	[sflag:s24] =	ssyncset.done $0x0  }
0x240: {  	s30 =	simm.s32 $0x0;
	[sflag:s24] =	ssyncadd.s32 $0xFFFFC000  }
0x241: {  	v1 =	vld [tilespmem:s30+$0x8030]  }
0x242: {  	v2 =	vld [tilespmem:s30+$0x8070]  }
0x243: {  	v3 =	vld [tilespmem:s30+$0x70]  }
0x244: {  	v4 =	vld [tilespmem:s30+$0x4070]  }
0x245: {  	v6 =	vld [tilespmem:s30+$0x8000]  }
0x246: {  	v9 =	vld [tilespmem:s30+$0x8010]  }
0x247: {  	v0 =	vld [tilespmem:s30+$0x8020]  }
0x248: {  	v7 =	vld [tilespmem:s30+$0x8040]  }
0x249: {  	v8 =	vld [tilespmem:s30+$0x8050]  }
0x24a: {  	v10 =	vld [tilespmem:s30+$0x0];
	v5 =	vmul.f32 v3, v2;
	v4 =	vmul.f32 v4, v1  }
0x24b: {  	v11 =	vld [tilespmem:s30+$0x10]  }
0x24c: {  	v4 =	vadd.f32 v4, v5;
	v5 =	vld [tilespmem:s30+$0x4000]  }
0x24d: {  	v54 =	vld [tilespmem:s30+$0x20]  }
0x24e: {  	[tilespmem:s30+$0xC070] =	vst v4;
	v4 =	vld [tilespmem:s30+$0x4010]  }
0x24f: {  	v55 =	vld [tilespmem:s30+$0x4020]  }
0x250: {  	v3 =	vld [tilespmem:s30+$0x8060]  }
0x251: {  	v56 =	vld [tilespmem:s30+$0x30];
	v10 =	vmul.f32 v10, v6;
	v5 =	vmul.f32 v5, v7  }
0x252: {  	v57 =	vld [tilespmem:s30+$0x4030]  }
0x253: {  	v58 =	vld [tilespmem:s30+$0x4040];
	v11 =	vmul.f32 v11, v9;
	v5 =	vadd.f32 v5, v10;
	v4 =	vmul.f32 v4, v8  }
0x254: {  	v10 =	vld [tilespmem:s30+$0x40]  }
0x255: {  	v59 =	vld [tilespmem:s30+$0x4050];
	v60 =	vmul.f32 v55, v3;
	[tilespmem:s30+$0xC000] =	vst v5;
	v4 =	vadd.f32 v4, v11;
	v5 =	vmul.f32 v54, v0  }
0x256: {  	v11 =	vld [tilespmem:s30+$0x50]  }
0x257: {  	v61 =	vmul.f32 v56, v1;
	v2 =	vmul.f32 v57, v2;
	[tilespmem:s30+$0xC010] =	vst v4;
	v4 =	vld [tilespmem:s30+$0x60];
	v12 =	vadd.f32 v60, v5  }
0x258: {  	s31 =	simm.s32 $0x80;
	v5 =	vld [tilespmem:s30+$0x4060]  }
0x259: {  	v63 =	vmul.f32 v58, v6;
	v62 =	vadd.f32 v2, v61;
	v1 =	vld [tilespmem:s31+$0x8030];
	v10 =	vmul.f32 v10, v7;
	[tilespmem:s30+$0xC020] =	vst v12  }
0x25a: {  	v2 =	vld [tilespmem:s31+$0x8070]  }
0x25b: {  	s0 =	simm.s32 $0x400;
	v9 =	vmul.f32 v59, v9;
	v6 =	vld [tilespmem:s31+$0x70];
	v7 =	vmul.f32 v11, v8;
	[tilespmem:s30+$0xC030] =	vst v62;
	v8 =	vadd.f32 v63, v10  }
.LBB2_14:
0x25c: {  	p0 =	sne.s32 s0, $0xFE00;
	v10 =	vld [tilespmem:s31+$0x4070];
	v3 =	vmul.f32 v4, v3  }
0x25d: {  	v11 =	vld [tilespmem:s31+$0x8000];
	[tilespmem:s30+$0xC040] =	vst v8;
	v4 =	vadd.f32 v9, v7;
	v5 =	vmul.f32 v5, v0  }
0x25e: {  	v9 =	vld [tilespmem:s31+$0x8010]  }
0x25f: {  	v0 =	vld [tilespmem:s31+$0x8020];
	[tilespmem:s30+$0xC050] =	vst v4;
	v3 =	vadd.f32 v5, v3  }
0x260: {  	v5 =	vld [tilespmem:s31+$0x8040]  }
0x261: {  	v4 =	vmul.f32 v6, v2;
	v7 =	vld [tilespmem:s31+$0x8050];
	v6 =	vmul.f32 v10, v1;
	[tilespmem:s30+$0xC060] =	vst v3;
	s30 =	smov.u32 s31  }
0x262: {  	v3 =	vld [tilespmem:s30+$0x8060]  }
0x263: {  	v8 =	vld [tilespmem:s30+$0x0];
	v4 =	vadd.f32 v6, v4  }
0x264: {  	v6 =	vld [tilespmem:s30+$0x4000]  }
0x265: {  	v10 =	vld [tilespmem:s30+$0x10];
	[tilespmem:s30+$0xC070] =	vst v4  }
0x266: {  	v4 =	vld [tilespmem:s30+$0x4010]  }
0x267: {  	v12 =	vld [tilespmem:s30+$0x20]  }
0x268: {  	v8 =	vmul.f32 v8, v11;
	v13 =	vld [tilespmem:s30+$0x4020]  }
0x269: {  	v6 =	vmul.f32 v6, v5;
	v14 =	vld [tilespmem:s30+$0x30]  }
0x26a: {  	v10 =	vmul.f32 v10, v9;
	v15 =	vld [tilespmem:s30+$0x4030]  }
0x26b: {  	v6 =	vadd.f32 v6, v8;
	v4 =	vmul.f32 v4, v7;
	v8 =	vld [tilespmem:s30+$0x40]  }
0x26c: {  	v12 =	vmul.f32 v12, v0;
	v16 =	vld [tilespmem:s30+$0x4040]  }
0x26d: {  	[tilespmem:s30+$0xC000] =	vst v6;
	v4 =	vadd.f32 v4, v10;
	v6 =	vmul.f32 v13, v3;
	v10 =	vld [tilespmem:s30+$0x50]  }
0x26e: {  	v13 =	vmul.f32 v14, v1;
	v14 =	vld [tilespmem:s30+$0x4050]  }
.Ltmp6:
0x26f: {  	[tilespmem:s30+$0xC010] =	vst v4;
	v6 =	vadd.f32 v6, v12;
	v2 =	vmul.f32 v15, v2;
	v4 =	vld [tilespmem:s30+$0x60];
	(pc) =	sbr.rel @p0 .LBB2_14-.Ltmp6, $4  }
0x270: {  	s31 =	sshra.s32 s0, $0x2;
	v8 =	vmul.f32 v8, v5;
	v5 =	vld [tilespmem:s30+$0x4060]  }
0x271: {  	v1 =	vld [tilespmem:s31+$0x8030];
	[tilespmem:s30+$0xC020] =	vst v6;
	v12 =	vadd.f32 v2, v13;
	v11 =	vmul.f32 v16, v11  }
0x272: {  	v2 =	vld [tilespmem:s31+$0x8070];
	v7 =	vmul.f32 v10, v7  }
0x273: {  	s0 =	sadd.s32 $0x200, s0;
	v6 =	vld [tilespmem:s31+$0x70];
	[tilespmem:s30+$0xC030] =	vst v12;
	v8 =	vadd.f32 v11, v8;
	v9 =	vmul.f32 v14, v9  }
0x274: {  	v10 =	vld [tilespmem:s31+$0x4070]  }
0x275: {  	v11 =	vld [tilespmem:s31+$0x8000];
	v3 =	vmul.f32 v4, v3;
	[tilespmem:s30+$0xC040] =	vst v8;
	v7 =	vadd.f32 v9, v7;
	v0 =	vmul.f32 v5, v0  }
0x276: {  	v8 =	vld [tilespmem:s31+$0x8010]  }
0x277: {  	v4 =	vld [tilespmem:s31+$0x8020];
	[tilespmem:s30+$0xC050] =	vst v7;
	v0 =	vadd.f32 v0, v3  }
0x278: {  	v3 =	vld [tilespmem:s31+$0x8040]  }
0x279: {  	v5 =	vld [tilespmem:s31+$0x8050];
	[tilespmem:s30+$0xC060] =	vst v0  }
0x27a: {  	v7 =	vld [tilespmem:s31+$0x8060]  }
0x27b: {  	v0 =	vmul.f32 v6, v2;
	v6 =	vmul.f32 v10, v1;
	v9 =	vld [tilespmem:s31+$0x0]  }
0x27c: {  	v10 =	vld [tilespmem:s31+$0x10]  }
0x27d: {  	v0 =	vadd.f32 v6, v0;
	v6 =	vld [tilespmem:s31+$0x4000]  }
0x27e: {  	v12 =	vld [tilespmem:s31+$0x20]  }
0x27f: {  	[tilespmem:s31+$0xC070] =	vst v0;
	v0 =	vld [tilespmem:s31+$0x4010]  }
0x280: {  	v13 =	vld [tilespmem:s31+$0x4020]  }
0x281: {  	v14 =	vld [tilespmem:s31+$0x30]  }
0x282: {  	v15 =	vld [tilespmem:s31+$0x4030];
	v9 =	vmul.f32 v9, v11;
	v6 =	vmul.f32 v6, v3  }
0x283: {  	v16 =	vld [tilespmem:s31+$0x4040]  }
0x284: {  	v17 =	vld [tilespmem:s31+$0x4060];
	v10 =	vmul.f32 v10, v8;
	v6 =	vadd.f32 v6, v9;
	v0 =	vmul.f32 v0, v5  }
0x285: {  	v9 =	vld [tilespmem:s31+$0x40]  }
0x286: {  	[tilespmem:s31+$0xC000] =	vst v6;
	v0 =	vadd.f32 v0, v10;
	v6 =	vld [tilespmem:s31+$0x50]  }
0x287: {  	v10 =	vld [tilespmem:s31+$0x4050]  }
0x288: {  	[tilespmem:s31+$0xC010] =	vst v0;
	v0 =	vld [tilespmem:s31+$0x60]  }
0x289: {  	v12 =	vmul.f32 v12, v4;
	v13 =	vmul.f32 v13, v7  }
0x28a: {  	v1 =	vmul.f32 v14, v1;
	v2 =	vmul.f32 v15, v2  }
0x28b: {  	v12 =	vadd.f32 v13, v12;
	v3 =	vmul.f32 v9, v3;
	v9 =	vmul.f32 v16, v11  }
0x28c: {  	v1 =	vadd.f32 v2, v1;
	v2 =	vmul.f32 v6, v5;
	v5 =	vmul.f32 v10, v8  }
0x28d: {  	v4 =	vmul.f32 v17, v4;
	[tilespmem:s31+$0xC020] =	vst v12;
	v3 =	vadd.f32 v9, v3;
	v0 =	vmul.f32 v0, v7  }
0x28e: {  	[tilespmem:s31+$0xC030] =	vst v1;
	v1 =	vadd.f32 v5, v2  }
0x28f: {  	[tilespmem:s31+$0xC040] =	vst v3;
	v0 =	vadd.f32 v4, v0  }
0x290: {  	[tilespmem:s31+$0xC050] =	vst v1  }
0x291: {  	s0 =	simm.s32 $0x0;
	[tilespmem:s31+$0xC060] =	vst v0  }
0x292: {  	[hbm4b:s20+s0] =	stream.linear.scatter [tilespmem:s28], [sflag:$0x1], $0x4000, $0x38;
	[tilespmem:$0x10000] =	vst v63  }
0x293: {  	_ =	swait.ge [sflag:s24], $0x4000  }
0x294: {  	[sflag:s24] =	ssyncset.done $0x0  }
0x295: {  	[sflag:s24] =	ssyncadd.s32 $0xFFFFC000  }
0x296: {  	[tilespmem:s26], [sflag:$0x1] =	stream.linear.gather [hbm4b:s21+s0], $0x4000, $0x38;
	[tilespmem:$0x10000] =	vst v63  }
0x297: {  	_ =	swait.ge [sflag:s24], $0x4000  }
0x298: {  	[sflag:s24] =	ssyncset.done $0x0  }
0x299: {  	s30 =	simm.s32 $0x0;
	[sflag:s24] =	ssyncadd.s32 $0xFFFFC000  }
0x29a: {  	v1 =	vld [tilespmem:s30+$0x8030]  }
0x29b: {  	v2 =	vld [tilespmem:s30+$0x8070]  }
0x29c: {  	v3 =	vld [tilespmem:s30+$0x70]  }
0x29d: {  	v4 =	vld [tilespmem:s30+$0x4070]  }
0x29e: {  	v6 =	vld [tilespmem:s30+$0x8000]  }
0x29f: {  	v9 =	vld [tilespmem:s30+$0x8010]  }
0x2a0: {  	v0 =	vld [tilespmem:s30+$0x8020]  }
0x2a1: {  	v7 =	vld [tilespmem:s30+$0x8040]  }
0x2a2: {  	v8 =	vld [tilespmem:s30+$0x8050]  }
0x2a3: {  	v10 =	vld [tilespmem:s30+$0x0];
	v5 =	vmul.f32 v3, v2;
	v4 =	vmul.f32 v4, v1  }
0x2a4: {  	v11 =	vld [tilespmem:s30+$0x10]  }
0x2a5: {  	v4 =	vadd.f32 v4, v5;
	v5 =	vld [tilespmem:s30+$0x4000]  }
0x2a6: {  	v54 =	vld [tilespmem:s30+$0x20]  }
0x2a7: {  	[tilespmem:s30+$0xC070] =	vst v4;
	v4 =	vld [tilespmem:s30+$0x4010]  }
0x2a8: {  	v55 =	vld [tilespmem:s30+$0x4020]  }
0x2a9: {  	v3 =	vld [tilespmem:s30+$0x8060]  }
0x2aa: {  	v56 =	vld [tilespmem:s30+$0x30];
	v10 =	vmul.f32 v10, v6;
	v5 =	vmul.f32 v5, v7  }
0x2ab: {  	v57 =	vld [tilespmem:s30+$0x4030]  }
0x2ac: {  	v58 =	vld [tilespmem:s30+$0x4040];
	v11 =	vmul.f32 v11, v9;
	v5 =	vadd.f32 v5, v10;
	v4 =	vmul.f32 v4, v8  }
0x2ad: {  	v10 =	vld [tilespmem:s30+$0x40]  }
0x2ae: {  	v59 =	vld [tilespmem:s30+$0x4050];
	v60 =	vmul.f32 v55, v3;
	[tilespmem:s30+$0xC000] =	vst v5;
	v4 =	vadd.f32 v4, v11;
	v5 =	vmul.f32 v54, v0  }
0x2af: {  	v11 =	vld [tilespmem:s30+$0x50]  }
0x2b0: {  	v61 =	vmul.f32 v56, v1;
	v2 =	vmul.f32 v57, v2;
	[tilespmem:s30+$0xC010] =	vst v4;
	v4 =	vld [tilespmem:s30+$0x60];
	v12 =	vadd.f32 v60, v5  }
0x2b1: {  	s31 =	simm.s32 $0x80;
	v5 =	vld [tilespmem:s30+$0x4060]  }
0x2b2: {  	v63 =	vmul.f32 v58, v6;
	v62 =	vadd.f32 v2, v61;
	v1 =	vld [tilespmem:s31+$0x8030];
	v10 =	vmul.f32 v10, v7;
	[tilespmem:s30+$0xC020] =	vst v12  }
0x2b3: {  	v2 =	vld [tilespmem:s31+$0x8070]  }
0x2b4: {  	s0 =	simm.s32 $0x400;
	v9 =	vmul.f32 v59, v9;
	v6 =	vld [tilespmem:s31+$0x70];
	v7 =	vmul.f32 v11, v8;
	[tilespmem:s30+$0xC030] =	vst v62;
	v8 =	vadd.f32 v63, v10  }
.LBB2_16:
0x2b5: {  	p0 =	sne.s32 s0, $0xFE00;
	v10 =	vld [tilespmem:s31+$0x4070];
	v3 =	vmul.f32 v4, v3  }
0x2b6: {  	v11 =	vld [tilespmem:s31+$0x8000];
	[tilespmem:s30+$0xC040] =	vst v8;
	v4 =	vadd.f32 v9, v7;
	v5 =	vmul.f32 v5, v0  }
0x2b7: {  	v9 =	vld [tilespmem:s31+$0x8010]  }
0x2b8: {  	v0 =	vld [tilespmem:s31+$0x8020];
	[tilespmem:s30+$0xC050] =	vst v4;
	v3 =	vadd.f32 v5, v3  }
0x2b9: {  	v5 =	vld [tilespmem:s31+$0x8040]  }
0x2ba: {  	v4 =	vmul.f32 v6, v2;
	v7 =	vld [tilespmem:s31+$0x8050];
	v6 =	vmul.f32 v10, v1;
	[tilespmem:s30+$0xC060] =	vst v3;
	s30 =	smov.u32 s31  }
0x2bb: {  	v3 =	vld [tilespmem:s30+$0x8060]  }
0x2bc: {  	v8 =	vld [tilespmem:s30+$0x0];
	v4 =	vadd.f32 v6, v4  }
0x2bd: {  	v6 =	vld [tilespmem:s30+$0x4000]  }
0x2be: {  	v10 =	vld [tilespmem:s30+$0x10];
	[tilespmem:s30+$0xC070] =	vst v4  }
0x2bf: {  	v4 =	vld [tilespmem:s30+$0x4010]  }
0x2c0: {  	v12 =	vld [tilespmem:s30+$0x20]  }
0x2c1: {  	v8 =	vmul.f32 v8, v11;
	v13 =	vld [tilespmem:s30+$0x4020]  }
0x2c2: {  	v6 =	vmul.f32 v6, v5;
	v14 =	vld [tilespmem:s30+$0x30]  }
0x2c3: {  	v10 =	vmul.f32 v10, v9;
	v15 =	vld [tilespmem:s30+$0x4030]  }
0x2c4: {  	v6 =	vadd.f32 v6, v8;
	v4 =	vmul.f32 v4, v7;
	v8 =	vld [tilespmem:s30+$0x40]  }
0x2c5: {  	v12 =	vmul.f32 v12, v0;
	v16 =	vld [tilespmem:s30+$0x4040]  }
0x2c6: {  	[tilespmem:s30+$0xC000] =	vst v6;
	v4 =	vadd.f32 v4, v10;
	v6 =	vmul.f32 v13, v3;
	v10 =	vld [tilespmem:s30+$0x50]  }
0x2c7: {  	v13 =	vmul.f32 v14, v1;
	v14 =	vld [tilespmem:s30+$0x4050]  }
.Ltmp7:
0x2c8: {  	[tilespmem:s30+$0xC010] =	vst v4;
	v6 =	vadd.f32 v6, v12;
	v2 =	vmul.f32 v15, v2;
	v4 =	vld [tilespmem:s30+$0x60];
	(pc) =	sbr.rel @p0 .LBB2_16-.Ltmp7, $4  }
0x2c9: {  	s31 =	sshra.s32 s0, $0x2;
	v8 =	vmul.f32 v8, v5;
	v5 =	vld [tilespmem:s30+$0x4060]  }
0x2ca: {  	v1 =	vld [tilespmem:s31+$0x8030];
	[tilespmem:s30+$0xC020] =	vst v6;
	v12 =	vadd.f32 v2, v13;
	v11 =	vmul.f32 v16, v11  }
0x2cb: {  	v2 =	vld [tilespmem:s31+$0x8070];
	v7 =	vmul.f32 v10, v7  }
0x2cc: {  	s0 =	sadd.s32 $0x200, s0;
	v6 =	vld [tilespmem:s31+$0x70];
	[tilespmem:s30+$0xC030] =	vst v12;
	v8 =	vadd.f32 v11, v8;
	v9 =	vmul.f32 v14, v9  }
0x2cd: {  	v10 =	vld [tilespmem:s31+$0x4070]  }
0x2ce: {  	v11 =	vld [tilespmem:s31+$0x8000];
	v3 =	vmul.f32 v4, v3;
	[tilespmem:s30+$0xC040] =	vst v8;
	v7 =	vadd.f32 v9, v7;
	v0 =	vmul.f32 v5, v0  }
0x2cf: {  	v8 =	vld [tilespmem:s31+$0x8010]  }
0x2d0: {  	v45 =	vld [tilespmem:s31+$0x8020];
	[tilespmem:s30+$0xC050] =	vst v7;
	v0 =	vadd.f32 v0, v3  }
0x2d1: {  	v46 =	vld [tilespmem:s31+$0x8040]  }
0x2d2: {  	v47 =	vld [tilespmem:s31+$0x8050];
	[tilespmem:s30+$0xC060] =	vst v0  }
0x2d3: {  	v7 =	vld [tilespmem:s31+$0x8060]  }
0x2d4: {  	v50 =	vld [tilespmem:s31+$0x0]  }
0x2d5: {  	v51 =	vld [tilespmem:s31+$0x4000]  }
0x2d6: {  	v52 =	vld [tilespmem:s31+$0x10]  }
0x2d7: {  	v53 =	vld [tilespmem:s31+$0x4010]  }
0x2d8: {  	v12 =	vld [tilespmem:s31+$0x20]  }
0x2d9: {  	v13 =	vld [tilespmem:s31+$0x4020]  }
0x2da: {  	v14 =	vld [tilespmem:s31+$0x30]  }
0x2db: {  	v15 =	vld [tilespmem:s31+$0x4030]  }
0x2dc: {  	v54 =	vld [tilespmem:s31+$0x40]  }
0x2dd: {  	v48 =	vmul.f32 v6, v2;
	v49 =	vmul.f32 v10, v1;
	v16 =	vld [tilespmem:s31+$0x4040]  }
0x2de: {  	v55 =	vld [tilespmem:s31+$0x50]  }
0x2df: {  	v56 =	vld [tilespmem:s31+$0x4050];
	v0 =	vadd.f32 v49, v48  }
0x2e0: {  	v57 =	vld [tilespmem:s31+$0x60];
	v9 =	vmul.f32 v50, v11;
	v6 =	vmul.f32 v51, v46  }
0x2e1: {  	v17 =	vld [tilespmem:s31+$0x4060];
	[tilespmem:s31+$0xC070] =	vst v0;
	v10 =	vmul.f32 v52, v8;
	v0 =	vmul.f32 v53, v47  }
0x2e2: {  	v12 =	vmul.f32 v12, v45;
	v13 =	vmul.f32 v13, v7;
	v6 =	vadd.f32 v6, v9  }
0x2e3: {  	v58 =	vmul.f32 v14, v1;
	v59 =	vmul.f32 v15, v2;
	v0 =	vadd.f32 v0, v10  }
0x2e4: {  	v3 =	vmul.f32 v54, v46;
	v60 =	vmul.f32 v16, v11;
	v12 =	vadd.f32 v13, v12;
	[tilespmem:s31+$0xC000] =	vst v6  }
0x2e5: {  	v61 =	vmul.f32 v55, v47;
	v62 =	vmul.f32 v56, v8;
	v1 =	vadd.f32 v59, v58;
	[tilespmem:s31+$0xC010] =	vst v0  }
0x2e6: {  	v4 =	vmul.f32 v17, v45;
	v3 =	vadd.f32 v60, v3;
	[tilespmem:s31+$0xC020] =	vst v12;
	v0 =	vmul.f32 v57, v7  }
0x2e7: {  	v63 =	vadd.f32 v62, v61;
	[tilespmem:s31+$0xC030] =	vst v1  }
0x2e8: {  	s29 =	sadd.s32 $0x1, s29;
	[tilespmem:s31+$0xC040] =	vst v3;
	v0 =	vadd.f32 v4, v0  }
0x2e9: {  	p0 =	sne.s32 s29, s23;
	[tilespmem:s31+$0xC050] =	vst v63  }
.Ltmp8:
0x2ea: {  	[tilespmem:s31+$0xC060] =	vst v0;
	(pc) =	sbr.rel @p0 .LBB2_1-.Ltmp8, $4  }
0x2eb: {  	[hbm4b:s22+s2] =	stream.linear.scatter [tilespmem:s28], [sflag:$0x1], $0x4000, $0x38;
	[tilespmem:$0x10000] =	vst v63  }
0x2ec: {  	_ =	swait.ge [sflag:s24], $0x4000  }
0x2ed: {  	[sflag:s24] =	ssyncset.done $0x0  }
0x2ee: {  	[sflag:s24] =	ssyncadd.s32 $0xFFFFC000  }
0x2ef: {  	_ =	sfence.sel $0x180000  }
0x2f0: {  	[bflag:$0x0] =	sbarrier.arrive $0xFFFF  }
0x2f1: {  	_ =	strace $0x90000047  }
0x2f2: {  	[bflag:$0x2] =	sbarrier.arrive $0xFFFF  }
0x2f3: {  	p0 =	sne.s32 s1, $0x0;
	s0 =	rddreg [dreg:$0x3]  }
0x2f4: {  	s0 =	sadd.s32 @!p0 $0x100000, s0  }
0x2f5: {  	[sflag:s0] =	ssyncadd.tile.s32 @!p0 $0x1;
	_ =	shalt  }
.Lfunc_end2:
_tile_overlayer_lowered:
.L_overlay_start_2:
0x2f6: {  	(tag) =	ssettag $0x2  }
0x2f7: {  	s0 =	rddreg [dreg:$0x0];
	s2 =	stileid.u32  }
0x2f8: {  	s1 =	rddreg [dreg:$0x1];
	p0 =	sne.s32 s2, $0x0  }
0x2f9: {  	s3 =	rddreg [dreg:$0x2];
	[bflag:$0x3] =	sbarrier.arrive $0xFFFF;
	s2 =	simm.s32 @!p0 $0x1C01  }
0x2fa: {  	[timem:s3], [sflag:s2] =	dma.local @!p0 [hbm:s0], s1  }
0x2fb: {  	s0 =	simm.s32 @!p0 $0x1  }
0x2fc: {  	_ =	swait.ge @!p0 [sflag:s0], s1  }
0x2fd: {  	s1 =	ssub.s32 @!p0 $0x0, s1;
	[sflag:s0] =	ssyncset.done @!p0 $0x0  }
0x2fe: {  	[sflag:s0] =	ssyncadd.s32 @!p0 s1  }
0x2ff: {  	[bflag:$0x3] =	sbarrier.arrive $0xFFFF  }
0x300: {  	_ =	shalt  }

</sc_bundles>
